<compile_context>
chip_gen: v7x
topology: tpu7x:2x2x1
jax: 0.10.2.dev20260603
libtpu: 0.0.44.dev20260713+nightly
codegen_flags: <defaults>
</compile_context>

<pallas_src>
import functools

import jax
import jax.numpy as jnp
from jax import lax
from jax.experimental import pallas as pl
from jax.experimental.pallas import tpu as pltpu
from jax.experimental.pallas import tpu_sc as plsc

N = 10000
E = 320000
BN_EPS = 1e-5

NC = 2
NS = 16
NW = NC * NS
EPW = E // NW
CHUNK = 125
NCH = EPW // CHUNK
RPT = 624
TAIL = N - NS * RPT
TAIL_OFF = NS * RPT
DEGW = 8
NBUF = 8

_MESH = plsc.VectorSubcoreMesh(core_axis_name="c", subcore_axis_name="s")


def _worker(core, sub):
    return sub * NC + core


def _each_tile_slab(s, fn):
    fn(pl.multiple_of(s * RPT, 8), RPT)

    @pl.when(s == NS - 1)
    def _():
        fn(TAIL_OFF, TAIL)


def _deg_body(ei_hbm, ones_hbm, zeros_hbm, out_hbm, dst_v, ones_v, deg_sp,
              sem):
    c = lax.axis_index("c")
    s = lax.axis_index("s")
    wid = _worker(c, s)
    _each_tile_slab(s, lambda o, n: pltpu.sync_copy(
        zeros_hbm.at[pl.ds(o, n)], deg_sp.at[pl.ds(o, n)]))
    pltpu.sync_copy(ones_hbm, ones_v)
    pltpu.sync_copy(ei_hbm.at[1, pl.ds(wid * NCH, NCH)], dst_v)
    plsc.subcore_barrier()

    def body(i, carry):
        pltpu.sync_copy(ones_v, deg_sp.at[dst_v.at[i]], add=True)
        return carry

    lax.fori_loop(0, NCH, body, 0)
    plsc.subcore_barrier()
    _each_tile_slab(s, lambda o, n: pltpu.sync_copy(
        deg_sp.at[pl.ds(o, n)], out_hbm.at[c, pl.ds(o, n)]))


def _deg_kernel(ei3, ones, zeros):
    return pl.kernel(
        _deg_body,
        out_type=jax.ShapeDtypeStruct((NC, N, DEGW), jnp.float32),
        mesh=_MESH,
        compiler_params=pltpu.CompilerParams(use_tc_tiling_on_sc=False),
        scratch_types=[
            pltpu.VMEM((NCH, CHUNK), jnp.int32),
            pltpu.VMEM((CHUNK, DEGW), jnp.float32),
            pltpu.VMEM_SHARED((N, DEGW), jnp.float32),
            pltpu.SemaphoreType.DMA,
        ],
    )(ei3, ones, zeros)


def _agg_body(d, y_hbm, ei_hbm, zeros_hbm, out_hbm, src_v, dst_v,
              *bufs_and_sems):
    bufs = bufs_and_sems[:NBUF]
    acc_sp = bufs_and_sems[NBUF]
    gsems = bufs_and_sems[NBUF + 1:2 * NBUF + 1]
    ssems = bufs_and_sems[2 * NBUF + 1:]
    c = lax.axis_index("c")
    s = lax.axis_index("s")
    wid = _worker(c, s)
    @pl.when(c == 0)
    def _():
        _each_tile_slab(s, lambda o, n: pltpu.sync_copy(
            y_hbm.at[pl.ds(o, n)], acc_sp.at[pl.ds(o, n)]))

    @pl.when(c != 0)
    def _():
        _each_tile_slab(s, lambda o, n: pltpu.sync_copy(
            zeros_hbm.at[pl.ds(o, n)], acc_sp.at[pl.ds(o, n)]))

    pltpu.sync_copy(ei_hbm.at[0, pl.ds(wid * NCH, NCH)], src_v)
    pltpu.sync_copy(ei_hbm.at[1, pl.ds(wid * NCH, NCH)], dst_v)
    plsc.subcore_barrier()

    for k in range(NBUF):
        pltpu.async_copy(y_hbm.at[src_v.at[k]], bufs[k], gsems[k])

    def body(j, carry):
        i = NBUF * j
        for k in range(NBUF):
            pltpu.make_async_copy(y_hbm.at[src_v.at[0]], bufs[k],
                                  gsems[k]).wait()
            pltpu.async_copy(bufs[k], acc_sp.at[dst_v.at[i + k]], ssems[k],
                             add=True)
        for k in range(NBUF):
            @pl.when(i + NBUF + k < NCH)
            def _(k=k):
                pltpu.make_async_copy(bufs[k], acc_sp.at[dst_v.at[0]],
                                      ssems[k]).wait()
                pltpu.async_copy(y_hbm.at[src_v.at[i + NBUF + k]], bufs[k],
                                 gsems[k])
        return carry

    lax.fori_loop(0, NCH // NBUF, body, 0)
    for k in range(NBUF):
        pltpu.make_async_copy(bufs[k], acc_sp.at[dst_v.at[0]],
                              ssems[k]).wait()
    plsc.subcore_barrier()
    _each_tile_slab(s, lambda o, n: pltpu.sync_copy(
        acc_sp.at[pl.ds(o, n)], out_hbm.at[c, pl.ds(o, n), pl.ds(0, d)]))


def _agg_kernel(y, ei3, zeros, d):
    return pl.kernel(
        functools.partial(_agg_body, d),
        out_type=jax.ShapeDtypeStruct((NC, N, 128), jnp.float32),
        mesh=_MESH,
        compiler_params=pltpu.CompilerParams(use_tc_tiling_on_sc=False),
        scratch_types=[
            pltpu.VMEM((NCH, CHUNK), jnp.int32),
            pltpu.VMEM((NCH, CHUNK), jnp.int32),
        ] + [pltpu.VMEM((CHUNK, d), jnp.float32) for _ in range(NBUF)] + [
            pltpu.VMEM_SHARED((N, d), jnp.float32),
        ] + [pltpu.SemaphoreType.DMA for _ in range(2 * NBUF)],
    )(y, ei3, zeros)


def _xw_body(x_ref, w1_ref, xw_ref):
    xw_ref[...] = lax.dot_general(x_ref[...], w1_ref[...],
                                  (((1,), (1,)), ((), ())),
                                  preferred_element_type=jnp.float32)


def _scale_body(xw_ref, degp_ref, y1_ref, dis_ref):
    deg = degp_ref[0, :, 0:1] + degp_ref[1, :, 0:1] + 1.0
    dis = lax.rsqrt(deg)
    y1_ref[...] = xw_ref[...] * dis
    dis_ref[...] = dis


def _tc2_body(aggp_ref, dis_ref, w2_ref, b1_ref, g1s_ref, be1_ref,
              y2_ref):
    dis = dis_ref[...]
    a = (aggp_ref[0, :, 0:64] + aggp_ref[1, :, 0:64]) * dis + b1_ref[...]
    h1 = jnp.maximum(a * g1s_ref[...] + be1_ref[...], 0.0)
    y2_ref[...] = lax.dot_general(h1, w2_ref[...], (((1,), (1,)), ((), ())),
                                  preferred_element_type=jnp.float32) * dis


def _tc3_body(aggp_ref, dis_ref, fcw_ref, b2_ref, g2s_ref, be2_ref,
              fcb_ref, out_ref):
    a = (aggp_ref[0, :, 0:32] + aggp_ref[1, :, 0:32]) * dis_ref[...] \
        + b2_ref[...]
    h2 = jnp.maximum(a * g2s_ref[...] + be2_ref[...], 0.0)
    out_ref[...] = jnp.sum(h2 * fcw_ref[...], axis=1, keepdims=True) \
        + fcb_ref[...]


def _tc_call(body, out_shapes):
    return pl.pallas_call(body, out_shape=out_shapes)


@jax.jit
def _run(x, edge_index, W1, b1, g1, be1, W2, b2, g2, be2, fcW, fcb):
    ei3 = edge_index.reshape(2, E // CHUNK, CHUNK)
    ones = jnp.ones((CHUNK, DEGW), jnp.float32)
    z8 = jnp.zeros((N, DEGW), jnp.float32)
    z64 = jnp.zeros((N, 64), jnp.float32)
    z32 = jnp.zeros((N, 32), jnp.float32)
    bn_s = 1.0 / jnp.sqrt(1.0 + BN_EPS)
    g1s = (g1 * bn_s).reshape(1, 64)
    g2s = (g2 * bn_s).reshape(1, 32)

    xw = _tc_call(_xw_body, jax.ShapeDtypeStruct((N, 64), jnp.float32))(x, W1)
    degp = _deg_kernel(ei3, ones, z8)

    y1, dis = _tc_call(_scale_body, (
        jax.ShapeDtypeStruct((N, 64), jnp.float32),
        jax.ShapeDtypeStruct((N, 1), jnp.float32),
    ))(xw, degp)

    agg1p = _agg_kernel(y1, ei3, z64, 64)

    y2 = _tc_call(_tc2_body, jax.ShapeDtypeStruct((N, 32), jnp.float32))(
        agg1p, dis, W2, b1.reshape(1, 64), g1s, be1.reshape(1, 64))

    agg2p = _agg_kernel(y2, ei3, z32, 32)

    out = _tc_call(_tc3_body, jax.ShapeDtypeStruct((N, 1), jnp.float32))(
        agg2p, dis, fcW, b2.reshape(1, 32), g2s, be2.reshape(1, 32),
        fcb.reshape(1, 1))
    return out


def kernel(x, edge_index, W1, b1, g1, be1, W2, b2, g2, be2, fcW, fcb):
    return _run(x, edge_index, W1, b1, g1, be1, W2, b2, g2, be2, fcW, fcb)

# --- scband reference (transcript-rebuilt; emitter-appended) ---
"""Pipeline reference for scband-bangalore-gcn-83193516524092 (READ-ONLY COPY).

The authoritative reference and input builder live on the scoring server;
editing this copy changes nothing except your own understanding.
"""

import jax, jax.numpy as jnp
import numpy as np

N = 10000
E = 320000
IN = 128
H = 64
H2 = 32
OUT = 1
BN_EPS = 1e-5


def gcn_conv(x, edge_index, W, b):
    # Faithful PyG GCNConv: add self-loops, symmetric normalization, scatter-add aggregate, then bias.
    n = x.shape[0]
    loop = jnp.arange(n, dtype=edge_index.dtype)
    src = jnp.concatenate([edge_index[0], loop])
    dst = jnp.concatenate([edge_index[1], loop])
    deg = jnp.zeros((n,), x.dtype).at[dst].add(1.0)
    deg_inv_sqrt = jnp.where(deg > 0, deg ** -0.5, 0.0)
    norm = deg_inv_sqrt[src] * deg_inv_sqrt[dst]
    xw = x @ W.T
    msg = xw[src] * norm[:, None]
    out = jnp.zeros((n, W.shape[0]), x.dtype).at[dst].add(msg)
    return out + b


def batch_norm_eval(x, gamma, beta):
    # BatchNorm1d in eval mode with fresh running stats (mean=0, var=1).
    return (x / jnp.sqrt(1.0 + BN_EPS)) * gamma + beta


def setup_inputs(seed: int = 0) -> dict:
    key = jax.random.key(seed)
    ks = jax.random.split(key, 8)
    x = jax.random.normal(ks[0], (N, IN), dtype=jnp.float32)
    edge_index = jax.random.randint(ks[1], (2, E), 0, N, dtype=jnp.int32)
    W1 = jax.random.normal(ks[2], (H, IN), dtype=jnp.float32) * (1.0 / np.sqrt(IN))
    b1 = jnp.zeros((H,), jnp.float32)
    g1 = jnp.ones((H,), jnp.float32)
    be1 = jnp.zeros((H,), jnp.float32)
    W2 = jax.random.normal(ks[3], (H2, H), dtype=jnp.float32) * (1.0 / np.sqrt(H))
    b2 = jnp.zeros((H2,), jnp.float32)
    g2 = jnp.ones((H2,), jnp.float32)
    be2 = jnp.zeros((H2,), jnp.float32)
    fcW = jax.random.normal(ks[4], (OUT, H2), dtype=jnp.float32) * (1.0 / np.sqrt(H2))
    fcb = jnp.zeros((OUT,), jnp.float32)
    return {"x": x, "edge_index": edge_index, "W1": W1, "b1": b1, "g1": g1, "be1": be1, "W2": W2, "b2": b2, "g2": g2, "be2": be2, "fcW": fcW, "fcb": fcb}


def reference(x, edge_index, W1, b1, g1, be1, W2, b2, g2, be2, fcW, fcb):
    h = gcn_conv(x, edge_index, W1, b1)
    h = batch_norm_eval(h, g1, be1)
    h = jax.nn.relu(h)
    # dropout is identity in eval mode
    h = gcn_conv(h, edge_index, W2, b2)
    h = batch_norm_eval(h, g2, be2)
    h = jax.nn.relu(h)
    return h @ fcW.T + fcb

if __name__ == "__main__":
    import jax
    _d = setup_inputs()
    print(jax.jit(kernel)(*tuple(_d.values())))

</pallas_src>

<mosaic_0001>
#map = affine_map<(d0, d1) -> (0, 0)>
#map1 = affine_map<(d0, d1) -> (0, 0, 0)>
module attributes {stable_mosaic.version = 14 : i64} {
  func.func @_agg_body(%arg0: i32, %arg1: i32, %arg2: memref<10000x64xf32, #tpu.memory_space<hbm>>, %arg3: memref<2x2560x125xi32, #tpu.memory_space<hbm>>, %arg4: memref<10000x64xf32, #tpu.memory_space<hbm>>, %arg5: memref<2x10000x128xf32, #tpu.memory_space<hbm>>, %arg6: memref<80x125xi32, #tpu.memory_space<vmem>>, %arg7: memref<80x125xi32, #tpu.memory_space<vmem>>, %arg8: memref<125x64xf32, #tpu.memory_space<vmem>>, %arg9: memref<125x64xf32, #tpu.memory_space<vmem>>, %arg10: memref<125x64xf32, #tpu.memory_space<vmem>>, %arg11: memref<125x64xf32, #tpu.memory_space<vmem>>, %arg12: memref<125x64xf32, #tpu.memory_space<vmem>>, %arg13: memref<125x64xf32, #tpu.memory_space<vmem>>, %arg14: memref<125x64xf32, #tpu.memory_space<vmem>>, %arg15: memref<125x64xf32, #tpu.memory_space<vmem>>, %arg16: memref<10000x64xf32, #tpu.memory_space<vmem_shared>>, %arg17: memref<!tpu.dma_semaphore, #tpu.memory_space<semaphore_mem>>, %arg18: memref<!tpu.dma_semaphore, #tpu.memory_space<semaphore_mem>>, %arg19: memref<!tpu.dma_semaphore, #tpu.memory_space<semaphore_mem>>, %arg20: memref<!tpu.dma_semaphore, #tpu.memory_space<semaphore_mem>>, %arg21: memref<!tpu.dma_semaphore, #tpu.memory_space<semaphore_mem>>, %arg22: memref<!tpu.dma_semaphore, #tpu.memory_space<semaphore_mem>>, %arg23: memref<!tpu.dma_semaphore, #tpu.memory_space<semaphore_mem>>, %arg24: memref<!tpu.dma_semaphore, #tpu.memory_space<semaphore_mem>>, %arg25: memref<!tpu.dma_semaphore, #tpu.memory_space<semaphore_mem>>, %arg26: memref<!tpu.dma_semaphore, #tpu.memory_space<semaphore_mem>>, %arg27: memref<!tpu.dma_semaphore, #tpu.memory_space<semaphore_mem>>, %arg28: memref<!tpu.dma_semaphore, #tpu.memory_space<semaphore_mem>>, %arg29: memref<!tpu.dma_semaphore, #tpu.memory_space<semaphore_mem>>, %arg30: memref<!tpu.dma_semaphore, #tpu.memory_space<semaphore_mem>>, %arg31: memref<!tpu.dma_semaphore, #tpu.memory_space<semaphore_mem>>, %arg32: memref<!tpu.dma_semaphore, #tpu.memory_space<semaphore_mem>>) attributes {dimension_semantics = [#tpu.dimension_semantics<core_parallel>, #tpu.dimension_semantics<subcore_parallel>], iteration_bounds = array<i64: 2, 16>, scalar_prefetch = 0 : i64, scratch_operands = 27 : i64, tpu.core_type = #tpu.core_type<sc_vector_subcore>, window_params = [{transform_indices = #map}, {transform_indices = #map1}, {transform_indices = #map}, {transform_indices = #map1}]} {
    %mul3A = arith.constant 2 : i32
    %mul3A_0 = arith.muli %arg1, %mul3A : i32
    %add3A = arith.addi %mul3A_0, %arg0 : i32
    %eq3A = arith.constant 0 : i32
    %eq3A_1 = arith.cmpi eq, %arg0, %eq3A : i32
    %convert_element_type3A = arith.extui %eq3A_1 : i1 to i32
    %cond3A = arith.constant 0 : i32
    %cond3A_2 = arith.cmpi ne, %convert_element_type3A, %cond3A : i32
    scf.if %cond3A_2 {
      %mul3A_135 = arith.constant 624 : i32
      %mul3A_136 = arith.muli %arg1, %mul3A_135 : i32
      %multiple_of3A_137 = tpu.assume_multiple %mul3A_136, 8 : i32
      "tpu.region"() ({
        %run_scoped3A_143 = tpu.sem_alloc : memref<!tpu.dma_semaphore, #tpu.memory_space<semaphore_mem>>
        %dma_start3A_144 = arith.constant 0 : i32
        %dma_start3A_145 = tpu.memref_slice %arg16[%multiple_of3A_137, %dma_start3A_144] : memref<10000x64xf32, #tpu.memory_space<vmem_shared>> -> memref<624x64xf32, #tpu.memory_space<vmem_shared>>
        %dma_start3A_146 = arith.constant 0 : i32
        %dma_start3A_147 = tpu.memref_slice %arg2[%multiple_of3A_137, %dma_start3A_146] : memref<10000x64xf32, #tpu.memory_space<hbm>> -> memref<624x64xf32, #tpu.memory_space<hbm>>
        tpu.enqueue_dma source(%dma_start3A_147 : memref<624x64xf32, #tpu.memory_space<hbm>>) target(%dma_start3A_145 : memref<624x64xf32, #tpu.memory_space<vmem_shared>>) target_semaphore(%run_scoped3A_143 : memref<!tpu.dma_semaphore, #tpu.memory_space<semaphore_mem>>)
        %dma_wait3A_148 = arith.constant 0 : i32
        %dma_wait3A_149 = tpu.memref_slice %arg16[%multiple_of3A_137, %dma_wait3A_148] : memref<10000x64xf32, #tpu.memory_space<vmem_shared>> -> memref<624x64xf32, #tpu.memory_space<vmem_shared>>
        %dma_wait3A_150 = arith.constant 0 : i32
        %dma_wait3A_151 = tpu.memref_slice %arg2[%multiple_of3A_137, %dma_wait3A_150] : memref<10000x64xf32, #tpu.memory_space<hbm>> -> memref<624x64xf32, #tpu.memory_space<hbm>>
        tpu.wait_dma2 semaphore(%run_scoped3A_143 : memref<!tpu.dma_semaphore, #tpu.memory_space<semaphore_mem>>) src(%dma_wait3A_151 : memref<624x64xf32, #tpu.memory_space<hbm>>) dst(%dma_wait3A_149 : memref<624x64xf32, #tpu.memory_space<vmem_shared>>)
        tpu.yield
      }) : () -> ()
      %eq3A_138 = arith.constant 15 : i32
      %eq3A_139 = arith.cmpi eq, %arg1, %eq3A_138 : i32
      %convert_element_type3A_140 = arith.extui %eq3A_139 : i1 to i32
      %cond3A_141 = arith.constant 0 : i32
      %cond3A_142 = arith.cmpi ne, %convert_element_type3A_140, %cond3A_141 : i32
      scf.if %cond3A_142 {
        "tpu.region"() ({
          %run_scoped3A_143 = tpu.sem_alloc : memref<!tpu.dma_semaphore, #tpu.memory_space<semaphore_mem>>
          %dma_start3A_144 = arith.constant 9984 : i32
          %dma_start3A_145 = arith.constant 0 : i32
          %dma_start3A_146 = tpu.memref_slice %arg16[%dma_start3A_144, %dma_start3A_145] : memref<10000x64xf32, #tpu.memory_space<vmem_shared>> -> memref<16x64xf32, #tpu.memory_space<vmem_shared>>
          %dma_start3A_147 = arith.constant 9984 : i32
          %dma_start3A_148 = arith.constant 0 : i32
          %dma_start3A_149 = tpu.memref_slice %arg2[%dma_start3A_147, %dma_start3A_148] : memref<10000x64xf32, #tpu.memory_space<hbm>> -> memref<16x64xf32, #tpu.memory_space<hbm>>
          tpu.enqueue_dma source(%dma_start3A_149 : memref<16x64xf32, #tpu.memory_space<hbm>>) target(%dma_start3A_146 : memref<16x64xf32, #tpu.memory_space<vmem_shared>>) target_semaphore(%run_scoped3A_143 : memref<!tpu.dma_semaphore, #tpu.memory_space<semaphore_mem>>)
          %dma_wait3A_150 = arith.constant 9984 : i32
          %dma_wait3A_151 = arith.constant 0 : i32
          %dma_wait3A_152 = tpu.memref_slice %arg16[%dma_wait3A_150, %dma_wait3A_151] : memref<10000x64xf32, #tpu.memory_space<vmem_shared>> -> memref<16x64xf32, #tpu.memory_space<vmem_shared>>
          %dma_wait3A_153 = arith.constant 9984 : i32
          %dma_wait3A_154 = arith.constant 0 : i32
          %dma_wait3A_155 = tpu.memref_slice %arg2[%dma_wait3A_153, %dma_wait3A_154] : memref<10000x64xf32, #tpu.memory_space<hbm>> -> memref<16x64xf32, #tpu.memory_space<hbm>>
          tpu.wait_dma2 semaphore(%run_scoped3A_143 : memref<!tpu.dma_semaphore, #tpu.memory_space<semaphore_mem>>) src(%dma_wait3A_155 : memref<16x64xf32, #tpu.memory_space<hbm>>) dst(%dma_wait3A_152 : memref<16x64xf32, #tpu.memory_space<vmem_shared>>)
          tpu.yield
        }) : () -> ()
      } else {
      }
    } else {
    }
    %ne3A = arith.constant 0 : i32
    %ne3A_3 = arith.cmpi ne, %arg0, %ne3A : i32
    %convert_element_type3A_4 = arith.extui %ne3A_3 : i1 to i32
    %cond3A_5 = arith.constant 0 : i32
    %cond3A_6 = arith.cmpi ne, %convert_element_type3A_4, %cond3A_5 : i32
    scf.if %cond3A_6 {
      %mul3A_135 = arith.constant 624 : i32
      %mul3A_136 = arith.muli %arg1, %mul3A_135 : i32
      %multiple_of3A_137 = tpu.assume_multiple %mul3A_136, 8 : i32
      "tpu.region"() ({
        %run_scoped3A_143 = tpu.sem_alloc : memref<!tpu.dma_semaphore, #tpu.memory_space<semaphore_mem>>
        %dma_start3A_144 = arith.constant 0 : i32
        %dma_start3A_145 = tpu.memref_slice %arg16[%multiple_of3A_137, %dma_start3A_144] : memref<10000x64xf32, #tpu.memory_space<vmem_shared>> -> memref<624x64xf32, #tpu.memory_space<vmem_shared>>
        %dma_start3A_146 = arith.constant 0 : i32
        %dma_start3A_147 = tpu.memref_slice %arg4[%multiple_of3A_137, %dma_start3A_146] : memref<10000x64xf32, #tpu.memory_space<hbm>> -> memref<624x64xf32, #tpu.memory_space<hbm>>
        tpu.enqueue_dma source(%dma_start3A_147 : memref<624x64xf32, #tpu.memory_space<hbm>>) target(%dma_start3A_145 : memref<624x64xf32, #tpu.memory_space<vmem_shared>>) target_semaphore(%run_scoped3A_143 : memref<!tpu.dma_semaphore, #tpu.memory_space<semaphore_mem>>)
        %dma_wait3A_148 = arith.constant 0 : i32
        %dma_wait3A_149 = tpu.memref_slice %arg16[%multiple_of3A_137, %dma_wait3A_148] : memref<10000x64xf32, #tpu.memory_space<vmem_shared>> -> memref<624x64xf32, #tpu.memory_space<vmem_shared>>
        %dma_wait3A_150 = arith.constant 0 : i32
        %dma_wait3A_151 = tpu.memref_slice %arg4[%multiple_of3A_137, %dma_wait3A_150] : memref<10000x64xf32, #tpu.memory_space<hbm>> -> memref<624x64xf32, #tpu.memory_space<hbm>>
        tpu.wait_dma2 semaphore(%run_scoped3A_143 : memref<!tpu.dma_semaphore, #tpu.memory_space<semaphore_mem>>) src(%dma_wait3A_151 : memref<624x64xf32, #tpu.memory_space<hbm>>) dst(%dma_wait3A_149 : memref<624x64xf32, #tpu.memory_space<vmem_shared>>)
        tpu.yield
      }) : () -> ()
      %eq3A_138 = arith.constant 15 : i32
      %eq3A_139 = arith.cmpi eq, %arg1, %eq3A_138 : i32
      %convert_element_type3A_140 = arith.extui %eq3A_139 : i1 to i32
      %cond3A_141 = arith.constant 0 : i32
      %cond3A_142 = arith.cmpi ne, %convert_element_type3A_140, %cond3A_141 : i32
      scf.if %cond3A_142 {
        "tpu.region"() ({
          %run_scoped3A_143 = tpu.sem_alloc : memref<!tpu.dma_semaphore, #tpu.memory_space<semaphore_mem>>
          %dma_start3A_144 = arith.constant 9984 : i32
          %dma_start3A_145 = arith.constant 0 : i32
          %dma_start3A_146 = tpu.memref_slice %arg16[%dma_start3A_144, %dma_start3A_145] : memref<10000x64xf32, #tpu.memory_space<vmem_shared>> -> memref<16x64xf32, #tpu.memory_space<vmem_shared>>
          %dma_start3A_147 = arith.constant 9984 : i32
          %dma_start3A_148 = arith.constant 0 : i32
          %dma_start3A_149 = tpu.memref_slice %arg4[%dma_start3A_147, %dma_start3A_148] : memref<10000x64xf32, #tpu.memory_space<hbm>> -> memref<16x64xf32, #tpu.memory_space<hbm>>
          tpu.enqueue_dma source(%dma_start3A_149 : memref<16x64xf32, #tpu.memory_space<hbm>>) target(%dma_start3A_146 : memref<16x64xf32, #tpu.memory_space<vmem_shared>>) target_semaphore(%run_scoped3A_143 : memref<!tpu.dma_semaphore, #tpu.memory_space<semaphore_mem>>)
          %dma_wait3A_150 = arith.constant 9984 : i32
          %dma_wait3A_151 = arith.constant 0 : i32
          %dma_wait3A_152 = tpu.memref_slice %arg16[%dma_wait3A_150, %dma_wait3A_151] : memref<10000x64xf32, #tpu.memory_space<vmem_shared>> -> memref<16x64xf32, #tpu.memory_space<vmem_shared>>
          %dma_wait3A_153 = arith.constant 9984 : i32
          %dma_wait3A_154 = arith.constant 0 : i32
          %dma_wait3A_155 = tpu.memref_slice %arg4[%dma_wait3A_153, %dma_wait3A_154] : memref<10000x64xf32, #tpu.memory_space<hbm>> -> memref<16x64xf32, #tpu.memory_space<hbm>>
          tpu.wait_dma2 semaphore(%run_scoped3A_143 : memref<!tpu.dma_semaphore, #tpu.memory_space<semaphore_mem>>) src(%dma_wait3A_155 : memref<16x64xf32, #tpu.memory_space<hbm>>) dst(%dma_wait3A_152 : memref<16x64xf32, #tpu.memory_space<vmem_shared>>)
          tpu.yield
        }) : () -> ()
      } else {
      }
    } else {
    }
    %mul3A_7 = arith.constant 80 : i32
    %mul3A_8 = arith.muli %add3A, %mul3A_7 : i32
    %run_scoped3A = arith.constant 0 : i32
    "tpu.region"() ({
      %run_scoped3A_135 = tpu.sem_alloc : memref<!tpu.dma_semaphore, #tpu.memory_space<semaphore_mem>>
      %dma_start3A_136 = arith.constant 0 : i32
      %dma_start3A_137 = tpu.memref_slice %arg3[%run_scoped3A, %mul3A_8, %dma_start3A_136] : memref<2x2560x125xi32, #tpu.memory_space<hbm>> -> memref<1x80x125xi32, #tpu.memory_space<hbm>>
      %dma_start3A_138 = tpu.memref_squeeze %dma_start3A_137 : memref<1x80x125xi32, #tpu.memory_space<hbm>> -> memref<80x125xi32, #tpu.memory_space<hbm>>
      %dma_start3A_139 = arith.constant 0 : i32
      %dma_start3A_140 = tpu.memref_slice %arg3[%run_scoped3A, %mul3A_8, %dma_start3A_139] : memref<2x2560x125xi32, #tpu.memory_space<hbm>> -> memref<1x80x125xi32, #tpu.memory_space<hbm>>
      %dma_start3A_141 = tpu.memref_squeeze %dma_start3A_140 : memref<1x80x125xi32, #tpu.memory_space<hbm>> -> memref<80x125xi32, #tpu.memory_space<hbm>>
      tpu.enqueue_dma source(%dma_start3A_141 : memref<80x125xi32, #tpu.memory_space<hbm>>) target(%arg6 : memref<80x125xi32, #tpu.memory_space<vmem>>) target_semaphore(%run_scoped3A_135 : memref<!tpu.dma_semaphore, #tpu.memory_space<semaphore_mem>>)
      %dma_wait3A_142 = arith.constant 0 : i32
      %dma_wait3A_143 = tpu.memref_slice %arg3[%run_scoped3A, %mul3A_8, %dma_wait3A_142] : memref<2x2560x125xi32, #tpu.memory_space<hbm>> -> memref<1x80x125xi32, #tpu.memory_space<hbm>>
      %dma_wait3A_144 = tpu.memref_squeeze %dma_wait3A_143 : memref<1x80x125xi32, #tpu.memory_space<hbm>> -> memref<80x125xi32, #tpu.memory_space<hbm>>
      %dma_wait3A_145 = arith.constant 0 : i32
      %dma_wait3A_146 = tpu.memref_slice %arg3[%run_scoped3A, %mul3A_8, %dma_wait3A_145] : memref<2x2560x125xi32, #tpu.memory_space<hbm>> -> memref<1x80x125xi32, #tpu.memory_space<hbm>>
      %dma_wait3A_147 = tpu.memref_squeeze %dma_wait3A_146 : memref<1x80x125xi32, #tpu.memory_space<hbm>> -> memref<80x125xi32, #tpu.memory_space<hbm>>
      tpu.wait_dma2 semaphore(%run_scoped3A_135 : memref<!tpu.dma_semaphore, #tpu.memory_space<semaphore_mem>>) src(%dma_wait3A_147 : memref<80x125xi32, #tpu.memory_space<hbm>>) dst(%arg6 : memref<80x125xi32, #tpu.memory_space<vmem>>)
      tpu.yield
    }) : () -> ()
    %mul3A_9 = arith.constant 80 : i32
    %mul3A_10 = arith.muli %add3A, %mul3A_9 : i32
    %run_scoped3A_11 = arith.constant 1 : i32
    "tpu.region"() ({
      %run_scoped3A_135 = tpu.sem_alloc : memref<!tpu.dma_semaphore, #tpu.memory_space<semaphore_mem>>
      %dma_start3A_136 = arith.constant 0 : i32
      %dma_start3A_137 = tpu.memref_slice %arg3[%run_scoped3A_11, %mul3A_10, %dma_start3A_136] : memref<2x2560x125xi32, #tpu.memory_space<hbm>> -> memref<1x80x125xi32, #tpu.memory_space<hbm>>
      %dma_start3A_138 = tpu.memref_squeeze %dma_start3A_137 : memref<1x80x125xi32, #tpu.memory_space<hbm>> -> memref<80x125xi32, #tpu.memory_space<hbm>>
      %dma_start3A_139 = arith.constant 0 : i32
      %dma_start3A_140 = tpu.memref_slice %arg3[%run_scoped3A_11, %mul3A_10, %dma_start3A_139] : memref<2x2560x125xi32, #tpu.memory_space<hbm>> -> memref<1x80x125xi32, #tpu.memory_space<hbm>>
      %dma_start3A_141 = tpu.memref_squeeze %dma_start3A_140 : memref<1x80x125xi32, #tpu.memory_space<hbm>> -> memref<80x125xi32, #tpu.memory_space<hbm>>
      tpu.enqueue_dma source(%dma_start3A_141 : memref<80x125xi32, #tpu.memory_space<hbm>>) target(%arg7 : memref<80x125xi32, #tpu.memory_space<vmem>>) target_semaphore(%run_scoped3A_135 : memref<!tpu.dma_semaphore, #tpu.memory_space<semaphore_mem>>)
      %dma_wait3A_142 = arith.constant 0 : i32
      %dma_wait3A_143 = tpu.memref_slice %arg3[%run_scoped3A_11, %mul3A_10, %dma_wait3A_142] : memref<2x2560x125xi32, #tpu.memory_space<hbm>> -> memref<1x80x125xi32, #tpu.memory_space<hbm>>
      %dma_wait3A_144 = tpu.memref_squeeze %dma_wait3A_143 : memref<1x80x125xi32, #tpu.memory_space<hbm>> -> memref<80x125xi32, #tpu.memory_space<hbm>>
      %dma_wait3A_145 = arith.constant 0 : i32
      %dma_wait3A_146 = tpu.memref_slice %arg3[%run_scoped3A_11, %mul3A_10, %dma_wait3A_145] : memref<2x2560x125xi32, #tpu.memory_space<hbm>> -> memref<1x80x125xi32, #tpu.memory_space<hbm>>
      %dma_wait3A_147 = tpu.memref_squeeze %dma_wait3A_146 : memref<1x80x125xi32, #tpu.memory_space<hbm>> -> memref<80x125xi32, #tpu.memory_space<hbm>>
      tpu.wait_dma2 semaphore(%run_scoped3A_135 : memref<!tpu.dma_semaphore, #tpu.memory_space<semaphore_mem>>) src(%dma_wait3A_147 : memref<80x125xi32, #tpu.memory_space<hbm>>) dst(%arg7 : memref<80x125xi32, #tpu.memory_space<vmem>>)
      tpu.yield
    }) : () -> ()
    %barrier3A = arith.constant 0 : index
    tpu.barrier barrier_id(%barrier3A)
    %dma_start3A = arith.constant 0 : i32
    %dma_start3A_12 = arith.constant 0 : i32
    %dma_start3A_13 = tpu.memref_slice %arg6[%dma_start3A, %dma_start3A_12] : memref<80x125xi32, #tpu.memory_space<vmem>> -> memref<1x125xi32, #tpu.memory_space<vmem>>
    %dma_start3A_14 = tpu.memref_squeeze %dma_start3A_13 : memref<1x125xi32, #tpu.memory_space<vmem>> -> memref<125xi32, #tpu.memory_space<vmem>>
    %dma_start3A_15 = arith.constant 0 : i32
    %dma_start3A_16 = arith.constant 0 : i32
    %dma_start3A_17 = tpu.memref_slice %arg2[%dma_start3A_15, %dma_start3A_16] : memref<10000x64xf32, #tpu.memory_space<hbm>> -> memref<10000x64xf32, #tpu.memory_space<hbm>>
    tpu.enqueue_indirect_dma source(%dma_start3A_17 : memref<10000x64xf32, #tpu.memory_space<hbm>>) target(%arg8 : memref<125x64xf32, #tpu.memory_space<vmem>>) offsets(%dma_start3A_14 : memref<125xi32, #tpu.memory_space<vmem>>) semaphore(%arg17 : memref<!tpu.dma_semaphore, #tpu.memory_space<semaphore_mem>>)
    %dma_start3A_18 = arith.constant 1 : i32
    %dma_start3A_19 = arith.constant 0 : i32
    %dma_start3A_20 = tpu.memref_slice %arg6[%dma_start3A_18, %dma_start3A_19] : memref<80x125xi32, #tpu.memory_space<vmem>> -> memref<1x125xi32, #tpu.memory_space<vmem>>
    %dma_start3A_21 = tpu.memref_squeeze %dma_start3A_20 : memref<1x125xi32, #tpu.memory_space<vmem>> -> memref<125xi32, #tpu.memory_space<vmem>>
    %dma_start3A_22 = arith.constant 0 : i32
    %dma_start3A_23 = arith.constant 0 : i32
    %dma_start3A_24 = tpu.memref_slice %arg2[%dma_start3A_22, %dma_start3A_23] : memref<10000x64xf32, #tpu.memory_space<hbm>> -> memref<10000x64xf32, #tpu.memory_space<hbm>>
    tpu.enqueue_indirect_dma source(%dma_start3A_24 : memref<10000x64xf32, #tpu.memory_space<hbm>>) target(%arg9 : memref<125x64xf32, #tpu.memory_space<vmem>>) offsets(%dma_start3A_21 : memref<125xi32, #tpu.memory_space<vmem>>) semaphore(%arg18 : memref<!tpu.dma_semaphore, #tpu.memory_space<semaphore_mem>>)
    %dma_start3A_25 = arith.constant 2 : i32
    %dma_start3A_26 = arith.constant 0 : i32
    %dma_start3A_27 = tpu.memref_slice %arg6[%dma_start3A_25, %dma_start3A_26] : memref<80x125xi32, #tpu.memory_space<vmem>> -> memref<1x125xi32, #tpu.memory_space<vmem>>
    %dma_start3A_28 = tpu.memref_squeeze %dma_start3A_27 : memref<1x125xi32, #tpu.memory_space<vmem>> -> memref<125xi32, #tpu.memory_space<vmem>>
    %dma_start3A_29 = arith.constant 0 : i32
    %dma_start3A_30 = arith.constant 0 : i32
    %dma_start3A_31 = tpu.memref_slice %arg2[%dma_start3A_29, %dma_start3A_30] : memref<10000x64xf32, #tpu.memory_space<hbm>> -> memref<10000x64xf32, #tpu.memory_space<hbm>>
    tpu.enqueue_indirect_dma source(%dma_start3A_31 : memref<10000x64xf32, #tpu.memory_space<hbm>>) target(%arg10 : memref<125x64xf32, #tpu.memory_space<vmem>>) offsets(%dma_start3A_28 : memref<125xi32, #tpu.memory_space<vmem>>) semaphore(%arg19 : memref<!tpu.dma_semaphore, #tpu.memory_space<semaphore_mem>>)
    %dma_start3A_32 = arith.constant 3 : i32
    %dma_start3A_33 = arith.constant 0 : i32
    %dma_start3A_34 = tpu.memref_slice %arg6[%dma_start3A_32, %dma_start3A_33] : memref<80x125xi32, #tpu.memory_space<vmem>> -> memref<1x125xi32, #tpu.memory_space<vmem>>
    %dma_start3A_35 = tpu.memref_squeeze %dma_start3A_34 : memref<1x125xi32, #tpu.memory_space<vmem>> -> memref<125xi32, #tpu.memory_space<vmem>>
    %dma_start3A_36 = arith.constant 0 : i32
    %dma_start3A_37 = arith.constant 0 : i32
    %dma_start3A_38 = tpu.memref_slice %arg2[%dma_start3A_36, %dma_start3A_37] : memref<10000x64xf32, #tpu.memory_space<hbm>> -> memref<10000x64xf32, #tpu.memory_space<hbm>>
    tpu.enqueue_indirect_dma source(%dma_start3A_38 : memref<10000x64xf32, #tpu.memory_space<hbm>>) target(%arg11 : memref<125x64xf32, #tpu.memory_space<vmem>>) offsets(%dma_start3A_35 : memref<125xi32, #tpu.memory_space<vmem>>) semaphore(%arg20 : memref<!tpu.dma_semaphore, #tpu.memory_space<semaphore_mem>>)
    %dma_start3A_39 = arith.constant 4 : i32
    %dma_start3A_40 = arith.constant 0 : i32
    %dma_start3A_41 = tpu.memref_slice %arg6[%dma_start3A_39, %dma_start3A_40] : memref<80x125xi32, #tpu.memory_space<vmem>> -> memref<1x125xi32, #tpu.memory_space<vmem>>
    %dma_start3A_42 = tpu.memref_squeeze %dma_start3A_41 : memref<1x125xi32, #tpu.memory_space<vmem>> -> memref<125xi32, #tpu.memory_space<vmem>>
    %dma_start3A_43 = arith.constant 0 : i32
    %dma_start3A_44 = arith.constant 0 : i32
    %dma_start3A_45 = tpu.memref_slice %arg2[%dma_start3A_43, %dma_start3A_44] : memref<10000x64xf32, #tpu.memory_space<hbm>> -> memref<10000x64xf32, #tpu.memory_space<hbm>>
    tpu.enqueue_indirect_dma source(%dma_start3A_45 : memref<10000x64xf32, #tpu.memory_space<hbm>>) target(%arg12 : memref<125x64xf32, #tpu.memory_space<vmem>>) offsets(%dma_start3A_42 : memref<125xi32, #tpu.memory_space<vmem>>) semaphore(%arg21 : memref<!tpu.dma_semaphore, #tpu.memory_space<semaphore_mem>>)
    %dma_start3A_46 = arith.constant 5 : i32
    %dma_start3A_47 = arith.constant 0 : i32
    %dma_start3A_48 = tpu.memref_slice %arg6[%dma_start3A_46, %dma_start3A_47] : memref<80x125xi32, #tpu.memory_space<vmem>> -> memref<1x125xi32, #tpu.memory_space<vmem>>
    %dma_start3A_49 = tpu.memref_squeeze %dma_start3A_48 : memref<1x125xi32, #tpu.memory_space<vmem>> -> memref<125xi32, #tpu.memory_space<vmem>>
    %dma_start3A_50 = arith.constant 0 : i32
    %dma_start3A_51 = arith.constant 0 : i32
    %dma_start3A_52 = tpu.memref_slice %arg2[%dma_start3A_50, %dma_start3A_51] : memref<10000x64xf32, #tpu.memory_space<hbm>> -> memref<10000x64xf32, #tpu.memory_space<hbm>>
    tpu.enqueue_indirect_dma source(%dma_start3A_52 : memref<10000x64xf32, #tpu.memory_space<hbm>>) target(%arg13 : memref<125x64xf32, #tpu.memory_space<vmem>>) offsets(%dma_start3A_49 : memref<125xi32, #tpu.memory_space<vmem>>) semaphore(%arg22 : memref<!tpu.dma_semaphore, #tpu.memory_space<semaphore_mem>>)
    %dma_start3A_53 = arith.constant 6 : i32
    %dma_start3A_54 = arith.constant 0 : i32
    %dma_start3A_55 = tpu.memref_slice %arg6[%dma_start3A_53, %dma_start3A_54] : memref<80x125xi32, #tpu.memory_space<vmem>> -> memref<1x125xi32, #tpu.memory_space<vmem>>
    %dma_start3A_56 = tpu.memref_squeeze %dma_start3A_55 : memref<1x125xi32, #tpu.memory_space<vmem>> -> memref<125xi32, #tpu.memory_space<vmem>>
    %dma_start3A_57 = arith.constant 0 : i32
    %dma_start3A_58 = arith.constant 0 : i32
    %dma_start3A_59 = tpu.memref_slice %arg2[%dma_start3A_57, %dma_start3A_58] : memref<10000x64xf32, #tpu.memory_space<hbm>> -> memref<10000x64xf32, #tpu.memory_space<hbm>>
    tpu.enqueue_indirect_dma source(%dma_start3A_59 : memref<10000x64xf32, #tpu.memory_space<hbm>>) target(%arg14 : memref<125x64xf32, #tpu.memory_space<vmem>>) offsets(%dma_start3A_56 : memref<125xi32, #tpu.memory_space<vmem>>) semaphore(%arg23 : memref<!tpu.dma_semaphore, #tpu.memory_space<semaphore_mem>>)
    %dma_start3A_60 = arith.constant 7 : i32
    %dma_start3A_61 = arith.constant 0 : i32
    %dma_start3A_62 = tpu.memref_slice %arg6[%dma_start3A_60, %dma_start3A_61] : memref<80x125xi32, #tpu.memory_space<vmem>> -> memref<1x125xi32, #tpu.memory_space<vmem>>
    %dma_start3A_63 = tpu.memref_squeeze %dma_start3A_62 : memref<1x125xi32, #tpu.memory_space<vmem>> -> memref<125xi32, #tpu.memory_space<vmem>>
    %dma_start3A_64 = arith.constant 0 : i32
    %dma_start3A_65 = arith.constant 0 : i32
    %dma_start3A_66 = tpu.memref_slice %arg2[%dma_start3A_64, %dma_start3A_65] : memref<10000x64xf32, #tpu.memory_space<hbm>> -> memref<10000x64xf32, #tpu.memory_space<hbm>>
    tpu.enqueue_indirect_dma source(%dma_start3A_66 : memref<10000x64xf32, #tpu.memory_space<hbm>>) target(%arg15 : memref<125x64xf32, #tpu.memory_space<vmem>>) offsets(%dma_start3A_63 : memref<125xi32, #tpu.memory_space<vmem>>) semaphore(%arg24 : memref<!tpu.dma_semaphore, #tpu.memory_space<semaphore_mem>>)
    %scan3A = arith.constant 0 : i32
    %scan3A_67 = arith.constant 0 : i32
    %scan3A_68 = arith.constant 10 : i32
    %scan3A_69 = arith.addi %scan3A_67, %scan3A_68 : i32
    %scan3A_70 = arith.constant 1 : i32
    scf.for %scan3A_135 = %scan3A_67 to %scan3A_69 step %scan3A_70  : i32 {
      %mul3A_136 = arith.constant 8 : i32
      %mul3A_137 = arith.muli %mul3A_136, %scan3A_135 : i32
      %dma_wait3A_138 = arith.constant 0 : i32
      %dma_wait3A_139 = arith.constant 0 : i32
      %dma_wait3A_140 = tpu.memref_slice %arg6[%dma_wait3A_138, %dma_wait3A_139] : memref<80x125xi32, #tpu.memory_space<vmem>> -> memref<1x125xi32, #tpu.memory_space<vmem>>
      %dma_wait3A_141 = tpu.memref_squeeze %dma_wait3A_140 : memref<1x125xi32, #tpu.memory_space<vmem>> -> memref<125xi32, #tpu.memory_space<vmem>>
      %dma_wait3A_142 = arith.constant 0 : i32
      %dma_wait3A_143 = arith.constant 0 : i32
      %dma_wait3A_144 = tpu.memref_slice %arg2[%dma_wait3A_142, %dma_wait3A_143] : memref<10000x64xf32, #tpu.memory_space<hbm>> -> memref<10000x64xf32, #tpu.memory_space<hbm>>
      tpu.wait_indirect_dma semaphore(%arg17 : memref<!tpu.dma_semaphore, #tpu.memory_space<semaphore_mem>>) src(%dma_wait3A_144 : memref<10000x64xf32, #tpu.memory_space<hbm>>) dst(%arg8 : memref<125x64xf32, #tpu.memory_space<vmem>>)
      %add3A_145 = arith.constant 0 : i32
      %add3A_146 = arith.addi %mul3A_137, %add3A_145 : i32
      %dma_start3A_147 = arith.constant 0 : i32
      %dma_start3A_148 = tpu.memref_slice %arg7[%add3A_146, %dma_start3A_147] : memref<80x125xi32, #tpu.memory_space<vmem>> -> memref<1x125xi32, #tpu.memory_space<vmem>>
      %dma_start3A_149 = tpu.memref_squeeze %dma_start3A_148 : memref<1x125xi32, #tpu.memory_space<vmem>> -> memref<125xi32, #tpu.memory_space<vmem>>
      %dma_start3A_150 = arith.constant 0 : i32
      %dma_start3A_151 = arith.constant 0 : i32
      %dma_start3A_152 = tpu.memref_slice %arg16[%dma_start3A_150, %dma_start3A_151] : memref<10000x64xf32, #tpu.memory_space<vmem_shared>> -> memref<10000x64xf32, #tpu.memory_space<vmem_shared>>
      tpu.enqueue_indirect_dma source(%arg8 : memref<125x64xf32, #tpu.memory_space<vmem>>) target(%dma_start3A_152 : memref<10000x64xf32, #tpu.memory_space<vmem_shared>>) offsets(%dma_start3A_149 : memref<125xi32, #tpu.memory_space<vmem>>) semaphore(%arg25 : memref<!tpu.dma_semaphore, #tpu.memory_space<semaphore_mem>>) {add = true}
      %dma_wait3A_153 = arith.constant 0 : i32
      %dma_wait3A_154 = arith.constant 0 : i32
      %dma_wait3A_155 = tpu.memref_slice %arg6[%dma_wait3A_153, %dma_wait3A_154] : memref<80x125xi32, #tpu.memory_space<vmem>> -> memref<1x125xi32, #tpu.memory_space<vmem>>
      %dma_wait3A_156 = tpu.memref_squeeze %dma_wait3A_155 : memref<1x125xi32, #tpu.memory_space<vmem>> -> memref<125xi32, #tpu.memory_space<vmem>>
      %dma_wait3A_157 = arith.constant 0 : i32
      %dma_wait3A_158 = arith.constant 0 : i32
      %dma_wait3A_159 = tpu.memref_slice %arg2[%dma_wait3A_157, %dma_wait3A_158] : memref<10000x64xf32, #tpu.memory_space<hbm>> -> memref<10000x64xf32, #tpu.memory_space<hbm>>
      tpu.wait_indirect_dma semaphore(%arg18 : memref<!tpu.dma_semaphore, #tpu.memory_space<semaphore_mem>>) src(%dma_wait3A_159 : memref<10000x64xf32, #tpu.memory_space<hbm>>) dst(%arg9 : memref<125x64xf32, #tpu.memory_space<vmem>>)
      %add3A_160 = arith.constant 1 : i32
      %add3A_161 = arith.addi %mul3A_137, %add3A_160 : i32
      %dma_start3A_162 = arith.constant 0 : i32
      %dma_start3A_163 = tpu.memref_slice %arg7[%add3A_161, %dma_start3A_162] : memref<80x125xi32, #tpu.memory_space<vmem>> -> memref<1x125xi32, #tpu.memory_space<vmem>>
      %dma_start3A_164 = tpu.memref_squeeze %dma_start3A_163 : memref<1x125xi32, #tpu.memory_space<vmem>> -> memref<125xi32, #tpu.memory_space<vmem>>
      %dma_start3A_165 = arith.constant 0 : i32
      %dma_start3A_166 = arith.constant 0 : i32
      %dma_start3A_167 = tpu.memref_slice %arg16[%dma_start3A_165, %dma_start3A_166] : memref<10000x64xf32, #tpu.memory_space<vmem_shared>> -> memref<10000x64xf32, #tpu.memory_space<vmem_shared>>
      tpu.enqueue_indirect_dma source(%arg9 : memref<125x64xf32, #tpu.memory_space<vmem>>) target(%dma_start3A_167 : memref<10000x64xf32, #tpu.memory_space<vmem_shared>>) offsets(%dma_start3A_164 : memref<125xi32, #tpu.memory_space<vmem>>) semaphore(%arg26 : memref<!tpu.dma_semaphore, #tpu.memory_space<semaphore_mem>>) {add = true}
      %dma_wait3A_168 = arith.constant 0 : i32
      %dma_wait3A_169 = arith.constant 0 : i32
      %dma_wait3A_170 = tpu.memref_slice %arg6[%dma_wait3A_168, %dma_wait3A_169] : memref<80x125xi32, #tpu.memory_space<vmem>> -> memref<1x125xi32, #tpu.memory_space<vmem>>
      %dma_wait3A_171 = tpu.memref_squeeze %dma_wait3A_170 : memref<1x125xi32, #tpu.memory_space<vmem>> -> memref<125xi32, #tpu.memory_space<vmem>>
      %dma_wait3A_172 = arith.constant 0 : i32
      %dma_wait3A_173 = arith.constant 0 : i32
      %dma_wait3A_174 = tpu.memref_slice %arg2[%dma_wait3A_172, %dma_wait3A_173] : memref<10000x64xf32, #tpu.memory_space<hbm>> -> memref<10000x64xf32, #tpu.memory_space<hbm>>
      tpu.wait_indirect_dma semaphore(%arg19 : memref<!tpu.dma_semaphore, #tpu.memory_space<semaphore_mem>>) src(%dma_wait3A_174 : memref<10000x64xf32, #tpu.memory_space<hbm>>) dst(%arg10 : memref<125x64xf32, #tpu.memory_space<vmem>>)
      %add3A_175 = arith.constant 2 : i32
      %add3A_176 = arith.addi %mul3A_137, %add3A_175 : i32
      %dma_start3A_177 = arith.constant 0 : i32
      %dma_start3A_178 = tpu.memref_slice %arg7[%add3A_176, %dma_start3A_177] : memref<80x125xi32, #tpu.memory_space<vmem>> -> memref<1x125xi32, #tpu.memory_space<vmem>>
      %dma_start3A_179 = tpu.memref_squeeze %dma_start3A_178 : memref<1x125xi32, #tpu.memory_space<vmem>> -> memref<125xi32, #tpu.memory_space<vmem>>
      %dma_start3A_180 = arith.constant 0 : i32
      %dma_start3A_181 = arith.constant 0 : i32
      %dma_start3A_182 = tpu.memref_slice %arg16[%dma_start3A_180, %dma_start3A_181] : memref<10000x64xf32, #tpu.memory_space<vmem_shared>> -> memref<10000x64xf32, #tpu.memory_space<vmem_shared>>
      tpu.enqueue_indirect_dma source(%arg10 : memref<125x64xf32, #tpu.memory_space<vmem>>) target(%dma_start3A_182 : memref<10000x64xf32, #tpu.memory_space<vmem_shared>>) offsets(%dma_start3A_179 : memref<125xi32, #tpu.memory_space<vmem>>) semaphore(%arg27 : memref<!tpu.dma_semaphore, #tpu.memory_space<semaphore_mem>>) {add = true}
      %dma_wait3A_183 = arith.constant 0 : i32
      %dma_wait3A_184 = arith.constant 0 : i32
      %dma_wait3A_185 = tpu.memref_slice %arg6[%dma_wait3A_183, %dma_wait3A_184] : memref<80x125xi32, #tpu.memory_space<vmem>> -> memref<1x125xi32, #tpu.memory_space<vmem>>
      %dma_wait3A_186 = tpu.memref_squeeze %dma_wait3A_185 : memref<1x125xi32, #tpu.memory_space<vmem>> -> memref<125xi32, #tpu.memory_space<vmem>>
      %dma_wait3A_187 = arith.constant 0 : i32
      %dma_wait3A_188 = arith.constant 0 : i32
      %dma_wait3A_189 = tpu.memref_slice %arg2[%dma_wait3A_187, %dma_wait3A_188] : memref<10000x64xf32, #tpu.memory_space<hbm>> -> memref<10000x64xf32, #tpu.memory_space<hbm>>
      tpu.wait_indirect_dma semaphore(%arg20 : memref<!tpu.dma_semaphore, #tpu.memory_space<semaphore_mem>>) src(%dma_wait3A_189 : memref<10000x64xf32, #tpu.memory_space<hbm>>) dst(%arg11 : memref<125x64xf32, #tpu.memory_space<vmem>>)
      %add3A_190 = arith.constant 3 : i32
      %add3A_191 = arith.addi %mul3A_137, %add3A_190 : i32
      %dma_start3A_192 = arith.constant 0 : i32
      %dma_start3A_193 = tpu.memref_slice %arg7[%add3A_191, %dma_start3A_192] : memref<80x125xi32, #tpu.memory_space<vmem>> -> memref<1x125xi32, #tpu.memory_space<vmem>>
      %dma_start3A_194 = tpu.memref_squeeze %dma_start3A_193 : memref<1x125xi32, #tpu.memory_space<vmem>> -> memref<125xi32, #tpu.memory_space<vmem>>
      %dma_start3A_195 = arith.constant 0 : i32
      %dma_start3A_196 = arith.constant 0 : i32
      %dma_start3A_197 = tpu.memref_slice %arg16[%dma_start3A_195, %dma_start3A_196] : memref<10000x64xf32, #tpu.memory_space<vmem_shared>> -> memref<10000x64xf32, #tpu.memory_space<vmem_shared>>
      tpu.enqueue_indirect_dma source(%arg11 : memref<125x64xf32, #tpu.memory_space<vmem>>) target(%dma_start3A_197 : memref<10000x64xf32, #tpu.memory_space<vmem_shared>>) offsets(%dma_start3A_194 : memref<125xi32, #tpu.memory_space<vmem>>) semaphore(%arg28 : memref<!tpu.dma_semaphore, #tpu.memory_space<semaphore_mem>>) {add = true}
      %dma_wait3A_198 = arith.constant 0 : i32
      %dma_wait3A_199 = arith.constant 0 : i32
      %dma_wait3A_200 = tpu.memref_slice %arg6[%dma_wait3A_198, %dma_wait3A_199] : memref<80x125xi32, #tpu.memory_space<vmem>> -> memref<1x125xi32, #tpu.memory_space<vmem>>
      %dma_wait3A_201 = tpu.memref_squeeze %dma_wait3A_200 : memref<1x125xi32, #tpu.memory_space<vmem>> -> memref<125xi32, #tpu.memory_space<vmem>>
      %dma_wait3A_202 = arith.constant 0 : i32
      %dma_wait3A_203 = arith.constant 0 : i32
      %dma_wait3A_204 = tpu.memref_slice %arg2[%dma_wait3A_202, %dma_wait3A_203] : memref<10000x64xf32, #tpu.memory_space<hbm>> -> memref<10000x64xf32, #tpu.memory_space<hbm>>
      tpu.wait_indirect_dma semaphore(%arg21 : memref<!tpu.dma_semaphore, #tpu.memory_space<semaphore_mem>>) src(%dma_wait3A_204 : memref<10000x64xf32, #tpu.memory_space<hbm>>) dst(%arg12 : memref<125x64xf32, #tpu.memory_space<vmem>>)
      %add3A_205 = arith.constant 4 : i32
      %add3A_206 = arith.addi %mul3A_137, %add3A_205 : i32
      %dma_start3A_207 = arith.constant 0 : i32
      %dma_start3A_208 = tpu.memref_slice %arg7[%add3A_206, %dma_start3A_207] : memref<80x125xi32, #tpu.memory_space<vmem>> -> memref<1x125xi32, #tpu.memory_space<vmem>>
      %dma_start3A_209 = tpu.memref_squeeze %dma_start3A_208 : memref<1x125xi32, #tpu.memory_space<vmem>> -> memref<125xi32, #tpu.memory_space<vmem>>
      %dma_start3A_210 = arith.constant 0 : i32
      %dma_start3A_211 = arith.constant 0 : i32
      %dma_start3A_212 = tpu.memref_slice %arg16[%dma_start3A_210, %dma_start3A_211] : memref<10000x64xf32, #tpu.memory_space<vmem_shared>> -> memref<10000x64xf32, #tpu.memory_space<vmem_shared>>
      tpu.enqueue_indirect_dma source(%arg12 : memref<125x64xf32, #tpu.memory_space<vmem>>) target(%dma_start3A_212 : memref<10000x64xf32, #tpu.memory_space<vmem_shared>>) offsets(%dma_start3A_209 : memref<125xi32, #tpu.memory_space<vmem>>) semaphore(%arg29 : memref<!tpu.dma_semaphore, #tpu.memory_space<semaphore_mem>>) {add = true}
      %dma_wait3A_213 = arith.constant 0 : i32
      %dma_wait3A_214 = arith.constant 0 : i32
      %dma_wait3A_215 = tpu.memref_slice %arg6[%dma_wait3A_213, %dma_wait3A_214] : memref<80x125xi32, #tpu.memory_space<vmem>> -> memref<1x125xi32, #tpu.memory_space<vmem>>
      %dma_wait3A_216 = tpu.memref_squeeze %dma_wait3A_215 : memref<1x125xi32, #tpu.memory_space<vmem>> -> memref<125xi32, #tpu.memory_space<vmem>>
      %dma_wait3A_217 = arith.constant 0 : i32
      %dma_wait3A_218 = arith.constant 0 : i32
      %dma_wait3A_219 = tpu.memref_slice %arg2[%dma_wait3A_217, %dma_wait3A_218] : memref<10000x64xf32, #tpu.memory_space<hbm>> -> memref<10000x64xf32, #tpu.memory_space<hbm>>
      tpu.wait_indirect_dma semaphore(%arg22 : memref<!tpu.dma_semaphore, #tpu.memory_space<semaphore_mem>>) src(%dma_wait3A_219 : memref<10000x64xf32, #tpu.memory_space<hbm>>) dst(%arg13 : memref<125x64xf32, #tpu.memory_space<vmem>>)
      %add3A_220 = arith.constant 5 : i32
      %add3A_221 = arith.addi %mul3A_137, %add3A_220 : i32
      %dma_start3A_222 = arith.constant 0 : i32
      %dma_start3A_223 = tpu.memref_slice %arg7[%add3A_221, %dma_start3A_222] : memref<80x125xi32, #tpu.memory_space<vmem>> -> memref<1x125xi32, #tpu.memory_space<vmem>>
      %dma_start3A_224 = tpu.memref_squeeze %dma_start3A_223 : memref<1x125xi32, #tpu.memory_space<vmem>> -> memref<125xi32, #tpu.memory_space<vmem>>
      %dma_start3A_225 = arith.constant 0 : i32
      %dma_start3A_226 = arith.constant 0 : i32
      %dma_start3A_227 = tpu.memref_slice %arg16[%dma_start3A_225, %dma_start3A_226] : memref<10000x64xf32, #tpu.memory_space<vmem_shared>> -> memref<10000x64xf32, #tpu.memory_space<vmem_shared>>
      tpu.enqueue_indirect_dma source(%arg13 : memref<125x64xf32, #tpu.memory_space<vmem>>) target(%dma_start3A_227 : memref<10000x64xf32, #tpu.memory_space<vmem_shared>>) offsets(%dma_start3A_224 : memref<125xi32, #tpu.memory_space<vmem>>) semaphore(%arg30 : memref<!tpu.dma_semaphore, #tpu.memory_space<semaphore_mem>>) {add = true}
      %dma_wait3A_228 = arith.constant 0 : i32
      %dma_wait3A_229 = arith.constant 0 : i32
      %dma_wait3A_230 = tpu.memref_slice %arg6[%dma_wait3A_228, %dma_wait3A_229] : memref<80x125xi32, #tpu.memory_space<vmem>> -> memref<1x125xi32, #tpu.memory_space<vmem>>
      %dma_wait3A_231 = tpu.memref_squeeze %dma_wait3A_230 : memref<1x125xi32, #tpu.memory_space<vmem>> -> memref<125xi32, #tpu.memory_space<vmem>>
      %dma_wait3A_232 = arith.constant 0 : i32
      %dma_wait3A_233 = arith.constant 0 : i32
      %dma_wait3A_234 = tpu.memref_slice %arg2[%dma_wait3A_232, %dma_wait3A_233] : memref<10000x64xf32, #tpu.memory_space<hbm>> -> memref<10000x64xf32, #tpu.memory_space<hbm>>
      tpu.wait_indirect_dma semaphore(%arg23 : memref<!tpu.dma_semaphore, #tpu.memory_space<semaphore_mem>>) src(%dma_wait3A_234 : memref<10000x64xf32, #tpu.memory_space<hbm>>) dst(%arg14 : memref<125x64xf32, #tpu.memory_space<vmem>>)
      %add3A_235 = arith.constant 6 : i32
      %add3A_236 = arith.addi %mul3A_137, %add3A_235 : i32
      %dma_start3A_237 = arith.constant 0 : i32
      %dma_start3A_238 = tpu.memref_slice %arg7[%add3A_236, %dma_start3A_237] : memref<80x125xi32, #tpu.memory_space<vmem>> -> memref<1x125xi32, #tpu.memory_space<vmem>>
      %dma_start3A_239 = tpu.memref_squeeze %dma_start3A_238 : memref<1x125xi32, #tpu.memory_space<vmem>> -> memref<125xi32, #tpu.memory_space<vmem>>
      %dma_start3A_240 = arith.constant 0 : i32
      %dma_start3A_241 = arith.constant 0 : i32
      %dma_start3A_242 = tpu.memref_slice %arg16[%dma_start3A_240, %dma_start3A_241] : memref<10000x64xf32, #tpu.memory_space<vmem_shared>> -> memref<10000x64xf32, #tpu.memory_space<vmem_shared>>
      tpu.enqueue_indirect_dma source(%arg14 : memref<125x64xf32, #tpu.memory_space<vmem>>) target(%dma_start3A_242 : memref<10000x64xf32, #tpu.memory_space<vmem_shared>>) offsets(%dma_start3A_239 : memref<125xi32, #tpu.memory_space<vmem>>) semaphore(%arg31 : memref<!tpu.dma_semaphore, #tpu.memory_space<semaphore_mem>>) {add = true}
      %dma_wait3A_243 = arith.constant 0 : i32
      %dma_wait3A_244 = arith.constant 0 : i32
      %dma_wait3A_245 = tpu.memref_slice %arg6[%dma_wait3A_243, %dma_wait3A_244] : memref<80x125xi32, #tpu.memory_space<vmem>> -> memref<1x125xi32, #tpu.memory_space<vmem>>
      %dma_wait3A_246 = tpu.memref_squeeze %dma_wait3A_245 : memref<1x125xi32, #tpu.memory_space<vmem>> -> memref<125xi32, #tpu.memory_space<vmem>>
      %dma_wait3A_247 = arith.constant 0 : i32
      %dma_wait3A_248 = arith.constant 0 : i32
      %dma_wait3A_249 = tpu.memref_slice %arg2[%dma_wait3A_247, %dma_wait3A_248] : memref<10000x64xf32, #tpu.memory_space<hbm>> -> memref<10000x64xf32, #tpu.memory_space<hbm>>
      tpu.wait_indirect_dma semaphore(%arg24 : memref<!tpu.dma_semaphore, #tpu.memory_space<semaphore_mem>>) src(%dma_wait3A_249 : memref<10000x64xf32, #tpu.memory_space<hbm>>) dst(%arg15 : memref<125x64xf32, #tpu.memory_space<vmem>>)
      %add3A_250 = arith.constant 7 : i32
      %add3A_251 = arith.addi %mul3A_137, %add3A_250 : i32
      %dma_start3A_252 = arith.constant 0 : i32
      %dma_start3A_253 = tpu.memref_slice %arg7[%add3A_251, %dma_start3A_252] : memref<80x125xi32, #tpu.memory_space<vmem>> -> memref<1x125xi32, #tpu.memory_space<vmem>>
      %dma_start3A_254 = tpu.memref_squeeze %dma_start3A_253 : memref<1x125xi32, #tpu.memory_space<vmem>> -> memref<125xi32, #tpu.memory_space<vmem>>
      %dma_start3A_255 = arith.constant 0 : i32
      %dma_start3A_256 = arith.constant 0 : i32
      %dma_start3A_257 = tpu.memref_slice %arg16[%dma_start3A_255, %dma_start3A_256] : memref<10000x64xf32, #tpu.memory_space<vmem_shared>> -> memref<10000x64xf32, #tpu.memory_space<vmem_shared>>
      tpu.enqueue_indirect_dma source(%arg15 : memref<125x64xf32, #tpu.memory_space<vmem>>) target(%dma_start3A_257 : memref<10000x64xf32, #tpu.memory_space<vmem_shared>>) offsets(%dma_start3A_254 : memref<125xi32, #tpu.memory_space<vmem>>) semaphore(%arg32 : memref<!tpu.dma_semaphore, #tpu.memory_space<semaphore_mem>>) {add = true}
      %add3A_258 = arith.constant 8 : i32
      %add3A_259 = arith.addi %mul3A_137, %add3A_258 : i32
      %add3A_260 = arith.constant 0 : i32
      %add3A_261 = arith.addi %add3A_259, %add3A_260 : i32
      %lt3A = arith.constant 80 : i32
      %lt3A_262 = arith.cmpi slt, %add3A_261, %lt3A : i32
      %convert_element_type3A_263 = arith.extui %lt3A_262 : i1 to i32
      %cond3A_264 = arith.constant 0 : i32
      %cond3A_265 = arith.cmpi ne, %convert_element_type3A_263, %cond3A_264 : i32
      scf.if %cond3A_265 {
        %dma_wait3A_329 = arith.constant 0 : i32
        %dma_wait3A_330 = arith.constant 0 : i32
        %dma_wait3A_331 = tpu.memref_slice %arg7[%dma_wait3A_329, %dma_wait3A_330] : memref<80x125xi32, #tpu.memory_space<vmem>> -> memref<1x125xi32, #tpu.memory_space<vmem>>
        %dma_wait3A_332 = tpu.memref_squeeze %dma_wait3A_331 : memref<1x125xi32, #tpu.memory_space<vmem>> -> memref<125xi32, #tpu.memory_space<vmem>>
        %dma_wait3A_333 = arith.constant 0 : i32
        %dma_wait3A_334 = arith.constant 0 : i32
        %dma_wait3A_335 = tpu.memref_slice %arg16[%dma_wait3A_333, %dma_wait3A_334] : memref<10000x64xf32, #tpu.memory_space<vmem_shared>> -> memref<10000x64xf32, #tpu.memory_space<vmem_shared>>
        tpu.wait_indirect_dma semaphore(%arg25 : memref<!tpu.dma_semaphore, #tpu.memory_space<semaphore_mem>>) src(%arg8 : memref<125x64xf32, #tpu.memory_space<vmem>>) dst(%dma_wait3A_335 : memref<10000x64xf32, #tpu.memory_space<vmem_shared>>)
        %add3A_336 = arith.constant 8 : i32
        %add3A_337 = arith.addi %mul3A_137, %add3A_336 : i32
        %add3A_338 = arith.constant 0 : i32
        %add3A_339 = arith.addi %add3A_337, %add3A_338 : i32
        %dma_start3A_340 = arith.constant 0 : i32
        %dma_start3A_341 = tpu.memref_slice %arg6[%add3A_339, %dma_start3A_340] : memref<80x125xi32, #tpu.memory_space<vmem>> -> memref<1x125xi32, #tpu.memory_space<vmem>>
        %dma_start3A_342 = tpu.memref_squeeze %dma_start3A_341 : memref<1x125xi32, #tpu.memory_space<vmem>> -> memref<125xi32, #tpu.memory_space<vmem>>
        %dma_start3A_343 = arith.constant 0 : i32
        %dma_start3A_344 = arith.constant 0 : i32
        %dma_start3A_345 = tpu.memref_slice %arg2[%dma_start3A_343, %dma_start3A_344] : memref<10000x64xf32, #tpu.memory_space<hbm>> -> memref<10000x64xf32, #tpu.memory_space<hbm>>
        tpu.enqueue_indirect_dma source(%dma_start3A_345 : memref<10000x64xf32, #tpu.memory_space<hbm>>) target(%arg8 : memref<125x64xf32, #tpu.memory_space<vmem>>) offsets(%dma_start3A_342 : memref<125xi32, #tpu.memory_space<vmem>>) semaphore(%arg17 : memref<!tpu.dma_semaphore, #tpu.memory_space<semaphore_mem>>)
      } else {
      }
      %add3A_266 = arith.constant 8 : i32
      %add3A_267 = arith.addi %mul3A_137, %add3A_266 : i32
      %add3A_268 = arith.constant 1 : i32
      %add3A_269 = arith.addi %add3A_267, %add3A_268 : i32
      %lt3A_270 = arith.constant 80 : i32
      %lt3A_271 = arith.cmpi slt, %add3A_269, %lt3A_270 : i32
      %convert_element_type3A_272 = arith.extui %lt3A_271 : i1 to i32
      %cond3A_273 = arith.constant 0 : i32
      %cond3A_274 = arith.cmpi ne, %convert_element_type3A_272, %cond3A_273 : i32
      scf.if %cond3A_274 {
        %dma_wait3A_329 = arith.constant 0 : i32
        %dma_wait3A_330 = arith.constant 0 : i32
        %dma_wait3A_331 = tpu.memref_slice %arg7[%dma_wait3A_329, %dma_wait3A_330] : memref<80x125xi32, #tpu.memory_space<vmem>> -> memref<1x125xi32, #tpu.memory_space<vmem>>
        %dma_wait3A_332 = tpu.memref_squeeze %dma_wait3A_331 : memref<1x125xi32, #tpu.memory_space<vmem>> -> memref<125xi32, #tpu.memory_space<vmem>>
        %dma_wait3A_333 = arith.constant 0 : i32
        %dma_wait3A_334 = arith.constant 0 : i32
        %dma_wait3A_335 = tpu.memref_slice %arg16[%dma_wait3A_333, %dma_wait3A_334] : memref<10000x64xf32, #tpu.memory_space<vmem_shared>> -> memref<10000x64xf32, #tpu.memory_space<vmem_shared>>
        tpu.wait_indirect_dma semaphore(%arg26 : memref<!tpu.dma_semaphore, #tpu.memory_space<semaphore_mem>>) src(%arg9 : memref<125x64xf32, #tpu.memory_space<vmem>>) dst(%dma_wait3A_335 : memref<10000x64xf32, #tpu.memory_space<vmem_shared>>)
        %add3A_336 = arith.constant 8 : i32
        %add3A_337 = arith.addi %mul3A_137, %add3A_336 : i32
        %add3A_338 = arith.constant 1 : i32
        %add3A_339 = arith.addi %add3A_337, %add3A_338 : i32
        %dma_start3A_340 = arith.constant 0 : i32
        %dma_start3A_341 = tpu.memref_slice %arg6[%add3A_339, %dma_start3A_340] : memref<80x125xi32, #tpu.memory_space<vmem>> -> memref<1x125xi32, #tpu.memory_space<vmem>>
        %dma_start3A_342 = tpu.memref_squeeze %dma_start3A_341 : memref<1x125xi32, #tpu.memory_space<vmem>> -> memref<125xi32, #tpu.memory_space<vmem>>
        %dma_start3A_343 = arith.constant 0 : i32
        %dma_start3A_344 = arith.constant 0 : i32
        %dma_start3A_345 = tpu.memref_slice %arg2[%dma_start3A_343, %dma_start3A_344] : memref<10000x64xf32, #tpu.memory_space<hbm>> -> memref<10000x64xf32, #tpu.memory_space<hbm>>
        tpu.enqueue_indirect_dma source(%dma_start3A_345 : memref<10000x64xf32, #tpu.memory_space<hbm>>) target(%arg9 : memref<125x64xf32, #tpu.memory_space<vmem>>) offsets(%dma_start3A_342 : memref<125xi32, #tpu.memory_space<vmem>>) semaphore(%arg18 : memref<!tpu.dma_semaphore, #tpu.memory_space<semaphore_mem>>)
      } else {
      }
      %add3A_275 = arith.constant 8 : i32
      %add3A_276 = arith.addi %mul3A_137, %add3A_275 : i32
      %add3A_277 = arith.constant 2 : i32
      %add3A_278 = arith.addi %add3A_276, %add3A_277 : i32
      %lt3A_279 = arith.constant 80 : i32
      %lt3A_280 = arith.cmpi slt, %add3A_278, %lt3A_279 : i32
      %convert_element_type3A_281 = arith.extui %lt3A_280 : i1 to i32
      %cond3A_282 = arith.constant 0 : i32
      %cond3A_283 = arith.cmpi ne, %convert_element_type3A_281, %cond3A_282 : i32
      scf.if %cond3A_283 {
        %dma_wait3A_329 = arith.constant 0 : i32
        %dma_wait3A_330 = arith.constant 0 : i32
        %dma_wait3A_331 = tpu.memref_slice %arg7[%dma_wait3A_329, %dma_wait3A_330] : memref<80x125xi32, #tpu.memory_space<vmem>> -> memref<1x125xi32, #tpu.memory_space<vmem>>
        %dma_wait3A_332 = tpu.memref_squeeze %dma_wait3A_331 : memref<1x125xi32, #tpu.memory_space<vmem>> -> memref<125xi32, #tpu.memory_space<vmem>>
        %dma_wait3A_333 = arith.constant 0 : i32
        %dma_wait3A_334 = arith.constant 0 : i32
        %dma_wait3A_335 = tpu.memref_slice %arg16[%dma_wait3A_333, %dma_wait3A_334] : memref<10000x64xf32, #tpu.memory_space<vmem_shared>> -> memref<10000x64xf32, #tpu.memory_space<vmem_shared>>
        tpu.wait_indirect_dma semaphore(%arg27 : memref<!tpu.dma_semaphore, #tpu.memory_space<semaphore_mem>>) src(%arg10 : memref<125x64xf32, #tpu.memory_space<vmem>>) dst(%dma_wait3A_335 : memref<10000x64xf32, #tpu.memory_space<vmem_shared>>)
        %add3A_336 = arith.constant 8 : i32
        %add3A_337 = arith.addi %mul3A_137, %add3A_336 : i32
        %add3A_338 = arith.constant 2 : i32
        %add3A_339 = arith.addi %add3A_337, %add3A_338 : i32
        %dma_start3A_340 = arith.constant 0 : i32
        %dma_start3A_341 = tpu.memref_slice %arg6[%add3A_339, %dma_start3A_340] : memref<80x125xi32, #tpu.memory_space<vmem>> -> memref<1x125xi32, #tpu.memory_space<vmem>>
        %dma_start3A_342 = tpu.memref_squeeze %dma_start3A_341 : memref<1x125xi32, #tpu.memory_space<vmem>> -> memref<125xi32, #tpu.memory_space<vmem>>
        %dma_start3A_343 = arith.constant 0 : i32
        %dma_start3A_344 = arith.constant 0 : i32
        %dma_start3A_345 = tpu.memref_slice %arg2[%dma_start3A_343, %dma_start3A_344] : memref<10000x64xf32, #tpu.memory_space<hbm>> -> memref<10000x64xf32, #tpu.memory_space<hbm>>
        tpu.enqueue_indirect_dma source(%dma_start3A_345 : memref<10000x64xf32, #tpu.memory_space<hbm>>) target(%arg10 : memref<125x64xf32, #tpu.memory_space<vmem>>) offsets(%dma_start3A_342 : memref<125xi32, #tpu.memory_space<vmem>>) semaphore(%arg19 : memref<!tpu.dma_semaphore, #tpu.memory_space<semaphore_mem>>)
      } else {
      }
      %add3A_284 = arith.constant 8 : i32
      %add3A_285 = arith.addi %mul3A_137, %add3A_284 : i32
      %add3A_286 = arith.constant 3 : i32
      %add3A_287 = arith.addi %add3A_285, %add3A_286 : i32
      %lt3A_288 = arith.constant 80 : i32
      %lt3A_289 = arith.cmpi slt, %add3A_287, %lt3A_288 : i32
      %convert_element_type3A_290 = arith.extui %lt3A_289 : i1 to i32
      %cond3A_291 = arith.constant 0 : i32
      %cond3A_292 = arith.cmpi ne, %convert_element_type3A_290, %cond3A_291 : i32
      scf.if %cond3A_292 {
        %dma_wait3A_329 = arith.constant 0 : i32
        %dma_wait3A_330 = arith.constant 0 : i32
        %dma_wait3A_331 = tpu.memref_slice %arg7[%dma_wait3A_329, %dma_wait3A_330] : memref<80x125xi32, #tpu.memory_space<vmem>> -> memref<1x125xi32, #tpu.memory_space<vmem>>
        %dma_wait3A_332 = tpu.memref_squeeze %dma_wait3A_331 : memref<1x125xi32, #tpu.memory_space<vmem>> -> memref<125xi32, #tpu.memory_space<vmem>>
        %dma_wait3A_333 = arith.constant 0 : i32
        %dma_wait3A_334 = arith.constant 0 : i32
        %dma_wait3A_335 = tpu.memref_slice %arg16[%dma_wait3A_333, %dma_wait3A_334] : memref<10000x64xf32, #tpu.memory_space<vmem_shared>> -> memref<10000x64xf32, #tpu.memory_space<vmem_shared>>
        tpu.wait_indirect_dma semaphore(%arg28 : memref<!tpu.dma_semaphore, #tpu.memory_space<semaphore_mem>>) src(%arg11 : memref<125x64xf32, #tpu.memory_space<vmem>>) dst(%dma_wait3A_335 : memref<10000x64xf32, #tpu.memory_space<vmem_shared>>)
        %add3A_336 = arith.constant 8 : i32
        %add3A_337 = arith.addi %mul3A_137, %add3A_336 : i32
        %add3A_338 = arith.constant 3 : i32
        %add3A_339 = arith.addi %add3A_337, %add3A_338 : i32
        %dma_start3A_340 = arith.constant 0 : i32
        %dma_start3A_341 = tpu.memref_slice %arg6[%add3A_339, %dma_start3A_340] : memref<80x125xi32, #tpu.memory_space<vmem>> -> memref<1x125xi32, #tpu.memory_space<vmem>>
        %dma_start3A_342 = tpu.memref_squeeze %dma_start3A_341 : memref<1x125xi32, #tpu.memory_space<vmem>> -> memref<125xi32, #tpu.memory_space<vmem>>
        %dma_start3A_343 = arith.constant 0 : i32
        %dma_start3A_344 = arith.constant 0 : i32
        %dma_start3A_345 = tpu.memref_slice %arg2[%dma_start3A_343, %dma_start3A_344] : memref<10000x64xf32, #tpu.memory_space<hbm>> -> memref<10000x64xf32, #tpu.memory_space<hbm>>
        tpu.enqueue_indirect_dma source(%dma_start3A_345 : memref<10000x64xf32, #tpu.memory_space<hbm>>) target(%arg11 : memref<125x64xf32, #tpu.memory_space<vmem>>) offsets(%dma_start3A_342 : memref<125xi32, #tpu.memory_space<vmem>>) semaphore(%arg20 : memref<!tpu.dma_semaphore, #tpu.memory_space<semaphore_mem>>)
      } else {
      }
      %add3A_293 = arith.constant 8 : i32
      %add3A_294 = arith.addi %mul3A_137, %add3A_293 : i32
      %add3A_295 = arith.constant 4 : i32
      %add3A_296 = arith.addi %add3A_294, %add3A_295 : i32
      %lt3A_297 = arith.constant 80 : i32
      %lt3A_298 = arith.cmpi slt, %add3A_296, %lt3A_297 : i32
      %convert_element_type3A_299 = arith.extui %lt3A_298 : i1 to i32
      %cond3A_300 = arith.constant 0 : i32
      %cond3A_301 = arith.cmpi ne, %convert_element_type3A_299, %cond3A_300 : i32
      scf.if %cond3A_301 {
        %dma_wait3A_329 = arith.constant 0 : i32
        %dma_wait3A_330 = arith.constant 0 : i32
        %dma_wait3A_331 = tpu.memref_slice %arg7[%dma_wait3A_329, %dma_wait3A_330] : memref<80x125xi32, #tpu.memory_space<vmem>> -> memref<1x125xi32, #tpu.memory_space<vmem>>
        %dma_wait3A_332 = tpu.memref_squeeze %dma_wait3A_331 : memref<1x125xi32, #tpu.memory_space<vmem>> -> memref<125xi32, #tpu.memory_space<vmem>>
        %dma_wait3A_333 = arith.constant 0 : i32
        %dma_wait3A_334 = arith.constant 0 : i32
        %dma_wait3A_335 = tpu.memref_slice %arg16[%dma_wait3A_333, %dma_wait3A_334] : memref<10000x64xf32, #tpu.memory_space<vmem_shared>> -> memref<10000x64xf32, #tpu.memory_space<vmem_shared>>
        tpu.wait_indirect_dma semaphore(%arg29 : memref<!tpu.dma_semaphore, #tpu.memory_space<semaphore_mem>>) src(%arg12 : memref<125x64xf32, #tpu.memory_space<vmem>>) dst(%dma_wait3A_335 : memref<10000x64xf32, #tpu.memory_space<vmem_shared>>)
        %add3A_336 = arith.constant 8 : i32
        %add3A_337 = arith.addi %mul3A_137, %add3A_336 : i32
        %add3A_338 = arith.constant 4 : i32
        %add3A_339 = arith.addi %add3A_337, %add3A_338 : i32
        %dma_start3A_340 = arith.constant 0 : i32
        %dma_start3A_341 = tpu.memref_slice %arg6[%add3A_339, %dma_start3A_340] : memref<80x125xi32, #tpu.memory_space<vmem>> -> memref<1x125xi32, #tpu.memory_space<vmem>>
        %dma_start3A_342 = tpu.memref_squeeze %dma_start3A_341 : memref<1x125xi32, #tpu.memory_space<vmem>> -> memref<125xi32, #tpu.memory_space<vmem>>
        %dma_start3A_343 = arith.constant 0 : i32
        %dma_start3A_344 = arith.constant 0 : i32
        %dma_start3A_345 = tpu.memref_slice %arg2[%dma_start3A_343, %dma_start3A_344] : memref<10000x64xf32, #tpu.memory_space<hbm>> -> memref<10000x64xf32, #tpu.memory_space<hbm>>
        tpu.enqueue_indirect_dma source(%dma_start3A_345 : memref<10000x64xf32, #tpu.memory_space<hbm>>) target(%arg12 : memref<125x64xf32, #tpu.memory_space<vmem>>) offsets(%dma_start3A_342 : memref<125xi32, #tpu.memory_space<vmem>>) semaphore(%arg21 : memref<!tpu.dma_semaphore, #tpu.memory_space<semaphore_mem>>)
      } else {
      }
      %add3A_302 = arith.constant 8 : i32
      %add3A_303 = arith.addi %mul3A_137, %add3A_302 : i32
      %add3A_304 = arith.constant 5 : i32
      %add3A_305 = arith.addi %add3A_303, %add3A_304 : i32
      %lt3A_306 = arith.constant 80 : i32
      %lt3A_307 = arith.cmpi slt, %add3A_305, %lt3A_306 : i32
      %convert_element_type3A_308 = arith.extui %lt3A_307 : i1 to i32
      %cond3A_309 = arith.constant 0 : i32
      %cond3A_310 = arith.cmpi ne, %convert_element_type3A_308, %cond3A_309 : i32
      scf.if %cond3A_310 {
        %dma_wait3A_329 = arith.constant 0 : i32
        %dma_wait3A_330 = arith.constant 0 : i32
        %dma_wait3A_331 = tpu.memref_slice %arg7[%dma_wait3A_329, %dma_wait3A_330] : memref<80x125xi32, #tpu.memory_space<vmem>> -> memref<1x125xi32, #tpu.memory_space<vmem>>
        %dma_wait3A_332 = tpu.memref_squeeze %dma_wait3A_331 : memref<1x125xi32, #tpu.memory_space<vmem>> -> memref<125xi32, #tpu.memory_space<vmem>>
        %dma_wait3A_333 = arith.constant 0 : i32
        %dma_wait3A_334 = arith.constant 0 : i32
        %dma_wait3A_335 = tpu.memref_slice %arg16[%dma_wait3A_333, %dma_wait3A_334] : memref<10000x64xf32, #tpu.memory_space<vmem_shared>> -> memref<10000x64xf32, #tpu.memory_space<vmem_shared>>
        tpu.wait_indirect_dma semaphore(%arg30 : memref<!tpu.dma_semaphore, #tpu.memory_space<semaphore_mem>>) src(%arg13 : memref<125x64xf32, #tpu.memory_space<vmem>>) dst(%dma_wait3A_335 : memref<10000x64xf32, #tpu.memory_space<vmem_shared>>)
        %add3A_336 = arith.constant 8 : i32
        %add3A_337 = arith.addi %mul3A_137, %add3A_336 : i32
        %add3A_338 = arith.constant 5 : i32
        %add3A_339 = arith.addi %add3A_337, %add3A_338 : i32
        %dma_start3A_340 = arith.constant 0 : i32
        %dma_start3A_341 = tpu.memref_slice %arg6[%add3A_339, %dma_start3A_340] : memref<80x125xi32, #tpu.memory_space<vmem>> -> memref<1x125xi32, #tpu.memory_space<vmem>>
        %dma_start3A_342 = tpu.memref_squeeze %dma_start3A_341 : memref<1x125xi32, #tpu.memory_space<vmem>> -> memref<125xi32, #tpu.memory_space<vmem>>
        %dma_start3A_343 = arith.constant 0 : i32
        %dma_start3A_344 = arith.constant 0 : i32
        %dma_start3A_345 = tpu.memref_slice %arg2[%dma_start3A_343, %dma_start3A_344] : memref<10000x64xf32, #tpu.memory_space<hbm>> -> memref<10000x64xf32, #tpu.memory_space<hbm>>
        tpu.enqueue_indirect_dma source(%dma_start3A_345 : memref<10000x64xf32, #tpu.memory_space<hbm>>) target(%arg13 : memref<125x64xf32, #tpu.memory_space<vmem>>) offsets(%dma_start3A_342 : memref<125xi32, #tpu.memory_space<vmem>>) semaphore(%arg22 : memref<!tpu.dma_semaphore, #tpu.memory_space<semaphore_mem>>)
      } else {
      }
      %add3A_311 = arith.constant 8 : i32
      %add3A_312 = arith.addi %mul3A_137, %add3A_311 : i32
      %add3A_313 = arith.constant 6 : i32
      %add3A_314 = arith.addi %add3A_312, %add3A_313 : i32
      %lt3A_315 = arith.constant 80 : i32
      %lt3A_316 = arith.cmpi slt, %add3A_314, %lt3A_315 : i32
      %convert_element_type3A_317 = arith.extui %lt3A_316 : i1 to i32
      %cond3A_318 = arith.constant 0 : i32
      %cond3A_319 = arith.cmpi ne, %convert_element_type3A_317, %cond3A_318 : i32
      scf.if %cond3A_319 {
        %dma_wait3A_329 = arith.constant 0 : i32
        %dma_wait3A_330 = arith.constant 0 : i32
        %dma_wait3A_331 = tpu.memref_slice %arg7[%dma_wait3A_329, %dma_wait3A_330] : memref<80x125xi32, #tpu.memory_space<vmem>> -> memref<1x125xi32, #tpu.memory_space<vmem>>
        %dma_wait3A_332 = tpu.memref_squeeze %dma_wait3A_331 : memref<1x125xi32, #tpu.memory_space<vmem>> -> memref<125xi32, #tpu.memory_space<vmem>>
        %dma_wait3A_333 = arith.constant 0 : i32
        %dma_wait3A_334 = arith.constant 0 : i32
        %dma_wait3A_335 = tpu.memref_slice %arg16[%dma_wait3A_333, %dma_wait3A_334] : memref<10000x64xf32, #tpu.memory_space<vmem_shared>> -> memref<10000x64xf32, #tpu.memory_space<vmem_shared>>
        tpu.wait_indirect_dma semaphore(%arg31 : memref<!tpu.dma_semaphore, #tpu.memory_space<semaphore_mem>>) src(%arg14 : memref<125x64xf32, #tpu.memory_space<vmem>>) dst(%dma_wait3A_335 : memref<10000x64xf32, #tpu.memory_space<vmem_shared>>)
        %add3A_336 = arith.constant 8 : i32
        %add3A_337 = arith.addi %mul3A_137, %add3A_336 : i32
        %add3A_338 = arith.constant 6 : i32
        %add3A_339 = arith.addi %add3A_337, %add3A_338 : i32
        %dma_start3A_340 = arith.constant 0 : i32
        %dma_start3A_341 = tpu.memref_slice %arg6[%add3A_339, %dma_start3A_340] : memref<80x125xi32, #tpu.memory_space<vmem>> -> memref<1x125xi32, #tpu.memory_space<vmem>>
        %dma_start3A_342 = tpu.memref_squeeze %dma_start3A_341 : memref<1x125xi32, #tpu.memory_space<vmem>> -> memref<125xi32, #tpu.memory_space<vmem>>
        %dma_start3A_343 = arith.constant 0 : i32
        %dma_start3A_344 = arith.constant 0 : i32
        %dma_start3A_345 = tpu.memref_slice %arg2[%dma_start3A_343, %dma_start3A_344] : memref<10000x64xf32, #tpu.memory_space<hbm>> -> memref<10000x64xf32, #tpu.memory_space<hbm>>
        tpu.enqueue_indirect_dma source(%dma_start3A_345 : memref<10000x64xf32, #tpu.memory_space<hbm>>) target(%arg14 : memref<125x64xf32, #tpu.memory_space<vmem>>) offsets(%dma_start3A_342 : memref<125xi32, #tpu.memory_space<vmem>>) semaphore(%arg23 : memref<!tpu.dma_semaphore, #tpu.memory_space<semaphore_mem>>)
      } else {
      }
      %add3A_320 = arith.constant 8 : i32
      %add3A_321 = arith.addi %mul3A_137, %add3A_320 : i32
      %add3A_322 = arith.constant 7 : i32
      %add3A_323 = arith.addi %add3A_321, %add3A_322 : i32
      %lt3A_324 = arith.constant 80 : i32
      %lt3A_325 = arith.cmpi slt, %add3A_323, %lt3A_324 : i32
      %convert_element_type3A_326 = arith.extui %lt3A_325 : i1 to i32
      %cond3A_327 = arith.constant 0 : i32
      %cond3A_328 = arith.cmpi ne, %convert_element_type3A_326, %cond3A_327 : i32
      scf.if %cond3A_328 {
        %dma_wait3A_329 = arith.constant 0 : i32
        %dma_wait3A_330 = arith.constant 0 : i32
        %dma_wait3A_331 = tpu.memref_slice %arg7[%dma_wait3A_329, %dma_wait3A_330] : memref<80x125xi32, #tpu.memory_space<vmem>> -> memref<1x125xi32, #tpu.memory_space<vmem>>
        %dma_wait3A_332 = tpu.memref_squeeze %dma_wait3A_331 : memref<1x125xi32, #tpu.memory_space<vmem>> -> memref<125xi32, #tpu.memory_space<vmem>>
        %dma_wait3A_333 = arith.constant 0 : i32
        %dma_wait3A_334 = arith.constant 0 : i32
        %dma_wait3A_335 = tpu.memref_slice %arg16[%dma_wait3A_333, %dma_wait3A_334] : memref<10000x64xf32, #tpu.memory_space<vmem_shared>> -> memref<10000x64xf32, #tpu.memory_space<vmem_shared>>
        tpu.wait_indirect_dma semaphore(%arg32 : memref<!tpu.dma_semaphore, #tpu.memory_space<semaphore_mem>>) src(%arg15 : memref<125x64xf32, #tpu.memory_space<vmem>>) dst(%dma_wait3A_335 : memref<10000x64xf32, #tpu.memory_space<vmem_shared>>)
        %add3A_336 = arith.constant 8 : i32
        %add3A_337 = arith.addi %mul3A_137, %add3A_336 : i32
        %add3A_338 = arith.constant 7 : i32
        %add3A_339 = arith.addi %add3A_337, %add3A_338 : i32
        %dma_start3A_340 = arith.constant 0 : i32
        %dma_start3A_341 = tpu.memref_slice %arg6[%add3A_339, %dma_start3A_340] : memref<80x125xi32, #tpu.memory_space<vmem>> -> memref<1x125xi32, #tpu.memory_space<vmem>>
        %dma_start3A_342 = tpu.memref_squeeze %dma_start3A_341 : memref<1x125xi32, #tpu.memory_space<vmem>> -> memref<125xi32, #tpu.memory_space<vmem>>
        %dma_start3A_343 = arith.constant 0 : i32
        %dma_start3A_344 = arith.constant 0 : i32
        %dma_start3A_345 = tpu.memref_slice %arg2[%dma_start3A_343, %dma_start3A_344] : memref<10000x64xf32, #tpu.memory_space<hbm>> -> memref<10000x64xf32, #tpu.memory_space<hbm>>
        tpu.enqueue_indirect_dma source(%dma_start3A_345 : memref<10000x64xf32, #tpu.memory_space<hbm>>) target(%arg15 : memref<125x64xf32, #tpu.memory_space<vmem>>) offsets(%dma_start3A_342 : memref<125xi32, #tpu.memory_space<vmem>>) semaphore(%arg24 : memref<!tpu.dma_semaphore, #tpu.memory_space<semaphore_mem>>)
      } else {
      }
    }
    %scan3A_71 = arith.constant 10 : i32
    %dma_wait3A = arith.constant 0 : i32
    %dma_wait3A_72 = arith.constant 0 : i32
    %dma_wait3A_73 = tpu.memref_slice %arg7[%dma_wait3A, %dma_wait3A_72] : memref<80x125xi32, #tpu.memory_space<vmem>> -> memref<1x125xi32, #tpu.memory_space<vmem>>
    %dma_wait3A_74 = tpu.memref_squeeze %dma_wait3A_73 : memref<1x125xi32, #tpu.memory_space<vmem>> -> memref<125xi32, #tpu.memory_space<vmem>>
    %dma_wait3A_75 = arith.constant 0 : i32
    %dma_wait3A_76 = arith.constant 0 : i32
    %dma_wait3A_77 = tpu.memref_slice %arg16[%dma_wait3A_75, %dma_wait3A_76] : memref<10000x64xf32, #tpu.memory_space<vmem_shared>> -> memref<10000x64xf32, #tpu.memory_space<vmem_shared>>
    tpu.wait_indirect_dma semaphore(%arg25 : memref<!tpu.dma_semaphore, #tpu.memory_space<semaphore_mem>>) src(%arg8 : memref<125x64xf32, #tpu.memory_space<vmem>>) dst(%dma_wait3A_77 : memref<10000x64xf32, #tpu.memory_space<vmem_shared>>)
    %dma_wait3A_78 = arith.constant 0 : i32
    %dma_wait3A_79 = arith.constant 0 : i32
    %dma_wait3A_80 = tpu.memref_slice %arg7[%dma_wait3A_78, %dma_wait3A_79] : memref<80x125xi32, #tpu.memory_space<vmem>> -> memref<1x125xi32, #tpu.memory_space<vmem>>
    %dma_wait3A_81 = tpu.memref_squeeze %dma_wait3A_80 : memref<1x125xi32, #tpu.memory_space<vmem>> -> memref<125xi32, #tpu.memory_space<vmem>>
    %dma_wait3A_82 = arith.constant 0 : i32
    %dma_wait3A_83 = arith.constant 0 : i32
    %dma_wait3A_84 = tpu.memref_slice %arg16[%dma_wait3A_82, %dma_wait3A_83] : memref<10000x64xf32, #tpu.memory_space<vmem_shared>> -> memref<10000x64xf32, #tpu.memory_space<vmem_shared>>
    tpu.wait_indirect_dma semaphore(%arg26 : memref<!tpu.dma_semaphore, #tpu.memory_space<semaphore_mem>>) src(%arg9 : memref<125x64xf32, #tpu.memory_space<vmem>>) dst(%dma_wait3A_84 : memref<10000x64xf32, #tpu.memory_space<vmem_shared>>)
    %dma_wait3A_85 = arith.constant 0 : i32
    %dma_wait3A_86 = arith.constant 0 : i32
    %dma_wait3A_87 = tpu.memref_slice %arg7[%dma_wait3A_85, %dma_wait3A_86] : memref<80x125xi32, #tpu.memory_space<vmem>> -> memref<1x125xi32, #tpu.memory_space<vmem>>
    %dma_wait3A_88 = tpu.memref_squeeze %dma_wait3A_87 : memref<1x125xi32, #tpu.memory_space<vmem>> -> memref<125xi32, #tpu.memory_space<vmem>>
    %dma_wait3A_89 = arith.constant 0 : i32
    %dma_wait3A_90 = arith.constant 0 : i32
    %dma_wait3A_91 = tpu.memref_slice %arg16[%dma_wait3A_89, %dma_wait3A_90] : memref<10000x64xf32, #tpu.memory_space<vmem_shared>> -> memref<10000x64xf32, #tpu.memory_space<vmem_shared>>
    tpu.wait_indirect_dma semaphore(%arg27 : memref<!tpu.dma_semaphore, #tpu.memory_space<semaphore_mem>>) src(%arg10 : memref<125x64xf32, #tpu.memory_space<vmem>>) dst(%dma_wait3A_91 : memref<10000x64xf32, #tpu.memory_space<vmem_shared>>)
    %dma_wait3A_92 = arith.constant 0 : i32
    %dma_wait3A_93 = arith.constant 0 : i32
    %dma_wait3A_94 = tpu.memref_slice %arg7[%dma_wait3A_92, %dma_wait3A_93] : memref<80x125xi32, #tpu.memory_space<vmem>> -> memref<1x125xi32, #tpu.memory_space<vmem>>
    %dma_wait3A_95 = tpu.memref_squeeze %dma_wait3A_94 : memref<1x125xi32, #tpu.memory_space<vmem>> -> memref<125xi32, #tpu.memory_space<vmem>>
    %dma_wait3A_96 = arith.constant 0 : i32
    %dma_wait3A_97 = arith.constant 0 : i32
    %dma_wait3A_98 = tpu.memref_slice %arg16[%dma_wait3A_96, %dma_wait3A_97] : memref<10000x64xf32, #tpu.memory_space<vmem_shared>> -> memref<10000x64xf32, #tpu.memory_space<vmem_shared>>
    tpu.wait_indirect_dma semaphore(%arg28 : memref<!tpu.dma_semaphore, #tpu.memory_space<semaphore_mem>>) src(%arg11 : memref<125x64xf32, #tpu.memory_space<vmem>>) dst(%dma_wait3A_98 : memref<10000x64xf32, #tpu.memory_space<vmem_shared>>)
    %dma_wait3A_99 = arith.constant 0 : i32
    %dma_wait3A_100 = arith.constant 0 : i32
    %dma_wait3A_101 = tpu.memref_slice %arg7[%dma_wait3A_99, %dma_wait3A_100] : memref<80x125xi32, #tpu.memory_space<vmem>> -> memref<1x125xi32, #tpu.memory_space<vmem>>
    %dma_wait3A_102 = tpu.memref_squeeze %dma_wait3A_101 : memref<1x125xi32, #tpu.memory_space<vmem>> -> memref<125xi32, #tpu.memory_space<vmem>>
    %dma_wait3A_103 = arith.constant 0 : i32
    %dma_wait3A_104 = arith.constant 0 : i32
    %dma_wait3A_105 = tpu.memref_slice %arg16[%dma_wait3A_103, %dma_wait3A_104] : memref<10000x64xf32, #tpu.memory_space<vmem_shared>> -> memref<10000x64xf32, #tpu.memory_space<vmem_shared>>
    tpu.wait_indirect_dma semaphore(%arg29 : memref<!tpu.dma_semaphore, #tpu.memory_space<semaphore_mem>>) src(%arg12 : memref<125x64xf32, #tpu.memory_space<vmem>>) dst(%dma_wait3A_105 : memref<10000x64xf32, #tpu.memory_space<vmem_shared>>)
    %dma_wait3A_106 = arith.constant 0 : i32
    %dma_wait3A_107 = arith.constant 0 : i32
    %dma_wait3A_108 = tpu.memref_slice %arg7[%dma_wait3A_106, %dma_wait3A_107] : memref<80x125xi32, #tpu.memory_space<vmem>> -> memref<1x125xi32, #tpu.memory_space<vmem>>
    %dma_wait3A_109 = tpu.memref_squeeze %dma_wait3A_108 : memref<1x125xi32, #tpu.memory_space<vmem>> -> memref<125xi32, #tpu.memory_space<vmem>>
    %dma_wait3A_110 = arith.constant 0 : i32
    %dma_wait3A_111 = arith.constant 0 : i32
    %dma_wait3A_112 = tpu.memref_slice %arg16[%dma_wait3A_110, %dma_wait3A_111] : memref<10000x64xf32, #tpu.memory_space<vmem_shared>> -> memref<10000x64xf32, #tpu.memory_space<vmem_shared>>
    tpu.wait_indirect_dma semaphore(%arg30 : memref<!tpu.dma_semaphore, #tpu.memory_space<semaphore_mem>>) src(%arg13 : memref<125x64xf32, #tpu.memory_space<vmem>>) dst(%dma_wait3A_112 : memref<10000x64xf32, #tpu.memory_space<vmem_shared>>)
    %dma_wait3A_113 = arith.constant 0 : i32
    %dma_wait3A_114 = arith.constant 0 : i32
    %dma_wait3A_115 = tpu.memref_slice %arg7[%dma_wait3A_113, %dma_wait3A_114] : memref<80x125xi32, #tpu.memory_space<vmem>> -> memref<1x125xi32, #tpu.memory_space<vmem>>
    %dma_wait3A_116 = tpu.memref_squeeze %dma_wait3A_115 : memref<1x125xi32, #tpu.memory_space<vmem>> -> memref<125xi32, #tpu.memory_space<vmem>>
    %dma_wait3A_117 = arith.constant 0 : i32
    %dma_wait3A_118 = arith.constant 0 : i32
    %dma_wait3A_119 = tpu.memref_slice %arg16[%dma_wait3A_117, %dma_wait3A_118] : memref<10000x64xf32, #tpu.memory_space<vmem_shared>> -> memref<10000x64xf32, #tpu.memory_space<vmem_shared>>
    tpu.wait_indirect_dma semaphore(%arg31 : memref<!tpu.dma_semaphore, #tpu.memory_space<semaphore_mem>>) src(%arg14 : memref<125x64xf32, #tpu.memory_space<vmem>>) dst(%dma_wait3A_119 : memref<10000x64xf32, #tpu.memory_space<vmem_shared>>)
    %dma_wait3A_120 = arith.constant 0 : i32
    %dma_wait3A_121 = arith.constant 0 : i32
    %dma_wait3A_122 = tpu.memref_slice %arg7[%dma_wait3A_120, %dma_wait3A_121] : memref<80x125xi32, #tpu.memory_space<vmem>> -> memref<1x125xi32, #tpu.memory_space<vmem>>
    %dma_wait3A_123 = tpu.memref_squeeze %dma_wait3A_122 : memref<1x125xi32, #tpu.memory_space<vmem>> -> memref<125xi32, #tpu.memory_space<vmem>>
    %dma_wait3A_124 = arith.constant 0 : i32
    %dma_wait3A_125 = arith.constant 0 : i32
    %dma_wait3A_126 = tpu.memref_slice %arg16[%dma_wait3A_124, %dma_wait3A_125] : memref<10000x64xf32, #tpu.memory_space<vmem_shared>> -> memref<10000x64xf32, #tpu.memory_space<vmem_shared>>
    tpu.wait_indirect_dma semaphore(%arg32 : memref<!tpu.dma_semaphore, #tpu.memory_space<semaphore_mem>>) src(%arg15 : memref<125x64xf32, #tpu.memory_space<vmem>>) dst(%dma_wait3A_126 : memref<10000x64xf32, #tpu.memory_space<vmem_shared>>)
    %barrier3A_127 = arith.constant 0 : index
    tpu.barrier barrier_id(%barrier3A_127)
    %mul3A_128 = arith.constant 624 : i32
    %mul3A_129 = arith.muli %arg1, %mul3A_128 : i32
    %multiple_of3A = tpu.assume_multiple %mul3A_129, 8 : i32
    "tpu.region"() ({
      %run_scoped3A_135 = tpu.sem_alloc : memref<!tpu.dma_semaphore, #tpu.memory_space<semaphore_mem>>
      %dma_start3A_136 = arith.constant 0 : i32
      %dma_start3A_137 = tpu.memref_slice %arg5[%arg0, %multiple_of3A, %dma_start3A_136] : memref<2x10000x128xf32, #tpu.memory_space<hbm>> -> memref<1x624x64xf32, #tpu.memory_space<hbm>>
      %dma_start3A_138 = tpu.memref_squeeze %dma_start3A_137 : memref<1x624x64xf32, #tpu.memory_space<hbm>> -> memref<624x64xf32, #tpu.memory_space<hbm>>
      %dma_start3A_139 = arith.constant 0 : i32
      %dma_start3A_140 = tpu.memref_slice %arg16[%multiple_of3A, %dma_start3A_139] : memref<10000x64xf32, #tpu.memory_space<vmem_shared>> -> memref<624x64xf32, #tpu.memory_space<vmem_shared>>
      tpu.enqueue_dma source(%dma_start3A_140 : memref<624x64xf32, #tpu.memory_space<vmem_shared>>) target(%dma_start3A_138 : memref<624x64xf32, #tpu.memory_space<hbm>>) target_semaphore(%run_scoped3A_135 : memref<!tpu.dma_semaphore, #tpu.memory_space<semaphore_mem>>)
      %dma_wait3A_141 = arith.constant 0 : i32
      %dma_wait3A_142 = tpu.memref_slice %arg5[%arg0, %multiple_of3A, %dma_wait3A_141] : memref<2x10000x128xf32, #tpu.memory_space<hbm>> -> memref<1x624x64xf32, #tpu.memory_space<hbm>>
      %dma_wait3A_143 = tpu.memref_squeeze %dma_wait3A_142 : memref<1x624x64xf32, #tpu.memory_space<hbm>> -> memref<624x64xf32, #tpu.memory_space<hbm>>
      %dma_wait3A_144 = arith.constant 0 : i32
      %dma_wait3A_145 = tpu.memref_slice %arg16[%multiple_of3A, %dma_wait3A_144] : memref<10000x64xf32, #tpu.memory_space<vmem_shared>> -> memref<624x64xf32, #tpu.memory_space<vmem_shared>>
      tpu.wait_dma2 semaphore(%run_scoped3A_135 : memref<!tpu.dma_semaphore, #tpu.memory_space<semaphore_mem>>) src(%dma_wait3A_145 : memref<624x64xf32, #tpu.memory_space<vmem_shared>>) dst(%dma_wait3A_143 : memref<624x64xf32, #tpu.memory_space<hbm>>)
      tpu.yield
    }) : () -> ()
    %eq3A_130 = arith.constant 15 : i32
    %eq3A_131 = arith.cmpi eq, %arg1, %eq3A_130 : i32
    %convert_element_type3A_132 = arith.extui %eq3A_131 : i1 to i32
    %cond3A_133 = arith.constant 0 : i32
    %cond3A_134 = arith.cmpi ne, %convert_element_type3A_132, %cond3A_133 : i32
    scf.if %cond3A_134 {
      "tpu.region"() ({
        %run_scoped3A_135 = tpu.sem_alloc : memref<!tpu.dma_semaphore, #tpu.memory_space<semaphore_mem>>
        %dma_start3A_136 = arith.constant 9984 : i32
        %dma_start3A_137 = arith.constant 0 : i32
        %dma_start3A_138 = tpu.memref_slice %arg5[%arg0, %dma_start3A_136, %dma_start3A_137] : memref<2x10000x128xf32, #tpu.memory_space<hbm>> -> memref<1x16x64xf32, #tpu.memory_space<hbm>>
        %dma_start3A_139 = tpu.memref_squeeze %dma_start3A_138 : memref<1x16x64xf32, #tpu.memory_space<hbm>> -> memref<16x64xf32, #tpu.memory_space<hbm>>
        %dma_start3A_140 = arith.constant 9984 : i32
        %dma_start3A_141 = arith.constant 0 : i32
        %dma_start3A_142 = tpu.memref_slice %arg16[%dma_start3A_140, %dma_start3A_141] : memref<10000x64xf32, #tpu.memory_space<vmem_shared>> -> memref<16x64xf32, #tpu.memory_space<vmem_shared>>
        tpu.enqueue_dma source(%dma_start3A_142 : memref<16x64xf32, #tpu.memory_space<vmem_shared>>) target(%dma_start3A_139 : memref<16x64xf32, #tpu.memory_space<hbm>>) target_semaphore(%run_scoped3A_135 : memref<!tpu.dma_semaphore, #tpu.memory_space<semaphore_mem>>)
        %dma_wait3A_143 = arith.constant 9984 : i32
        %dma_wait3A_144 = arith.constant 0 : i32
        %dma_wait3A_145 = tpu.memref_slice %arg5[%arg0, %dma_wait3A_143, %dma_wait3A_144] : memref<2x10000x128xf32, #tpu.memory_space<hbm>> -> memref<1x16x64xf32, #tpu.memory_space<hbm>>
        %dma_wait3A_146 = tpu.memref_squeeze %dma_wait3A_145 : memref<1x16x64xf32, #tpu.memory_space<hbm>> -> memref<16x64xf32, #tpu.memory_space<hbm>>
        %dma_wait3A_147 = arith.constant 9984 : i32
        %dma_wait3A_148 = arith.constant 0 : i32
        %dma_wait3A_149 = tpu.memref_slice %arg16[%dma_wait3A_147, %dma_wait3A_148] : memref<10000x64xf32, #tpu.memory_space<vmem_shared>> -> memref<16x64xf32, #tpu.memory_space<vmem_shared>>
        tpu.wait_dma2 semaphore(%run_scoped3A_135 : memref<!tpu.dma_semaphore, #tpu.memory_space<semaphore_mem>>) src(%dma_wait3A_149 : memref<16x64xf32, #tpu.memory_space<vmem_shared>>) dst(%dma_wait3A_146 : memref<16x64xf32, #tpu.memory_space<hbm>>)
        tpu.yield
      }) : () -> ()
    } else {
    }
    return
  }
}

#map = affine_map<(d0, d1) -> (0, 0, 0)>
#map1 = affine_map<(d0, d1) -> (0, 0)>
module attributes {stable_mosaic.version = 14 : i64} {
  func.func @_deg_body(%arg0: i32, %arg1: i32, %arg2: memref<2x2560x125xi32, #tpu.memory_space<hbm>>, %arg3: memref<125x8xf32, #tpu.memory_space<hbm>>, %arg4: memref<10000x8xf32, #tpu.memory_space<hbm>>, %arg5: memref<2x10000x8xf32, #tpu.memory_space<hbm>>, %arg6: memref<80x125xi32, #tpu.memory_space<vmem>>, %arg7: memref<125x8xf32, #tpu.memory_space<vmem>>, %arg8: memref<10000x8xf32, #tpu.memory_space<vmem_shared>>, %arg9: memref<!tpu.dma_semaphore, #tpu.memory_space<semaphore_mem>>) attributes {dimension_semantics = [#tpu.dimension_semantics<core_parallel>, #tpu.dimension_semantics<subcore_parallel>], iteration_bounds = array<i64: 2, 16>, scalar_prefetch = 0 : i64, scratch_operands = 4 : i64, tpu.core_type = #tpu.core_type<sc_vector_subcore>, window_params = [{transform_indices = #map}, {transform_indices = #map1}, {transform_indices = #map1}, {transform_indices = #map}]} {
    %mul3A = arith.constant 2 : i32
    %mul3A_0 = arith.muli %arg1, %mul3A : i32
    %add3A = arith.addi %mul3A_0, %arg0 : i32
    %mul3A_1 = arith.constant 624 : i32
    %mul3A_2 = arith.muli %arg1, %mul3A_1 : i32
    %multiple_of3A = tpu.assume_multiple %mul3A_2, 8 : i32
    "tpu.region"() ({
      %run_scoped3A_21 = tpu.sem_alloc : memref<!tpu.dma_semaphore, #tpu.memory_space<semaphore_mem>>
      %dma_start3A = arith.constant 0 : i32
      %dma_start3A_22 = tpu.memref_slice %arg8[%multiple_of3A, %dma_start3A] : memref<10000x8xf32, #tpu.memory_space<vmem_shared>> -> memref<624x8xf32, #tpu.memory_space<vmem_shared>>
      %dma_start3A_23 = arith.constant 0 : i32
      %dma_start3A_24 = tpu.memref_slice %arg4[%multiple_of3A, %dma_start3A_23] : memref<10000x8xf32, #tpu.memory_space<hbm>> -> memref<624x8xf32, #tpu.memory_space<hbm>>
      tpu.enqueue_dma source(%dma_start3A_24 : memref<624x8xf32, #tpu.memory_space<hbm>>) target(%dma_start3A_22 : memref<624x8xf32, #tpu.memory_space<vmem_shared>>) target_semaphore(%run_scoped3A_21 : memref<!tpu.dma_semaphore, #tpu.memory_space<semaphore_mem>>)
      %dma_wait3A = arith.constant 0 : i32
      %dma_wait3A_25 = tpu.memref_slice %arg8[%multiple_of3A, %dma_wait3A] : memref<10000x8xf32, #tpu.memory_space<vmem_shared>> -> memref<624x8xf32, #tpu.memory_space<vmem_shared>>
      %dma_wait3A_26 = arith.constant 0 : i32
      %dma_wait3A_27 = tpu.memref_slice %arg4[%multiple_of3A, %dma_wait3A_26] : memref<10000x8xf32, #tpu.memory_space<hbm>> -> memref<624x8xf32, #tpu.memory_space<hbm>>
      tpu.wait_dma2 semaphore(%run_scoped3A_21 : memref<!tpu.dma_semaphore, #tpu.memory_space<semaphore_mem>>) src(%dma_wait3A_27 : memref<624x8xf32, #tpu.memory_space<hbm>>) dst(%dma_wait3A_25 : memref<624x8xf32, #tpu.memory_space<vmem_shared>>)
      tpu.yield
    }) : () -> ()
    %eq3A = arith.constant 15 : i32
    %eq3A_3 = arith.cmpi eq, %arg1, %eq3A : i32
    %convert_element_type3A = arith.extui %eq3A_3 : i1 to i32
    %cond3A = arith.constant 0 : i32
    %cond3A_4 = arith.cmpi ne, %convert_element_type3A, %cond3A : i32
    scf.if %cond3A_4 {
      "tpu.region"() ({
        %run_scoped3A_21 = tpu.sem_alloc : memref<!tpu.dma_semaphore, #tpu.memory_space<semaphore_mem>>
        %dma_start3A = arith.constant 9984 : i32
        %dma_start3A_22 = arith.constant 0 : i32
        %dma_start3A_23 = tpu.memref_slice %arg8[%dma_start3A, %dma_start3A_22] : memref<10000x8xf32, #tpu.memory_space<vmem_shared>> -> memref<16x8xf32, #tpu.memory_space<vmem_shared>>
        %dma_start3A_24 = arith.constant 9984 : i32
        %dma_start3A_25 = arith.constant 0 : i32
        %dma_start3A_26 = tpu.memref_slice %arg4[%dma_start3A_24, %dma_start3A_25] : memref<10000x8xf32, #tpu.memory_space<hbm>> -> memref<16x8xf32, #tpu.memory_space<hbm>>
        tpu.enqueue_dma source(%dma_start3A_26 : memref<16x8xf32, #tpu.memory_space<hbm>>) target(%dma_start3A_23 : memref<16x8xf32, #tpu.memory_space<vmem_shared>>) target_semaphore(%run_scoped3A_21 : memref<!tpu.dma_semaphore, #tpu.memory_space<semaphore_mem>>)
        %dma_wait3A = arith.constant 9984 : i32
        %dma_wait3A_27 = arith.constant 0 : i32
        %dma_wait3A_28 = tpu.memref_slice %arg8[%dma_wait3A, %dma_wait3A_27] : memref<10000x8xf32, #tpu.memory_space<vmem_shared>> -> memref<16x8xf32, #tpu.memory_space<vmem_shared>>
        %dma_wait3A_29 = arith.constant 9984 : i32
        %dma_wait3A_30 = arith.constant 0 : i32
        %dma_wait3A_31 = tpu.memref_slice %arg4[%dma_wait3A_29, %dma_wait3A_30] : memref<10000x8xf32, #tpu.memory_space<hbm>> -> memref<16x8xf32, #tpu.memory_space<hbm>>
        tpu.wait_dma2 semaphore(%run_scoped3A_21 : memref<!tpu.dma_semaphore, #tpu.memory_space<semaphore_mem>>) src(%dma_wait3A_31 : memref<16x8xf32, #tpu.memory_space<hbm>>) dst(%dma_wait3A_28 : memref<16x8xf32, #tpu.memory_space<vmem_shared>>)
        tpu.yield
      }) : () -> ()
    } else {
    }
    "tpu.region"() ({
      %run_scoped3A_21 = tpu.sem_alloc : memref<!tpu.dma_semaphore, #tpu.memory_space<semaphore_mem>>
      tpu.enqueue_dma source(%arg3 : memref<125x8xf32, #tpu.memory_space<hbm>>) target(%arg7 : memref<125x8xf32, #tpu.memory_space<vmem>>) target_semaphore(%run_scoped3A_21 : memref<!tpu.dma_semaphore, #tpu.memory_space<semaphore_mem>>)
      tpu.wait_dma2 semaphore(%run_scoped3A_21 : memref<!tpu.dma_semaphore, #tpu.memory_space<semaphore_mem>>) src(%arg3 : memref<125x8xf32, #tpu.memory_space<hbm>>) dst(%arg7 : memref<125x8xf32, #tpu.memory_space<vmem>>)
      tpu.yield
    }) : () -> ()
    %mul3A_5 = arith.constant 80 : i32
    %mul3A_6 = arith.muli %add3A, %mul3A_5 : i32
    %run_scoped3A = arith.constant 1 : i32
    "tpu.region"() ({
      %run_scoped3A_21 = tpu.sem_alloc : memref<!tpu.dma_semaphore, #tpu.memory_space<semaphore_mem>>
      %dma_start3A = arith.constant 0 : i32
      %dma_start3A_22 = tpu.memref_slice %arg2[%run_scoped3A, %mul3A_6, %dma_start3A] : memref<2x2560x125xi32, #tpu.memory_space<hbm>> -> memref<1x80x125xi32, #tpu.memory_space<hbm>>
      %dma_start3A_23 = tpu.memref_squeeze %dma_start3A_22 : memref<1x80x125xi32, #tpu.memory_space<hbm>> -> memref<80x125xi32, #tpu.memory_space<hbm>>
      %dma_start3A_24 = arith.constant 0 : i32
      %dma_start3A_25 = tpu.memref_slice %arg2[%run_scoped3A, %mul3A_6, %dma_start3A_24] : memref<2x2560x125xi32, #tpu.memory_space<hbm>> -> memref<1x80x125xi32, #tpu.memory_space<hbm>>
      %dma_start3A_26 = tpu.memref_squeeze %dma_start3A_25 : memref<1x80x125xi32, #tpu.memory_space<hbm>> -> memref<80x125xi32, #tpu.memory_space<hbm>>
      tpu.enqueue_dma source(%dma_start3A_26 : memref<80x125xi32, #tpu.memory_space<hbm>>) target(%arg6 : memref<80x125xi32, #tpu.memory_space<vmem>>) target_semaphore(%run_scoped3A_21 : memref<!tpu.dma_semaphore, #tpu.memory_space<semaphore_mem>>)
      %dma_wait3A = arith.constant 0 : i32
      %dma_wait3A_27 = tpu.memref_slice %arg2[%run_scoped3A, %mul3A_6, %dma_wait3A] : memref<2x2560x125xi32, #tpu.memory_space<hbm>> -> memref<1x80x125xi32, #tpu.memory_space<hbm>>
      %dma_wait3A_28 = tpu.memref_squeeze %dma_wait3A_27 : memref<1x80x125xi32, #tpu.memory_space<hbm>> -> memref<80x125xi32, #tpu.memory_space<hbm>>
      %dma_wait3A_29 = arith.constant 0 : i32
      %dma_wait3A_30 = tpu.memref_slice %arg2[%run_scoped3A, %mul3A_6, %dma_wait3A_29] : memref<2x2560x125xi32, #tpu.memory_space<hbm>> -> memref<1x80x125xi32, #tpu.memory_space<hbm>>
      %dma_wait3A_31 = tpu.memref_squeeze %dma_wait3A_30 : memref<1x80x125xi32, #tpu.memory_space<hbm>> -> memref<80x125xi32, #tpu.memory_space<hbm>>
      tpu.wait_dma2 semaphore(%run_scoped3A_21 : memref<!tpu.dma_semaphore, #tpu.memory_space<semaphore_mem>>) src(%dma_wait3A_31 : memref<80x125xi32, #tpu.memory_space<hbm>>) dst(%arg6 : memref<80x125xi32, #tpu.memory_space<vmem>>)
      tpu.yield
    }) : () -> ()
    %barrier3A = arith.constant 0 : index
    tpu.barrier barrier_id(%barrier3A)
    %scan3A = arith.constant 0 : i32
    %scan3A_7 = arith.constant 0 : i32
    %scan3A_8 = arith.constant 80 : i32
    %scan3A_9 = arith.addi %scan3A_7, %scan3A_8 : i32
    %scan3A_10 = arith.constant 1 : i32
    scf.for %scan3A_21 = %scan3A_7 to %scan3A_9 step %scan3A_10  : i32 {
      "tpu.region"() ({
        %run_scoped3A_22 = tpu.sem_alloc : memref<!tpu.dma_semaphore, #tpu.memory_space<semaphore_mem>>
        %dma_start3A = arith.constant 0 : i32
        %dma_start3A_23 = tpu.memref_slice %arg6[%scan3A_21, %dma_start3A] : memref<80x125xi32, #tpu.memory_space<vmem>> -> memref<1x125xi32, #tpu.memory_space<vmem>>
        %dma_start3A_24 = tpu.memref_squeeze %dma_start3A_23 : memref<1x125xi32, #tpu.memory_space<vmem>> -> memref<125xi32, #tpu.memory_space<vmem>>
        %dma_start3A_25 = arith.constant 0 : i32
        %dma_start3A_26 = arith.constant 0 : i32
        %dma_start3A_27 = tpu.memref_slice %arg8[%dma_start3A_25, %dma_start3A_26] : memref<10000x8xf32, #tpu.memory_space<vmem_shared>> -> memref<10000x8xf32, #tpu.memory_space<vmem_shared>>
        tpu.enqueue_indirect_dma source(%arg7 : memref<125x8xf32, #tpu.memory_space<vmem>>) target(%dma_start3A_27 : memref<10000x8xf32, #tpu.memory_space<vmem_shared>>) offsets(%dma_start3A_24 : memref<125xi32, #tpu.memory_space<vmem>>) semaphore(%run_scoped3A_22 : memref<!tpu.dma_semaphore, #tpu.memory_space<semaphore_mem>>) {add = true}
        %dma_wait3A = arith.constant 0 : i32
        %dma_wait3A_28 = tpu.memref_slice %arg6[%scan3A_21, %dma_wait3A] : memref<80x125xi32, #tpu.memory_space<vmem>> -> memref<1x125xi32, #tpu.memory_space<vmem>>
        %dma_wait3A_29 = tpu.memref_squeeze %dma_wait3A_28 : memref<1x125xi32, #tpu.memory_space<vmem>> -> memref<125xi32, #tpu.memory_space<vmem>>
        %dma_wait3A_30 = arith.constant 0 : i32
        %dma_wait3A_31 = arith.constant 0 : i32
        %dma_wait3A_32 = tpu.memref_slice %arg8[%dma_wait3A_30, %dma_wait3A_31] : memref<10000x8xf32, #tpu.memory_space<vmem_shared>> -> memref<10000x8xf32, #tpu.memory_space<vmem_shared>>
        tpu.wait_indirect_dma semaphore(%run_scoped3A_22 : memref<!tpu.dma_semaphore, #tpu.memory_space<semaphore_mem>>) src(%arg7 : memref<125x8xf32, #tpu.memory_space<vmem>>) dst(%dma_wait3A_32 : memref<10000x8xf32, #tpu.memory_space<vmem_shared>>)
        tpu.yield
      }) : () -> ()
    }
    %scan3A_11 = arith.constant 80 : i32
    %barrier3A_12 = arith.constant 0 : index
    tpu.barrier barrier_id(%barrier3A_12)
    %mul3A_13 = arith.constant 624 : i32
    %mul3A_14 = arith.muli %arg1, %mul3A_13 : i32
    %multiple_of3A_15 = tpu.assume_multiple %mul3A_14, 8 : i32
    "tpu.region"() ({
      %run_scoped3A_21 = tpu.sem_alloc : memref<!tpu.dma_semaphore, #tpu.memory_space<semaphore_mem>>
      %dma_start3A = arith.constant 0 : i32
      %dma_start3A_22 = tpu.memref_slice %arg5[%arg0, %multiple_of3A_15, %dma_start3A] : memref<2x10000x8xf32, #tpu.memory_space<hbm>> -> memref<1x624x8xf32, #tpu.memory_space<hbm>>
      %dma_start3A_23 = tpu.memref_squeeze %dma_start3A_22 : memref<1x624x8xf32, #tpu.memory_space<hbm>> -> memref<624x8xf32, #tpu.memory_space<hbm>>
      %dma_start3A_24 = arith.constant 0 : i32
      %dma_start3A_25 = tpu.memref_slice %arg8[%multiple_of3A_15, %dma_start3A_24] : memref<10000x8xf32, #tpu.memory_space<vmem_shared>> -> memref<624x8xf32, #tpu.memory_space<vmem_shared>>
      tpu.enqueue_dma source(%dma_start3A_25 : memref<624x8xf32, #tpu.memory_space<vmem_shared>>) target(%dma_start3A_23 : memref<624x8xf32, #tpu.memory_space<hbm>>) target_semaphore(%run_scoped3A_21 : memref<!tpu.dma_semaphore, #tpu.memory_space<semaphore_mem>>)
      %dma_wait3A = arith.constant 0 : i32
      %dma_wait3A_26 = tpu.memref_slice %arg5[%arg0, %multiple_of3A_15, %dma_wait3A] : memref<2x10000x8xf32, #tpu.memory_space<hbm>> -> memref<1x624x8xf32, #tpu.memory_space<hbm>>
      %dma_wait3A_27 = tpu.memref_squeeze %dma_wait3A_26 : memref<1x624x8xf32, #tpu.memory_space<hbm>> -> memref<624x8xf32, #tpu.memory_space<hbm>>
      %dma_wait3A_28 = arith.constant 0 : i32
      %dma_wait3A_29 = tpu.memref_slice %arg8[%multiple_of3A_15, %dma_wait3A_28] : memref<10000x8xf32, #tpu.memory_space<vmem_shared>> -> memref<624x8xf32, #tpu.memory_space<vmem_shared>>
      tpu.wait_dma2 semaphore(%run_scoped3A_21 : memref<!tpu.dma_semaphore, #tpu.memory_space<semaphore_mem>>) src(%dma_wait3A_29 : memref<624x8xf32, #tpu.memory_space<vmem_shared>>) dst(%dma_wait3A_27 : memref<624x8xf32, #tpu.memory_space<hbm>>)
      tpu.yield
    }) : () -> ()
    %eq3A_16 = arith.constant 15 : i32
    %eq3A_17 = arith.cmpi eq, %arg1, %eq3A_16 : i32
    %convert_element_type3A_18 = arith.extui %eq3A_17 : i1 to i32
    %cond3A_19 = arith.constant 0 : i32
    %cond3A_20 = arith.cmpi ne, %convert_element_type3A_18, %cond3A_19 : i32
    scf.if %cond3A_20 {
      "tpu.region"() ({
        %run_scoped3A_21 = tpu.sem_alloc : memref<!tpu.dma_semaphore, #tpu.memory_space<semaphore_mem>>
        %dma_start3A = arith.constant 9984 : i32
        %dma_start3A_22 = arith.constant 0 : i32
        %dma_start3A_23 = tpu.memref_slice %arg5[%arg0, %dma_start3A, %dma_start3A_22] : memref<2x10000x8xf32, #tpu.memory_space<hbm>> -> memref<1x16x8xf32, #tpu.memory_space<hbm>>
        %dma_start3A_24 = tpu.memref_squeeze %dma_start3A_23 : memref<1x16x8xf32, #tpu.memory_space<hbm>> -> memref<16x8xf32, #tpu.memory_space<hbm>>
        %dma_start3A_25 = arith.constant 9984 : i32
        %dma_start3A_26 = arith.constant 0 : i32
        %dma_start3A_27 = tpu.memref_slice %arg8[%dma_start3A_25, %dma_start3A_26] : memref<10000x8xf32, #tpu.memory_space<vmem_shared>> -> memref<16x8xf32, #tpu.memory_space<vmem_shared>>
        tpu.enqueue_dma source(%dma_start3A_27 : memref<16x8xf32, #tpu.memory_space<vmem_shared>>) target(%dma_start3A_24 : memref<16x8xf32, #tpu.memory_space<hbm>>) target_semaphore(%run_scoped3A_21 : memref<!tpu.dma_semaphore, #tpu.memory_space<semaphore_mem>>)
        %dma_wait3A = arith.constant 9984 : i32
        %dma_wait3A_28 = arith.constant 0 : i32
        %dma_wait3A_29 = tpu.memref_slice %arg5[%arg0, %dma_wait3A, %dma_wait3A_28] : memref<2x10000x8xf32, #tpu.memory_space<hbm>> -> memref<1x16x8xf32, #tpu.memory_space<hbm>>
        %dma_wait3A_30 = tpu.memref_squeeze %dma_wait3A_29 : memref<1x16x8xf32, #tpu.memory_space<hbm>> -> memref<16x8xf32, #tpu.memory_space<hbm>>
        %dma_wait3A_31 = arith.constant 9984 : i32
        %dma_wait3A_32 = arith.constant 0 : i32
        %dma_wait3A_33 = tpu.memref_slice %arg8[%dma_wait3A_31, %dma_wait3A_32] : memref<10000x8xf32, #tpu.memory_space<vmem_shared>> -> memref<16x8xf32, #tpu.memory_space<vmem_shared>>
        tpu.wait_dma2 semaphore(%run_scoped3A_21 : memref<!tpu.dma_semaphore, #tpu.memory_space<semaphore_mem>>) src(%dma_wait3A_33 : memref<16x8xf32, #tpu.memory_space<vmem_shared>>) dst(%dma_wait3A_30 : memref<16x8xf32, #tpu.memory_space<hbm>>)
        tpu.yield
      }) : () -> ()
    } else {
    }
    return
  }
}

#map = affine_map<(d0, d1) -> (0, 0)>
#map1 = affine_map<(d0, d1) -> (0, 0, 0)>
module attributes {stable_mosaic.version = 14 : i64} {
  func.func @_agg_body(%arg0: i32, %arg1: i32, %arg2: memref<10000x32xf32, #tpu.memory_space<hbm>>, %arg3: memref<2x2560x125xi32, #tpu.memory_space<hbm>>, %arg4: memref<10000x32xf32, #tpu.memory_space<hbm>>, %arg5: memref<2x10000x128xf32, #tpu.memory_space<hbm>>, %arg6: memref<80x125xi32, #tpu.memory_space<vmem>>, %arg7: memref<80x125xi32, #tpu.memory_space<vmem>>, %arg8: memref<125x32xf32, #tpu.memory_space<vmem>>, %arg9: memref<125x32xf32, #tpu.memory_space<vmem>>, %arg10: memref<125x32xf32, #tpu.memory_space<vmem>>, %arg11: memref<125x32xf32, #tpu.memory_space<vmem>>, %arg12: memref<125x32xf32, #tpu.memory_space<vmem>>, %arg13: memref<125x32xf32, #tpu.memory_space<vmem>>, %arg14: memref<125x32xf32, #tpu.memory_space<vmem>>, %arg15: memref<125x32xf32, #tpu.memory_space<vmem>>, %arg16: memref<10000x32xf32, #tpu.memory_space<vmem_shared>>, %arg17: memref<!tpu.dma_semaphore, #tpu.memory_space<semaphore_mem>>, %arg18: memref<!tpu.dma_semaphore, #tpu.memory_space<semaphore_mem>>, %arg19: memref<!tpu.dma_semaphore, #tpu.memory_space<semaphore_mem>>, %arg20: memref<!tpu.dma_semaphore, #tpu.memory_space<semaphore_mem>>, %arg21: memref<!tpu.dma_semaphore, #tpu.memory_space<semaphore_mem>>, %arg22: memref<!tpu.dma_semaphore, #tpu.memory_space<semaphore_mem>>, %arg23: memref<!tpu.dma_semaphore, #tpu.memory_space<semaphore_mem>>, %arg24: memref<!tpu.dma_semaphore, #tpu.memory_space<semaphore_mem>>, %arg25: memref<!tpu.dma_semaphore, #tpu.memory_space<semaphore_mem>>, %arg26: memref<!tpu.dma_semaphore, #tpu.memory_space<semaphore_mem>>, %arg27: memref<!tpu.dma_semaphore, #tpu.memory_space<semaphore_mem>>, %arg28: memref<!tpu.dma_semaphore, #tpu.memory_space<semaphore_mem>>, %arg29: memref<!tpu.dma_semaphore, #tpu.memory_space<semaphore_mem>>, %arg30: memref<!tpu.dma_semaphore, #tpu.memory_space<semaphore_mem>>, %arg31: memref<!tpu.dma_semaphore, #tpu.memory_space<semaphore_mem>>, %arg32: memref<!tpu.dma_semaphore, #tpu.memory_space<semaphore_mem>>) attributes {dimension_semantics = [#tpu.dimension_semantics<core_parallel>, #tpu.dimension_semantics<subcore_parallel>], iteration_bounds = array<i64: 2, 16>, scalar_prefetch = 0 : i64, scratch_operands = 27 : i64, tpu.core_type = #tpu.core_type<sc_vector_subcore>, window_params = [{transform_indices = #map}, {transform_indices = #map1}, {transform_indices = #map}, {transform_indices = #map1}]} {
    %mul3A = arith.constant 2 : i32
    %mul3A_0 = arith.muli %arg1, %mul3A : i32
    %add3A = arith.addi %mul3A_0, %arg0 : i32
    %eq3A = arith.constant 0 : i32
    %eq3A_1 = arith.cmpi eq, %arg0, %eq3A : i32
    %convert_element_type3A = arith.extui %eq3A_1 : i1 to i32
    %cond3A = arith.constant 0 : i32
    %cond3A_2 = arith.cmpi ne, %convert_element_type3A, %cond3A : i32
    scf.if %cond3A_2 {
      %mul3A_135 = arith.constant 624 : i32
      %mul3A_136 = arith.muli %arg1, %mul3A_135 : i32
      %multiple_of3A_137 = tpu.assume_multiple %mul3A_136, 8 : i32
      "tpu.region"() ({
        %run_scoped3A_143 = tpu.sem_alloc : memref<!tpu.dma_semaphore, #tpu.memory_space<semaphore_mem>>
        %dma_start3A_144 = arith.constant 0 : i32
        %dma_start3A_145 = tpu.memref_slice %arg16[%multiple_of3A_137, %dma_start3A_144] : memref<10000x32xf32, #tpu.memory_space<vmem_shared>> -> memref<624x32xf32, #tpu.memory_space<vmem_shared>>
        %dma_start3A_146 = arith.constant 0 : i32
        %dma_start3A_147 = tpu.memref_slice %arg2[%multiple_of3A_137, %dma_start3A_146] : memref<10000x32xf32, #tpu.memory_space<hbm>> -> memref<624x32xf32, #tpu.memory_space<hbm>>
        tpu.enqueue_dma source(%dma_start3A_147 : memref<624x32xf32, #tpu.memory_space<hbm>>) target(%dma_start3A_145 : memref<624x32xf32, #tpu.memory_space<vmem_shared>>) target_semaphore(%run_scoped3A_143 : memref<!tpu.dma_semaphore, #tpu.memory_space<semaphore_mem>>)
        %dma_wait3A_148 = arith.constant 0 : i32
        %dma_wait3A_149 = tpu.memref_slice %arg16[%multiple_of3A_137, %dma_wait3A_148] : memref<10000x32xf32, #tpu.memory_space<vmem_shared>> -> memref<624x32xf32, #tpu.memory_space<vmem_shared>>
        %dma_wait3A_150 = arith.constant 0 : i32
        %dma_wait3A_151 = tpu.memref_slice %arg2[%multiple_of3A_137, %dma_wait3A_150] : memref<10000x32xf32, #tpu.memory_space<hbm>> -> memref<624x32xf32, #tpu.memory_space<hbm>>
        tpu.wait_dma2 semaphore(%run_scoped3A_143 : memref<!tpu.dma_semaphore, #tpu.memory_space<semaphore_mem>>) src(%dma_wait3A_151 : memref<624x32xf32, #tpu.memory_space<hbm>>) dst(%dma_wait3A_149 : memref<624x32xf32, #tpu.memory_space<vmem_shared>>)
        tpu.yield
      }) : () -> ()
      %eq3A_138 = arith.constant 15 : i32
      %eq3A_139 = arith.cmpi eq, %arg1, %eq3A_138 : i32
      %convert_element_type3A_140 = arith.extui %eq3A_139 : i1 to i32
      %cond3A_141 = arith.constant 0 : i32
      %cond3A_142 = arith.cmpi ne, %convert_element_type3A_140, %cond3A_141 : i32
      scf.if %cond3A_142 {
        "tpu.region"() ({
          %run_scoped3A_143 = tpu.sem_alloc : memref<!tpu.dma_semaphore, #tpu.memory_space<semaphore_mem>>
          %dma_start3A_144 = arith.constant 9984 : i32
          %dma_start3A_145 = arith.constant 0 : i32
          %dma_start3A_146 = tpu.memref_slice %arg16[%dma_start3A_144, %dma_start3A_145] : memref<10000x32xf32, #tpu.memory_space<vmem_shared>> -> memref<16x32xf32, #tpu.memory_space<vmem_shared>>
          %dma_start3A_147 = arith.constant 9984 : i32
          %dma_start3A_148 = arith.constant 0 : i32
          %dma_start3A_149 = tpu.memref_slice %arg2[%dma_start3A_147, %dma_start3A_148] : memref<10000x32xf32, #tpu.memory_space<hbm>> -> memref<16x32xf32, #tpu.memory_space<hbm>>
          tpu.enqueue_dma source(%dma_start3A_149 : memref<16x32xf32, #tpu.memory_space<hbm>>) target(%dma_start3A_146 : memref<16x32xf32, #tpu.memory_space<vmem_shared>>) target_semaphore(%run_scoped3A_143 : memref<!tpu.dma_semaphore, #tpu.memory_space<semaphore_mem>>)
          %dma_wait3A_150 = arith.constant 9984 : i32
          %dma_wait3A_151 = arith.constant 0 : i32
          %dma_wait3A_152 = tpu.memref_slice %arg16[%dma_wait3A_150, %dma_wait3A_151] : memref<10000x32xf32, #tpu.memory_space<vmem_shared>> -> memref<16x32xf32, #tpu.memory_space<vmem_shared>>
          %dma_wait3A_153 = arith.constant 9984 : i32
          %dma_wait3A_154 = arith.constant 0 : i32
          %dma_wait3A_155 = tpu.memref_slice %arg2[%dma_wait3A_153, %dma_wait3A_154] : memref<10000x32xf32, #tpu.memory_space<hbm>> -> memref<16x32xf32, #tpu.memory_space<hbm>>
          tpu.wait_dma2 semaphore(%run_scoped3A_143 : memref<!tpu.dma_semaphore, #tpu.memory_space<semaphore_mem>>) src(%dma_wait3A_155 : memref<16x32xf32, #tpu.memory_space<hbm>>) dst(%dma_wait3A_152 : memref<16x32xf32, #tpu.memory_space<vmem_shared>>)
          tpu.yield
        }) : () -> ()
      } else {
      }
    } else {
    }
    %ne3A = arith.constant 0 : i32
    %ne3A_3 = arith.cmpi ne, %arg0, %ne3A : i32
    %convert_element_type3A_4 = arith.extui %ne3A_3 : i1 to i32
    %cond3A_5 = arith.constant 0 : i32
    %cond3A_6 = arith.cmpi ne, %convert_element_type3A_4, %cond3A_5 : i32
    scf.if %cond3A_6 {
      %mul3A_135 = arith.constant 624 : i32
      %mul3A_136 = arith.muli %arg1, %mul3A_135 : i32
      %multiple_of3A_137 = tpu.assume_multiple %mul3A_136, 8 : i32
      "tpu.region"() ({
        %run_scoped3A_143 = tpu.sem_alloc : memref<!tpu.dma_semaphore, #tpu.memory_space<semaphore_mem>>
        %dma_start3A_144 = arith.constant 0 : i32
        %dma_start3A_145 = tpu.memref_slice %arg16[%multiple_of3A_137, %dma_start3A_144] : memref<10000x32xf32, #tpu.memory_space<vmem_shared>> -> memref<624x32xf32, #tpu.memory_space<vmem_shared>>
        %dma_start3A_146 = arith.constant 0 : i32
        %dma_start3A_147 = tpu.memref_slice %arg4[%multiple_of3A_137, %dma_start3A_146] : memref<10000x32xf32, #tpu.memory_space<hbm>> -> memref<624x32xf32, #tpu.memory_space<hbm>>
        tpu.enqueue_dma source(%dma_start3A_147 : memref<624x32xf32, #tpu.memory_space<hbm>>) target(%dma_start3A_145 : memref<624x32xf32, #tpu.memory_space<vmem_shared>>) target_semaphore(%run_scoped3A_143 : memref<!tpu.dma_semaphore, #tpu.memory_space<semaphore_mem>>)
        %dma_wait3A_148 = arith.constant 0 : i32
        %dma_wait3A_149 = tpu.memref_slice %arg16[%multiple_of3A_137, %dma_wait3A_148] : memref<10000x32xf32, #tpu.memory_space<vmem_shared>> -> memref<624x32xf32, #tpu.memory_space<vmem_shared>>
        %dma_wait3A_150 = arith.constant 0 : i32
        %dma_wait3A_151 = tpu.memref_slice %arg4[%multiple_of3A_137, %dma_wait3A_150] : memref<10000x32xf32, #tpu.memory_space<hbm>> -> memref<624x32xf32, #tpu.memory_space<hbm>>
        tpu.wait_dma2 semaphore(%run_scoped3A_143 : memref<!tpu.dma_semaphore, #tpu.memory_space<semaphore_mem>>) src(%dma_wait3A_151 : memref<624x32xf32, #tpu.memory_space<hbm>>) dst(%dma_wait3A_149 : memref<624x32xf32, #tpu.memory_space<vmem_shared>>)
        tpu.yield
      }) : () -> ()
      %eq3A_138 = arith.constant 15 : i32
      %eq3A_139 = arith.cmpi eq, %arg1, %eq3A_138 : i32
      %convert_element_type3A_140 = arith.extui %eq3A_139 : i1 to i32
      %cond3A_141 = arith.constant 0 : i32
      %cond3A_142 = arith.cmpi ne, %convert_element_type3A_140, %cond3A_141 : i32
      scf.if %cond3A_142 {
        "tpu.region"() ({
          %run_scoped3A_143 = tpu.sem_alloc : memref<!tpu.dma_semaphore, #tpu.memory_space<semaphore_mem>>
          %dma_start3A_144 = arith.constant 9984 : i32
          %dma_start3A_145 = arith.constant 0 : i32
          %dma_start3A_146 = tpu.memref_slice %arg16[%dma_start3A_144, %dma_start3A_145] : memref<10000x32xf32, #tpu.memory_space<vmem_shared>> -> memref<16x32xf32, #tpu.memory_space<vmem_shared>>
          %dma_start3A_147 = arith.constant 9984 : i32
          %dma_start3A_148 = arith.constant 0 : i32
          %dma_start3A_149 = tpu.memref_slice %arg4[%dma_start3A_147, %dma_start3A_148] : memref<10000x32xf32, #tpu.memory_space<hbm>> -> memref<16x32xf32, #tpu.memory_space<hbm>>
          tpu.enqueue_dma source(%dma_start3A_149 : memref<16x32xf32, #tpu.memory_space<hbm>>) target(%dma_start3A_146 : memref<16x32xf32, #tpu.memory_space<vmem_shared>>) target_semaphore(%run_scoped3A_143 : memref<!tpu.dma_semaphore, #tpu.memory_space<semaphore_mem>>)
          %dma_wait3A_150 = arith.constant 9984 : i32
          %dma_wait3A_151 = arith.constant 0 : i32
          %dma_wait3A_152 = tpu.memref_slice %arg16[%dma_wait3A_150, %dma_wait3A_151] : memref<10000x32xf32, #tpu.memory_space<vmem_shared>> -> memref<16x32xf32, #tpu.memory_space<vmem_shared>>
          %dma_wait3A_153 = arith.constant 9984 : i32
          %dma_wait3A_154 = arith.constant 0 : i32
          %dma_wait3A_155 = tpu.memref_slice %arg4[%dma_wait3A_153, %dma_wait3A_154] : memref<10000x32xf32, #tpu.memory_space<hbm>> -> memref<16x32xf32, #tpu.memory_space<hbm>>
          tpu.wait_dma2 semaphore(%run_scoped3A_143 : memref<!tpu.dma_semaphore, #tpu.memory_space<semaphore_mem>>) src(%dma_wait3A_155 : memref<16x32xf32, #tpu.memory_space<hbm>>) dst(%dma_wait3A_152 : memref<16x32xf32, #tpu.memory_space<vmem_shared>>)
          tpu.yield
        }) : () -> ()
      } else {
      }
    } else {
    }
    %mul3A_7 = arith.constant 80 : i32
    %mul3A_8 = arith.muli %add3A, %mul3A_7 : i32
    %run_scoped3A = arith.constant 0 : i32
    "tpu.region"() ({
      %run_scoped3A_135 = tpu.sem_alloc : memref<!tpu.dma_semaphore, #tpu.memory_space<semaphore_mem>>
      %dma_start3A_136 = arith.constant 0 : i32
      %dma_start3A_137 = tpu.memref_slice %arg3[%run_scoped3A, %mul3A_8, %dma_start3A_136] : memref<2x2560x125xi32, #tpu.memory_space<hbm>> -> memref<1x80x125xi32, #tpu.memory_space<hbm>>
      %dma_start3A_138 = tpu.memref_squeeze %dma_start3A_137 : memref<1x80x125xi32, #tpu.memory_space<hbm>> -> memref<80x125xi32, #tpu.memory_space<hbm>>
      %dma_start3A_139 = arith.constant 0 : i32
      %dma_start3A_140 = tpu.memref_slice %arg3[%run_scoped3A, %mul3A_8, %dma_start3A_139] : memref<2x2560x125xi32, #tpu.memory_space<hbm>> -> memref<1x80x125xi32, #tpu.memory_space<hbm>>
      %dma_start3A_141 = tpu.memref_squeeze %dma_start3A_140 : memref<1x80x125xi32, #tpu.memory_space<hbm>> -> memref<80x125xi32, #tpu.memory_space<hbm>>
      tpu.enqueue_dma source(%dma_start3A_141 : memref<80x125xi32, #tpu.memory_space<hbm>>) target(%arg6 : memref<80x125xi32, #tpu.memory_space<vmem>>) target_semaphore(%run_scoped3A_135 : memref<!tpu.dma_semaphore, #tpu.memory_space<semaphore_mem>>)
      %dma_wait3A_142 = arith.constant 0 : i32
      %dma_wait3A_143 = tpu.memref_slice %arg3[%run_scoped3A, %mul3A_8, %dma_wait3A_142] : memref<2x2560x125xi32, #tpu.memory_space<hbm>> -> memref<1x80x125xi32, #tpu.memory_space<hbm>>
      %dma_wait3A_144 = tpu.memref_squeeze %dma_wait3A_143 : memref<1x80x125xi32, #tpu.memory_space<hbm>> -> memref<80x125xi32, #tpu.memory_space<hbm>>
      %dma_wait3A_145 = arith.constant 0 : i32
      %dma_wait3A_146 = tpu.memref_slice %arg3[%run_scoped3A, %mul3A_8, %dma_wait3A_145] : memref<2x2560x125xi32, #tpu.memory_space<hbm>> -> memref<1x80x125xi32, #tpu.memory_space<hbm>>
      %dma_wait3A_147 = tpu.memref_squeeze %dma_wait3A_146 : memref<1x80x125xi32, #tpu.memory_space<hbm>> -> memref<80x125xi32, #tpu.memory_space<hbm>>
      tpu.wait_dma2 semaphore(%run_scoped3A_135 : memref<!tpu.dma_semaphore, #tpu.memory_space<semaphore_mem>>) src(%dma_wait3A_147 : memref<80x125xi32, #tpu.memory_space<hbm>>) dst(%arg6 : memref<80x125xi32, #tpu.memory_space<vmem>>)
      tpu.yield
    }) : () -> ()
    %mul3A_9 = arith.constant 80 : i32
    %mul3A_10 = arith.muli %add3A, %mul3A_9 : i32
    %run_scoped3A_11 = arith.constant 1 : i32
    "tpu.region"() ({
      %run_scoped3A_135 = tpu.sem_alloc : memref<!tpu.dma_semaphore, #tpu.memory_space<semaphore_mem>>
      %dma_start3A_136 = arith.constant 0 : i32
      %dma_start3A_137 = tpu.memref_slice %arg3[%run_scoped3A_11, %mul3A_10, %dma_start3A_136] : memref<2x2560x125xi32, #tpu.memory_space<hbm>> -> memref<1x80x125xi32, #tpu.memory_space<hbm>>
      %dma_start3A_138 = tpu.memref_squeeze %dma_start3A_137 : memref<1x80x125xi32, #tpu.memory_space<hbm>> -> memref<80x125xi32, #tpu.memory_space<hbm>>
      %dma_start3A_139 = arith.constant 0 : i32
      %dma_start3A_140 = tpu.memref_slice %arg3[%run_scoped3A_11, %mul3A_10, %dma_start3A_139] : memref<2x2560x125xi32, #tpu.memory_space<hbm>> -> memref<1x80x125xi32, #tpu.memory_space<hbm>>
      %dma_start3A_141 = tpu.memref_squeeze %dma_start3A_140 : memref<1x80x125xi32, #tpu.memory_space<hbm>> -> memref<80x125xi32, #tpu.memory_space<hbm>>
      tpu.enqueue_dma source(%dma_start3A_141 : memref<80x125xi32, #tpu.memory_space<hbm>>) target(%arg7 : memref<80x125xi32, #tpu.memory_space<vmem>>) target_semaphore(%run_scoped3A_135 : memref<!tpu.dma_semaphore, #tpu.memory_space<semaphore_mem>>)
      %dma_wait3A_142 = arith.constant 0 : i32
      %dma_wait3A_143 = tpu.memref_slice %arg3[%run_scoped3A_11, %mul3A_10, %dma_wait3A_142] : memref<2x2560x125xi32, #tpu.memory_space<hbm>> -> memref<1x80x125xi32, #tpu.memory_space<hbm>>
      %dma_wait3A_144 = tpu.memref_squeeze %dma_wait3A_143 : memref<1x80x125xi32, #tpu.memory_space<hbm>> -> memref<80x125xi32, #tpu.memory_space<hbm>>
      %dma_wait3A_145 = arith.constant 0 : i32
      %dma_wait3A_146 = tpu.memref_slice %arg3[%run_scoped3A_11, %mul3A_10, %dma_wait3A_145] : memref<2x2560x125xi32, #tpu.memory_space<hbm>> -> memref<1x80x125xi32, #tpu.memory_space<hbm>>
      %dma_wait3A_147 = tpu.memref_squeeze %dma_wait3A_146 : memref<1x80x125xi32, #tpu.memory_space<hbm>> -> memref<80x125xi32, #tpu.memory_space<hbm>>
      tpu.wait_dma2 semaphore(%run_scoped3A_135 : memref<!tpu.dma_semaphore, #tpu.memory_space<semaphore_mem>>) src(%dma_wait3A_147 : memref<80x125xi32, #tpu.memory_space<hbm>>) dst(%arg7 : memref<80x125xi32, #tpu.memory_space<vmem>>)
      tpu.yield
    }) : () -> ()
    %barrier3A = arith.constant 0 : index
    tpu.barrier barrier_id(%barrier3A)
    %dma_start3A = arith.constant 0 : i32
    %dma_start3A_12 = arith.constant 0 : i32
    %dma_start3A_13 = tpu.memref_slice %arg6[%dma_start3A, %dma_start3A_12] : memref<80x125xi32, #tpu.memory_space<vmem>> -> memref<1x125xi32, #tpu.memory_space<vmem>>
    %dma_start3A_14 = tpu.memref_squeeze %dma_start3A_13 : memref<1x125xi32, #tpu.memory_space<vmem>> -> memref<125xi32, #tpu.memory_space<vmem>>
    %dma_start3A_15 = arith.constant 0 : i32
    %dma_start3A_16 = arith.constant 0 : i32
    %dma_start3A_17 = tpu.memref_slice %arg2[%dma_start3A_15, %dma_start3A_16] : memref<10000x32xf32, #tpu.memory_space<hbm>> -> memref<10000x32xf32, #tpu.memory_space<hbm>>
    tpu.enqueue_indirect_dma source(%dma_start3A_17 : memref<10000x32xf32, #tpu.memory_space<hbm>>) target(%arg8 : memref<125x32xf32, #tpu.memory_space<vmem>>) offsets(%dma_start3A_14 : memref<125xi32, #tpu.memory_space<vmem>>) semaphore(%arg17 : memref<!tpu.dma_semaphore, #tpu.memory_space<semaphore_mem>>)
    %dma_start3A_18 = arith.constant 1 : i32
    %dma_start3A_19 = arith.constant 0 : i32
    %dma_start3A_20 = tpu.memref_slice %arg6[%dma_start3A_18, %dma_start3A_19] : memref<80x125xi32, #tpu.memory_space<vmem>> -> memref<1x125xi32, #tpu.memory_space<vmem>>
    %dma_start3A_21 = tpu.memref_squeeze %dma_start3A_20 : memref<1x125xi32, #tpu.memory_space<vmem>> -> memref<125xi32, #tpu.memory_space<vmem>>
    %dma_start3A_22 = arith.constant 0 : i32
    %dma_start3A_23 = arith.constant 0 : i32
    %dma_start3A_24 = tpu.memref_slice %arg2[%dma_start3A_22, %dma_start3A_23] : memref<10000x32xf32, #tpu.memory_space<hbm>> -> memref<10000x32xf32, #tpu.memory_space<hbm>>
    tpu.enqueue_indirect_dma source(%dma_start3A_24 : memref<10000x32xf32, #tpu.memory_space<hbm>>) target(%arg9 : memref<125x32xf32, #tpu.memory_space<vmem>>) offsets(%dma_start3A_21 : memref<125xi32, #tpu.memory_space<vmem>>) semaphore(%arg18 : memref<!tpu.dma_semaphore, #tpu.memory_space<semaphore_mem>>)
    %dma_start3A_25 = arith.constant 2 : i32
    %dma_start3A_26 = arith.constant 0 : i32
    %dma_start3A_27 = tpu.memref_slice %arg6[%dma_start3A_25, %dma_start3A_26] : memref<80x125xi32, #tpu.memory_space<vmem>> -> memref<1x125xi32, #tpu.memory_space<vmem>>
    %dma_start3A_28 = tpu.memref_squeeze %dma_start3A_27 : memref<1x125xi32, #tpu.memory_space<vmem>> -> memref<125xi32, #tpu.memory_space<vmem>>
    %dma_start3A_29 = arith.constant 0 : i32
    %dma_start3A_30 = arith.constant 0 : i32
    %dma_start3A_31 = tpu.memref_slice %arg2[%dma_start3A_29, %dma_start3A_30] : memref<10000x32xf32, #tpu.memory_space<hbm>> -> memref<10000x32xf32, #tpu.memory_space<hbm>>
    tpu.enqueue_indirect_dma source(%dma_start3A_31 : memref<10000x32xf32, #tpu.memory_space<hbm>>) target(%arg10 : memref<125x32xf32, #tpu.memory_space<vmem>>) offsets(%dma_start3A_28 : memref<125xi32, #tpu.memory_space<vmem>>) semaphore(%arg19 : memref<!tpu.dma_semaphore, #tpu.memory_space<semaphore_mem>>)
    %dma_start3A_32 = arith.constant 3 : i32
    %dma_start3A_33 = arith.constant 0 : i32
    %dma_start3A_34 = tpu.memref_slice %arg6[%dma_start3A_32, %dma_start3A_33] : memref<80x125xi32, #tpu.memory_space<vmem>> -> memref<1x125xi32, #tpu.memory_space<vmem>>
    %dma_start3A_35 = tpu.memref_squeeze %dma_start3A_34 : memref<1x125xi32, #tpu.memory_space<vmem>> -> memref<125xi32, #tpu.memory_space<vmem>>
    %dma_start3A_36 = arith.constant 0 : i32
    %dma_start3A_37 = arith.constant 0 : i32
    %dma_start3A_38 = tpu.memref_slice %arg2[%dma_start3A_36, %dma_start3A_37] : memref<10000x32xf32, #tpu.memory_space<hbm>> -> memref<10000x32xf32, #tpu.memory_space<hbm>>
    tpu.enqueue_indirect_dma source(%dma_start3A_38 : memref<10000x32xf32, #tpu.memory_space<hbm>>) target(%arg11 : memref<125x32xf32, #tpu.memory_space<vmem>>) offsets(%dma_start3A_35 : memref<125xi32, #tpu.memory_space<vmem>>) semaphore(%arg20 : memref<!tpu.dma_semaphore, #tpu.memory_space<semaphore_mem>>)
    %dma_start3A_39 = arith.constant 4 : i32
    %dma_start3A_40 = arith.constant 0 : i32
    %dma_start3A_41 = tpu.memref_slice %arg6[%dma_start3A_39, %dma_start3A_40] : memref<80x125xi32, #tpu.memory_space<vmem>> -> memref<1x125xi32, #tpu.memory_space<vmem>>
    %dma_start3A_42 = tpu.memref_squeeze %dma_start3A_41 : memref<1x125xi32, #tpu.memory_space<vmem>> -> memref<125xi32, #tpu.memory_space<vmem>>
    %dma_start3A_43 = arith.constant 0 : i32
    %dma_start3A_44 = arith.constant 0 : i32
    %dma_start3A_45 = tpu.memref_slice %arg2[%dma_start3A_43, %dma_start3A_44] : memref<10000x32xf32, #tpu.memory_space<hbm>> -> memref<10000x32xf32, #tpu.memory_space<hbm>>
    tpu.enqueue_indirect_dma source(%dma_start3A_45 : memref<10000x32xf32, #tpu.memory_space<hbm>>) target(%arg12 : memref<125x32xf32, #tpu.memory_space<vmem>>) offsets(%dma_start3A_42 : memref<125xi32, #tpu.memory_space<vmem>>) semaphore(%arg21 : memref<!tpu.dma_semaphore, #tpu.memory_space<semaphore_mem>>)
    %dma_start3A_46 = arith.constant 5 : i32
    %dma_start3A_47 = arith.constant 0 : i32
    %dma_start3A_48 = tpu.memref_slice %arg6[%dma_start3A_46, %dma_start3A_47] : memref<80x125xi32, #tpu.memory_space<vmem>> -> memref<1x125xi32, #tpu.memory_space<vmem>>
    %dma_start3A_49 = tpu.memref_squeeze %dma_start3A_48 : memref<1x125xi32, #tpu.memory_space<vmem>> -> memref<125xi32, #tpu.memory_space<vmem>>
    %dma_start3A_50 = arith.constant 0 : i32
    %dma_start3A_51 = arith.constant 0 : i32
    %dma_start3A_52 = tpu.memref_slice %arg2[%dma_start3A_50, %dma_start3A_51] : memref<10000x32xf32, #tpu.memory_space<hbm>> -> memref<10000x32xf32, #tpu.memory_space<hbm>>
    tpu.enqueue_indirect_dma source(%dma_start3A_52 : memref<10000x32xf32, #tpu.memory_space<hbm>>) target(%arg13 : memref<125x32xf32, #tpu.memory_space<vmem>>) offsets(%dma_start3A_49 : memref<125xi32, #tpu.memory_space<vmem>>) semaphore(%arg22 : memref<!tpu.dma_semaphore, #tpu.memory_space<semaphore_mem>>)
    %dma_start3A_53 = arith.constant 6 : i32
    %dma_start3A_54 = arith.constant 0 : i32
    %dma_start3A_55 = tpu.memref_slice %arg6[%dma_start3A_53, %dma_start3A_54] : memref<80x125xi32, #tpu.memory_space<vmem>> -> memref<1x125xi32, #tpu.memory_space<vmem>>
    %dma_start3A_56 = tpu.memref_squeeze %dma_start3A_55 : memref<1x125xi32, #tpu.memory_space<vmem>> -> memref<125xi32, #tpu.memory_space<vmem>>
    %dma_start3A_57 = arith.constant 0 : i32
    %dma_start3A_58 = arith.constant 0 : i32
    %dma_start3A_59 = tpu.memref_slice %arg2[%dma_start3A_57, %dma_start3A_58] : memref<10000x32xf32, #tpu.memory_space<hbm>> -> memref<10000x32xf32, #tpu.memory_space<hbm>>
    tpu.enqueue_indirect_dma source(%dma_start3A_59 : memref<10000x32xf32, #tpu.memory_space<hbm>>) target(%arg14 : memref<125x32xf32, #tpu.memory_space<vmem>>) offsets(%dma_start3A_56 : memref<125xi32, #tpu.memory_space<vmem>>) semaphore(%arg23 : memref<!tpu.dma_semaphore, #tpu.memory_space<semaphore_mem>>)
    %dma_start3A_60 = arith.constant 7 : i32
    %dma_start3A_61 = arith.constant 0 : i32
    %dma_start3A_62 = tpu.memref_slice %arg6[%dma_start3A_60, %dma_start3A_61] : memref<80x125xi32, #tpu.memory_space<vmem>> -> memref<1x125xi32, #tpu.memory_space<vmem>>
    %dma_start3A_63 = tpu.memref_squeeze %dma_start3A_62 : memref<1x125xi32, #tpu.memory_space<vmem>> -> memref<125xi32, #tpu.memory_space<vmem>>
    %dma_start3A_64 = arith.constant 0 : i32
    %dma_start3A_65 = arith.constant 0 : i32
    %dma_start3A_66 = tpu.memref_slice %arg2[%dma_start3A_64, %dma_start3A_65] : memref<10000x32xf32, #tpu.memory_space<hbm>> -> memref<10000x32xf32, #tpu.memory_space<hbm>>
    tpu.enqueue_indirect_dma source(%dma_start3A_66 : memref<10000x32xf32, #tpu.memory_space<hbm>>) target(%arg15 : memref<125x32xf32, #tpu.memory_space<vmem>>) offsets(%dma_start3A_63 : memref<125xi32, #tpu.memory_space<vmem>>) semaphore(%arg24 : memref<!tpu.dma_semaphore, #tpu.memory_space<semaphore_mem>>)
    %scan3A = arith.constant 0 : i32
    %scan3A_67 = arith.constant 0 : i32
    %scan3A_68 = arith.constant 10 : i32
    %scan3A_69 = arith.addi %scan3A_67, %scan3A_68 : i32
    %scan3A_70 = arith.constant 1 : i32
    scf.for %scan3A_135 = %scan3A_67 to %scan3A_69 step %scan3A_70  : i32 {
      %mul3A_136 = arith.constant 8 : i32
      %mul3A_137 = arith.muli %mul3A_136, %scan3A_135 : i32
      %dma_wait3A_138 = arith.constant 0 : i32
      %dma_wait3A_139 = arith.constant 0 : i32
      %dma_wait3A_140 = tpu.memref_slice %arg6[%dma_wait3A_138, %dma_wait3A_139] : memref<80x125xi32, #tpu.memory_space<vmem>> -> memref<1x125xi32, #tpu.memory_space<vmem>>
      %dma_wait3A_141 = tpu.memref_squeeze %dma_wait3A_140 : memref<1x125xi32, #tpu.memory_space<vmem>> -> memref<125xi32, #tpu.memory_space<vmem>>
      %dma_wait3A_142 = arith.constant 0 : i32
      %dma_wait3A_143 = arith.constant 0 : i32
      %dma_wait3A_144 = tpu.memref_slice %arg2[%dma_wait3A_142, %dma_wait3A_143] : memref<10000x32xf32, #tpu.memory_space<hbm>> -> memref<10000x32xf32, #tpu.memory_space<hbm>>
      tpu.wait_indirect_dma semaphore(%arg17 : memref<!tpu.dma_semaphore, #tpu.memory_space<semaphore_mem>>) src(%dma_wait3A_144 : memref<10000x32xf32, #tpu.memory_space<hbm>>) dst(%arg8 : memref<125x32xf32, #tpu.memory_space<vmem>>)
      %add3A_145 = arith.constant 0 : i32
      %add3A_146 = arith.addi %mul3A_137, %add3A_145 : i32
      %dma_start3A_147 = arith.constant 0 : i32
      %dma_start3A_148 = tpu.memref_slice %arg7[%add3A_146, %dma_start3A_147] : memref<80x125xi32, #tpu.memory_space<vmem>> -> memref<1x125xi32, #tpu.memory_space<vmem>>
      %dma_start3A_149 = tpu.memref_squeeze %dma_start3A_148 : memref<1x125xi32, #tpu.memory_space<vmem>> -> memref<125xi32, #tpu.memory_space<vmem>>
      %dma_start3A_150 = arith.constant 0 : i32
      %dma_start3A_151 = arith.constant 0 : i32
      %dma_start3A_152 = tpu.memref_slice %arg16[%dma_start3A_150, %dma_start3A_151] : memref<10000x32xf32, #tpu.memory_space<vmem_shared>> -> memref<10000x32xf32, #tpu.memory_space<vmem_shared>>
      tpu.enqueue_indirect_dma source(%arg8 : memref<125x32xf32, #tpu.memory_space<vmem>>) target(%dma_start3A_152 : memref<10000x32xf32, #tpu.memory_space<vmem_shared>>) offsets(%dma_start3A_149 : memref<125xi32, #tpu.memory_space<vmem>>) semaphore(%arg25 : memref<!tpu.dma_semaphore, #tpu.memory_space<semaphore_mem>>) {add = true}
      %dma_wait3A_153 = arith.constant 0 : i32
      %dma_wait3A_154 = arith.constant 0 : i32
      %dma_wait3A_155 = tpu.memref_slice %arg6[%dma_wait3A_153, %dma_wait3A_154] : memref<80x125xi32, #tpu.memory_space<vmem>> -> memref<1x125xi32, #tpu.memory_space<vmem>>
      %dma_wait3A_156 = tpu.memref_squeeze %dma_wait3A_155 : memref<1x125xi32, #tpu.memory_space<vmem>> -> memref<125xi32, #tpu.memory_space<vmem>>
      %dma_wait3A_157 = arith.constant 0 : i32
      %dma_wait3A_158 = arith.constant 0 : i32
      %dma_wait3A_159 = tpu.memref_slice %arg2[%dma_wait3A_157, %dma_wait3A_158] : memref<10000x32xf32, #tpu.memory_space<hbm>> -> memref<10000x32xf32, #tpu.memory_space<hbm>>
      tpu.wait_indirect_dma semaphore(%arg18 : memref<!tpu.dma_semaphore, #tpu.memory_space<semaphore_mem>>) src(%dma_wait3A_159 : memref<10000x32xf32, #tpu.memory_space<hbm>>) dst(%arg9 : memref<125x32xf32, #tpu.memory_space<vmem>>)
      %add3A_160 = arith.constant 1 : i32
      %add3A_161 = arith.addi %mul3A_137, %add3A_160 : i32
      %dma_start3A_162 = arith.constant 0 : i32
      %dma_start3A_163 = tpu.memref_slice %arg7[%add3A_161, %dma_start3A_162] : memref<80x125xi32, #tpu.memory_space<vmem>> -> memref<1x125xi32, #tpu.memory_space<vmem>>
      %dma_start3A_164 = tpu.memref_squeeze %dma_start3A_163 : memref<1x125xi32, #tpu.memory_space<vmem>> -> memref<125xi32, #tpu.memory_space<vmem>>
      %dma_start3A_165 = arith.constant 0 : i32
      %dma_start3A_166 = arith.constant 0 : i32
      %dma_start3A_167 = tpu.memref_slice %arg16[%dma_start3A_165, %dma_start3A_166] : memref<10000x32xf32, #tpu.memory_space<vmem_shared>> -> memref<10000x32xf32, #tpu.memory_space<vmem_shared>>
      tpu.enqueue_indirect_dma source(%arg9 : memref<125x32xf32, #tpu.memory_space<vmem>>) target(%dma_start3A_167 : memref<10000x32xf32, #tpu.memory_space<vmem_shared>>) offsets(%dma_start3A_164 : memref<125xi32, #tpu.memory_space<vmem>>) semaphore(%arg26 : memref<!tpu.dma_semaphore, #tpu.memory_space<semaphore_mem>>) {add = true}
      %dma_wait3A_168 = arith.constant 0 : i32
      %dma_wait3A_169 = arith.constant 0 : i32
      %dma_wait3A_170 = tpu.memref_slice %arg6[%dma_wait3A_168, %dma_wait3A_169] : memref<80x125xi32, #tpu.memory_space<vmem>> -> memref<1x125xi32, #tpu.memory_space<vmem>>
      %dma_wait3A_171 = tpu.memref_squeeze %dma_wait3A_170 : memref<1x125xi32, #tpu.memory_space<vmem>> -> memref<125xi32, #tpu.memory_space<vmem>>
      %dma_wait3A_172 = arith.constant 0 : i32
      %dma_wait3A_173 = arith.constant 0 : i32
      %dma_wait3A_174 = tpu.memref_slice %arg2[%dma_wait3A_172, %dma_wait3A_173] : memref<10000x32xf32, #tpu.memory_space<hbm>> -> memref<10000x32xf32, #tpu.memory_space<hbm>>
      tpu.wait_indirect_dma semaphore(%arg19 : memref<!tpu.dma_semaphore, #tpu.memory_space<semaphore_mem>>) src(%dma_wait3A_174 : memref<10000x32xf32, #tpu.memory_space<hbm>>) dst(%arg10 : memref<125x32xf32, #tpu.memory_space<vmem>>)
      %add3A_175 = arith.constant 2 : i32
      %add3A_176 = arith.addi %mul3A_137, %add3A_175 : i32
      %dma_start3A_177 = arith.constant 0 : i32
      %dma_start3A_178 = tpu.memref_slice %arg7[%add3A_176, %dma_start3A_177] : memref<80x125xi32, #tpu.memory_space<vmem>> -> memref<1x125xi32, #tpu.memory_space<vmem>>
      %dma_start3A_179 = tpu.memref_squeeze %dma_start3A_178 : memref<1x125xi32, #tpu.memory_space<vmem>> -> memref<125xi32, #tpu.memory_space<vmem>>
      %dma_start3A_180 = arith.constant 0 : i32
      %dma_start3A_181 = arith.constant 0 : i32
      %dma_start3A_182 = tpu.memref_slice %arg16[%dma_start3A_180, %dma_start3A_181] : memref<10000x32xf32, #tpu.memory_space<vmem_shared>> -> memref<10000x32xf32, #tpu.memory_space<vmem_shared>>
      tpu.enqueue_indirect_dma source(%arg10 : memref<125x32xf32, #tpu.memory_space<vmem>>) target(%dma_start3A_182 : memref<10000x32xf32, #tpu.memory_space<vmem_shared>>) offsets(%dma_start3A_179 : memref<125xi32, #tpu.memory_space<vmem>>) semaphore(%arg27 : memref<!tpu.dma_semaphore, #tpu.memory_space<semaphore_mem>>) {add = true}
      %dma_wait3A_183 = arith.constant 0 : i32
      %dma_wait3A_184 = arith.constant 0 : i32
      %dma_wait3A_185 = tpu.memref_slice %arg6[%dma_wait3A_183, %dma_wait3A_184] : memref<80x125xi32, #tpu.memory_space<vmem>> -> memref<1x125xi32, #tpu.memory_space<vmem>>
      %dma_wait3A_186 = tpu.memref_squeeze %dma_wait3A_185 : memref<1x125xi32, #tpu.memory_space<vmem>> -> memref<125xi32, #tpu.memory_space<vmem>>
      %dma_wait3A_187 = arith.constant 0 : i32
      %dma_wait3A_188 = arith.constant 0 : i32
      %dma_wait3A_189 = tpu.memref_slice %arg2[%dma_wait3A_187, %dma_wait3A_188] : memref<10000x32xf32, #tpu.memory_space<hbm>> -> memref<10000x32xf32, #tpu.memory_space<hbm>>
      tpu.wait_indirect_dma semaphore(%arg20 : memref<!tpu.dma_semaphore, #tpu.memory_space<semaphore_mem>>) src(%dma_wait3A_189 : memref<10000x32xf32, #tpu.memory_space<hbm>>) dst(%arg11 : memref<125x32xf32, #tpu.memory_space<vmem>>)
      %add3A_190 = arith.constant 3 : i32
      %add3A_191 = arith.addi %mul3A_137, %add3A_190 : i32
      %dma_start3A_192 = arith.constant 0 : i32
      %dma_start3A_193 = tpu.memref_slice %arg7[%add3A_191, %dma_start3A_192] : memref<80x125xi32, #tpu.memory_space<vmem>> -> memref<1x125xi32, #tpu.memory_space<vmem>>
      %dma_start3A_194 = tpu.memref_squeeze %dma_start3A_193 : memref<1x125xi32, #tpu.memory_space<vmem>> -> memref<125xi32, #tpu.memory_space<vmem>>
      %dma_start3A_195 = arith.constant 0 : i32
      %dma_start3A_196 = arith.constant 0 : i32
      %dma_start3A_197 = tpu.memref_slice %arg16[%dma_start3A_195, %dma_start3A_196] : memref<10000x32xf32, #tpu.memory_space<vmem_shared>> -> memref<10000x32xf32, #tpu.memory_space<vmem_shared>>
      tpu.enqueue_indirect_dma source(%arg11 : memref<125x32xf32, #tpu.memory_space<vmem>>) target(%dma_start3A_197 : memref<10000x32xf32, #tpu.memory_space<vmem_shared>>) offsets(%dma_start3A_194 : memref<125xi32, #tpu.memory_space<vmem>>) semaphore(%arg28 : memref<!tpu.dma_semaphore, #tpu.memory_space<semaphore_mem>>) {add = true}
      %dma_wait3A_198 = arith.constant 0 : i32
      %dma_wait3A_199 = arith.constant 0 : i32
      %dma_wait3A_200 = tpu.memref_slice %arg6[%dma_wait3A_198, %dma_wait3A_199] : memref<80x125xi32, #tpu.memory_space<vmem>> -> memref<1x125xi32, #tpu.memory_space<vmem>>
      %dma_wait3A_201 = tpu.memref_squeeze %dma_wait3A_200 : memref<1x125xi32, #tpu.memory_space<vmem>> -> memref<125xi32, #tpu.memory_space<vmem>>
      %dma_wait3A_202 = arith.constant 0 : i32
      %dma_wait3A_203 = arith.constant 0 : i32
      %dma_wait3A_204 = tpu.memref_slice %arg2[%dma_wait3A_202, %dma_wait3A_203] : memref<10000x32xf32, #tpu.memory_space<hbm>> -> memref<10000x32xf32, #tpu.memory_space<hbm>>
      tpu.wait_indirect_dma semaphore(%arg21 : memref<!tpu.dma_semaphore, #tpu.memory_space<semaphore_mem>>) src(%dma_wait3A_204 : memref<10000x32xf32, #tpu.memory_space<hbm>>) dst(%arg12 : memref<125x32xf32, #tpu.memory_space<vmem>>)
      %add3A_205 = arith.constant 4 : i32
      %add3A_206 = arith.addi %mul3A_137, %add3A_205 : i32
      %dma_start3A_207 = arith.constant 0 : i32
      %dma_start3A_208 = tpu.memref_slice %arg7[%add3A_206, %dma_start3A_207] : memref<80x125xi32, #tpu.memory_space<vmem>> -> memref<1x125xi32, #tpu.memory_space<vmem>>
      %dma_start3A_209 = tpu.memref_squeeze %dma_start3A_208 : memref<1x125xi32, #tpu.memory_space<vmem>> -> memref<125xi32, #tpu.memory_space<vmem>>
      %dma_start3A_210 = arith.constant 0 : i32
      %dma_start3A_211 = arith.constant 0 : i32
      %dma_start3A_212 = tpu.memref_slice %arg16[%dma_start3A_210, %dma_start3A_211] : memref<10000x32xf32, #tpu.memory_space<vmem_shared>> -> memref<10000x32xf32, #tpu.memory_space<vmem_shared>>
      tpu.enqueue_indirect_dma source(%arg12 : memref<125x32xf32, #tpu.memory_space<vmem>>) target(%dma_start3A_212 : memref<10000x32xf32, #tpu.memory_space<vmem_shared>>) offsets(%dma_start3A_209 : memref<125xi32, #tpu.memory_space<vmem>>) semaphore(%arg29 : memref<!tpu.dma_semaphore, #tpu.memory_space<semaphore_mem>>) {add = true}
      %dma_wait3A_213 = arith.constant 0 : i32
      %dma_wait3A_214 = arith.constant 0 : i32
      %dma_wait3A_215 = tpu.memref_slice %arg6[%dma_wait3A_213, %dma_wait3A_214] : memref<80x125xi32, #tpu.memory_space<vmem>> -> memref<1x125xi32, #tpu.memory_space<vmem>>
      %dma_wait3A_216 = tpu.memref_squeeze %dma_wait3A_215 : memref<1x125xi32, #tpu.memory_space<vmem>> -> memref<125xi32, #tpu.memory_space<vmem>>
      %dma_wait3A_217 = arith.constant 0 : i32
      %dma_wait3A_218 = arith.constant 0 : i32
      %dma_wait3A_219 = tpu.memref_slice %arg2[%dma_wait3A_217, %dma_wait3A_218] : memref<10000x32xf32, #tpu.memory_space<hbm>> -> memref<10000x32xf32, #tpu.memory_space<hbm>>
      tpu.wait_indirect_dma semaphore(%arg22 : memref<!tpu.dma_semaphore, #tpu.memory_space<semaphore_mem>>) src(%dma_wait3A_219 : memref<10000x32xf32, #tpu.memory_space<hbm>>) dst(%arg13 : memref<125x32xf32, #tpu.memory_space<vmem>>)
      %add3A_220 = arith.constant 5 : i32
      %add3A_221 = arith.addi %mul3A_137, %add3A_220 : i32
      %dma_start3A_222 = arith.constant 0 : i32
      %dma_start3A_223 = tpu.memref_slice %arg7[%add3A_221, %dma_start3A_222] : memref<80x125xi32, #tpu.memory_space<vmem>> -> memref<1x125xi32, #tpu.memory_space<vmem>>
      %dma_start3A_224 = tpu.memref_squeeze %dma_start3A_223 : memref<1x125xi32, #tpu.memory_space<vmem>> -> memref<125xi32, #tpu.memory_space<vmem>>
      %dma_start3A_225 = arith.constant 0 : i32
      %dma_start3A_226 = arith.constant 0 : i32
      %dma_start3A_227 = tpu.memref_slice %arg16[%dma_start3A_225, %dma_start3A_226] : memref<10000x32xf32, #tpu.memory_space<vmem_shared>> -> memref<10000x32xf32, #tpu.memory_space<vmem_shared>>
      tpu.enqueue_indirect_dma source(%arg13 : memref<125x32xf32, #tpu.memory_space<vmem>>) target(%dma_start3A_227 : memref<10000x32xf32, #tpu.memory_space<vmem_shared>>) offsets(%dma_start3A_224 : memref<125xi32, #tpu.memory_space<vmem>>) semaphore(%arg30 : memref<!tpu.dma_semaphore, #tpu.memory_space<semaphore_mem>>) {add = true}
      %dma_wait3A_228 = arith.constant 0 : i32
      %dma_wait3A_229 = arith.constant 0 : i32
      %dma_wait3A_230 = tpu.memref_slice %arg6[%dma_wait3A_228, %dma_wait3A_229] : memref<80x125xi32, #tpu.memory_space<vmem>> -> memref<1x125xi32, #tpu.memory_space<vmem>>
      %dma_wait3A_231 = tpu.memref_squeeze %dma_wait3A_230 : memref<1x125xi32, #tpu.memory_space<vmem>> -> memref<125xi32, #tpu.memory_space<vmem>>
      %dma_wait3A_232 = arith.constant 0 : i32
      %dma_wait3A_233 = arith.constant 0 : i32
      %dma_wait3A_234 = tpu.memref_slice %arg2[%dma_wait3A_232, %dma_wait3A_233] : memref<10000x32xf32, #tpu.memory_space<hbm>> -> memref<10000x32xf32, #tpu.memory_space<hbm>>
      tpu.wait_indirect_dma semaphore(%arg23 : memref<!tpu.dma_semaphore, #tpu.memory_space<semaphore_mem>>) src(%dma_wait3A_234 : memref<10000x32xf32, #tpu.memory_space<hbm>>) dst(%arg14 : memref<125x32xf32, #tpu.memory_space<vmem>>)
      %add3A_235 = arith.constant 6 : i32
      %add3A_236 = arith.addi %mul3A_137, %add3A_235 : i32
      %dma_start3A_237 = arith.constant 0 : i32
      %dma_start3A_238 = tpu.memref_slice %arg7[%add3A_236, %dma_start3A_237] : memref<80x125xi32, #tpu.memory_space<vmem>> -> memref<1x125xi32, #tpu.memory_space<vmem>>
      %dma_start3A_239 = tpu.memref_squeeze %dma_start3A_238 : memref<1x125xi32, #tpu.memory_space<vmem>> -> memref<125xi32, #tpu.memory_space<vmem>>
      %dma_start3A_240 = arith.constant 0 : i32
      %dma_start3A_241 = arith.constant 0 : i32
      %dma_start3A_242 = tpu.memref_slice %arg16[%dma_start3A_240, %dma_start3A_241] : memref<10000x32xf32, #tpu.memory_space<vmem_shared>> -> memref<10000x32xf32, #tpu.memory_space<vmem_shared>>
      tpu.enqueue_indirect_dma source(%arg14 : memref<125x32xf32, #tpu.memory_space<vmem>>) target(%dma_start3A_242 : memref<10000x32xf32, #tpu.memory_space<vmem_shared>>) offsets(%dma_start3A_239 : memref<125xi32, #tpu.memory_space<vmem>>) semaphore(%arg31 : memref<!tpu.dma_semaphore, #tpu.memory_space<semaphore_mem>>) {add = true}
      %dma_wait3A_243 = arith.constant 0 : i32
      %dma_wait3A_244 = arith.constant 0 : i32
      %dma_wait3A_245 = tpu.memref_slice %arg6[%dma_wait3A_243, %dma_wait3A_244] : memref<80x125xi32, #tpu.memory_space<vmem>> -> memref<1x125xi32, #tpu.memory_space<vmem>>
      %dma_wait3A_246 = tpu.memref_squeeze %dma_wait3A_245 : memref<1x125xi32, #tpu.memory_space<vmem>> -> memref<125xi32, #tpu.memory_space<vmem>>
      %dma_wait3A_247 = arith.constant 0 : i32
      %dma_wait3A_248 = arith.constant 0 : i32
      %dma_wait3A_249 = tpu.memref_slice %arg2[%dma_wait3A_247, %dma_wait3A_248] : memref<10000x32xf32, #tpu.memory_space<hbm>> -> memref<10000x32xf32, #tpu.memory_space<hbm>>
      tpu.wait_indirect_dma semaphore(%arg24 : memref<!tpu.dma_semaphore, #tpu.memory_space<semaphore_mem>>) src(%dma_wait3A_249 : memref<10000x32xf32, #tpu.memory_space<hbm>>) dst(%arg15 : memref<125x32xf32, #tpu.memory_space<vmem>>)
      %add3A_250 = arith.constant 7 : i32
      %add3A_251 = arith.addi %mul3A_137, %add3A_250 : i32
      %dma_start3A_252 = arith.constant 0 : i32
      %dma_start3A_253 = tpu.memref_slice %arg7[%add3A_251, %dma_start3A_252] : memref<80x125xi32, #tpu.memory_space<vmem>> -> memref<1x125xi32, #tpu.memory_space<vmem>>
      %dma_start3A_254 = tpu.memref_squeeze %dma_start3A_253 : memref<1x125xi32, #tpu.memory_space<vmem>> -> memref<125xi32, #tpu.memory_space<vmem>>
      %dma_start3A_255 = arith.constant 0 : i32
      %dma_start3A_256 = arith.constant 0 : i32
      %dma_start3A_257 = tpu.memref_slice %arg16[%dma_start3A_255, %dma_start3A_256] : memref<10000x32xf32, #tpu.memory_space<vmem_shared>> -> memref<10000x32xf32, #tpu.memory_space<vmem_shared>>
      tpu.enqueue_indirect_dma source(%arg15 : memref<125x32xf32, #tpu.memory_space<vmem>>) target(%dma_start3A_257 : memref<10000x32xf32, #tpu.memory_space<vmem_shared>>) offsets(%dma_start3A_254 : memref<125xi32, #tpu.memory_space<vmem>>) semaphore(%arg32 : memref<!tpu.dma_semaphore, #tpu.memory_space<semaphore_mem>>) {add = true}
      %add3A_258 = arith.constant 8 : i32
      %add3A_259 = arith.addi %mul3A_137, %add3A_258 : i32
      %add3A_260 = arith.constant 0 : i32
      %add3A_261 = arith.addi %add3A_259, %add3A_260 : i32
      %lt3A = arith.constant 80 : i32
      %lt3A_262 = arith.cmpi slt, %add3A_261, %lt3A : i32
      %convert_element_type3A_263 = arith.extui %lt3A_262 : i1 to i32
      %cond3A_264 = arith.constant 0 : i32
      %cond3A_265 = arith.cmpi ne, %convert_element_type3A_263, %cond3A_264 : i32
      scf.if %cond3A_265 {
        %dma_wait3A_329 = arith.constant 0 : i32
        %dma_wait3A_330 = arith.constant 0 : i32
        %dma_wait3A_331 = tpu.memref_slice %arg7[%dma_wait3A_329, %dma_wait3A_330] : memref<80x125xi32, #tpu.memory_space<vmem>> -> memref<1x125xi32, #tpu.memory_space<vmem>>
        %dma_wait3A_332 = tpu.memref_squeeze %dma_wait3A_331 : memref<1x125xi32, #tpu.memory_space<vmem>> -> memref<125xi32, #tpu.memory_space<vmem>>
        %dma_wait3A_333 = arith.constant 0 : i32
        %dma_wait3A_334 = arith.constant 0 : i32
        %dma_wait3A_335 = tpu.memref_slice %arg16[%dma_wait3A_333, %dma_wait3A_334] : memref<10000x32xf32, #tpu.memory_space<vmem_shared>> -> memref<10000x32xf32, #tpu.memory_space<vmem_shared>>
        tpu.wait_indirect_dma semaphore(%arg25 : memref<!tpu.dma_semaphore, #tpu.memory_space<semaphore_mem>>) src(%arg8 : memref<125x32xf32, #tpu.memory_space<vmem>>) dst(%dma_wait3A_335 : memref<10000x32xf32, #tpu.memory_space<vmem_shared>>)
        %add3A_336 = arith.constant 8 : i32
        %add3A_337 = arith.addi %mul3A_137, %add3A_336 : i32
        %add3A_338 = arith.constant 0 : i32
        %add3A_339 = arith.addi %add3A_337, %add3A_338 : i32
        %dma_start3A_340 = arith.constant 0 : i32
        %dma_start3A_341 = tpu.memref_slice %arg6[%add3A_339, %dma_start3A_340] : memref<80x125xi32, #tpu.memory_space<vmem>> -> memref<1x125xi32, #tpu.memory_space<vmem>>
        %dma_start3A_342 = tpu.memref_squeeze %dma_start3A_341 : memref<1x125xi32, #tpu.memory_space<vmem>> -> memref<125xi32, #tpu.memory_space<vmem>>
        %dma_start3A_343 = arith.constant 0 : i32
        %dma_start3A_344 = arith.constant 0 : i32
        %dma_start3A_345 = tpu.memref_slice %arg2[%dma_start3A_343, %dma_start3A_344] : memref<10000x32xf32, #tpu.memory_space<hbm>> -> memref<10000x32xf32, #tpu.memory_space<hbm>>
        tpu.enqueue_indirect_dma source(%dma_start3A_345 : memref<10000x32xf32, #tpu.memory_space<hbm>>) target(%arg8 : memref<125x32xf32, #tpu.memory_space<vmem>>) offsets(%dma_start3A_342 : memref<125xi32, #tpu.memory_space<vmem>>) semaphore(%arg17 : memref<!tpu.dma_semaphore, #tpu.memory_space<semaphore_mem>>)
      } else {
      }
      %add3A_266 = arith.constant 8 : i32
      %add3A_267 = arith.addi %mul3A_137, %add3A_266 : i32
      %add3A_268 = arith.constant 1 : i32
      %add3A_269 = arith.addi %add3A_267, %add3A_268 : i32
      %lt3A_270 = arith.constant 80 : i32
      %lt3A_271 = arith.cmpi slt, %add3A_269, %lt3A_270 : i32
      %convert_element_type3A_272 = arith.extui %lt3A_271 : i1 to i32
      %cond3A_273 = arith.constant 0 : i32
      %cond3A_274 = arith.cmpi ne, %convert_element_type3A_272, %cond3A_273 : i32
      scf.if %cond3A_274 {
        %dma_wait3A_329 = arith.constant 0 : i32
        %dma_wait3A_330 = arith.constant 0 : i32
        %dma_wait3A_331 = tpu.memref_slice %arg7[%dma_wait3A_329, %dma_wait3A_330] : memref<80x125xi32, #tpu.memory_space<vmem>> -> memref<1x125xi32, #tpu.memory_space<vmem>>
        %dma_wait3A_332 = tpu.memref_squeeze %dma_wait3A_331 : memref<1x125xi32, #tpu.memory_space<vmem>> -> memref<125xi32, #tpu.memory_space<vmem>>
        %dma_wait3A_333 = arith.constant 0 : i32
        %dma_wait3A_334 = arith.constant 0 : i32
        %dma_wait3A_335 = tpu.memref_slice %arg16[%dma_wait3A_333, %dma_wait3A_334] : memref<10000x32xf32, #tpu.memory_space<vmem_shared>> -> memref<10000x32xf32, #tpu.memory_space<vmem_shared>>
        tpu.wait_indirect_dma semaphore(%arg26 : memref<!tpu.dma_semaphore, #tpu.memory_space<semaphore_mem>>) src(%arg9 : memref<125x32xf32, #tpu.memory_space<vmem>>) dst(%dma_wait3A_335 : memref<10000x32xf32, #tpu.memory_space<vmem_shared>>)
        %add3A_336 = arith.constant 8 : i32
        %add3A_337 = arith.addi %mul3A_137, %add3A_336 : i32
        %add3A_338 = arith.constant 1 : i32
        %add3A_339 = arith.addi %add3A_337, %add3A_338 : i32
        %dma_start3A_340 = arith.constant 0 : i32
        %dma_start3A_341 = tpu.memref_slice %arg6[%add3A_339, %dma_start3A_340] : memref<80x125xi32, #tpu.memory_space<vmem>> -> memref<1x125xi32, #tpu.memory_space<vmem>>
        %dma_start3A_342 = tpu.memref_squeeze %dma_start3A_341 : memref<1x125xi32, #tpu.memory_space<vmem>> -> memref<125xi32, #tpu.memory_space<vmem>>
        %dma_start3A_343 = arith.constant 0 : i32
        %dma_start3A_344 = arith.constant 0 : i32
        %dma_start3A_345 = tpu.memref_slice %arg2[%dma_start3A_343, %dma_start3A_344] : memref<10000x32xf32, #tpu.memory_space<hbm>> -> memref<10000x32xf32, #tpu.memory_space<hbm>>
        tpu.enqueue_indirect_dma source(%dma_start3A_345 : memref<10000x32xf32, #tpu.memory_space<hbm>>) target(%arg9 : memref<125x32xf32, #tpu.memory_space<vmem>>) offsets(%dma_start3A_342 : memref<125xi32, #tpu.memory_space<vmem>>) semaphore(%arg18 : memref<!tpu.dma_semaphore, #tpu.memory_space<semaphore_mem>>)
      } else {
      }
      %add3A_275 = arith.constant 8 : i32
      %add3A_276 = arith.addi %mul3A_137, %add3A_275 : i32
      %add3A_277 = arith.constant 2 : i32
      %add3A_278 = arith.addi %add3A_276, %add3A_277 : i32
      %lt3A_279 = arith.constant 80 : i32
      %lt3A_280 = arith.cmpi slt, %add3A_278, %lt3A_279 : i32
      %convert_element_type3A_281 = arith.extui %lt3A_280 : i1 to i32
      %cond3A_282 = arith.constant 0 : i32
      %cond3A_283 = arith.cmpi ne, %convert_element_type3A_281, %cond3A_282 : i32
      scf.if %cond3A_283 {
        %dma_wait3A_329 = arith.constant 0 : i32
        %dma_wait3A_330 = arith.constant 0 : i32
        %dma_wait3A_331 = tpu.memref_slice %arg7[%dma_wait3A_329, %dma_wait3A_330] : memref<80x125xi32, #tpu.memory_space<vmem>> -> memref<1x125xi32, #tpu.memory_space<vmem>>
        %dma_wait3A_332 = tpu.memref_squeeze %dma_wait3A_331 : memref<1x125xi32, #tpu.memory_space<vmem>> -> memref<125xi32, #tpu.memory_space<vmem>>
        %dma_wait3A_333 = arith.constant 0 : i32
        %dma_wait3A_334 = arith.constant 0 : i32
        %dma_wait3A_335 = tpu.memref_slice %arg16[%dma_wait3A_333, %dma_wait3A_334] : memref<10000x32xf32, #tpu.memory_space<vmem_shared>> -> memref<10000x32xf32, #tpu.memory_space<vmem_shared>>
        tpu.wait_indirect_dma semaphore(%arg27 : memref<!tpu.dma_semaphore, #tpu.memory_space<semaphore_mem>>) src(%arg10 : memref<125x32xf32, #tpu.memory_space<vmem>>) dst(%dma_wait3A_335 : memref<10000x32xf32, #tpu.memory_space<vmem_shared>>)
        %add3A_336 = arith.constant 8 : i32
        %add3A_337 = arith.addi %mul3A_137, %add3A_336 : i32
        %add3A_338 = arith.constant 2 : i32
        %add3A_339 = arith.addi %add3A_337, %add3A_338 : i32
        %dma_start3A_340 = arith.constant 0 : i32
        %dma_start3A_341 = tpu.memref_slice %arg6[%add3A_339, %dma_start3A_340] : memref<80x125xi32, #tpu.memory_space<vmem>> -> memref<1x125xi32, #tpu.memory_space<vmem>>
        %dma_start3A_342 = tpu.memref_squeeze %dma_start3A_341 : memref<1x125xi32, #tpu.memory_space<vmem>> -> memref<125xi32, #tpu.memory_space<vmem>>
        %dma_start3A_343 = arith.constant 0 : i32
        %dma_start3A_344 = arith.constant 0 : i32
        %dma_start3A_345 = tpu.memref_slice %arg2[%dma_start3A_343, %dma_start3A_344] : memref<10000x32xf32, #tpu.memory_space<hbm>> -> memref<10000x32xf32, #tpu.memory_space<hbm>>
        tpu.enqueue_indirect_dma source(%dma_start3A_345 : memref<10000x32xf32, #tpu.memory_space<hbm>>) target(%arg10 : memref<125x32xf32, #tpu.memory_space<vmem>>) offsets(%dma_start3A_342 : memref<125xi32, #tpu.memory_space<vmem>>) semaphore(%arg19 : memref<!tpu.dma_semaphore, #tpu.memory_space<semaphore_mem>>)
      } else {
      }
      %add3A_284 = arith.constant 8 : i32
      %add3A_285 = arith.addi %mul3A_137, %add3A_284 : i32
      %add3A_286 = arith.constant 3 : i32
      %add3A_287 = arith.addi %add3A_285, %add3A_286 : i32
      %lt3A_288 = arith.constant 80 : i32
      %lt3A_289 = arith.cmpi slt, %add3A_287, %lt3A_288 : i32
      %convert_element_type3A_290 = arith.extui %lt3A_289 : i1 to i32
      %cond3A_291 = arith.constant 0 : i32
      %cond3A_292 = arith.cmpi ne, %convert_element_type3A_290, %cond3A_291 : i32
      scf.if %cond3A_292 {
        %dma_wait3A_329 = arith.constant 0 : i32
        %dma_wait3A_330 = arith.constant 0 : i32
        %dma_wait3A_331 = tpu.memref_slice %arg7[%dma_wait3A_329, %dma_wait3A_330] : memref<80x125xi32, #tpu.memory_space<vmem>> -> memref<1x125xi32, #tpu.memory_space<vmem>>
        %dma_wait3A_332 = tpu.memref_squeeze %dma_wait3A_331 : memref<1x125xi32, #tpu.memory_space<vmem>> -> memref<125xi32, #tpu.memory_space<vmem>>
        %dma_wait3A_333 = arith.constant 0 : i32
        %dma_wait3A_334 = arith.constant 0 : i32
        %dma_wait3A_335 = tpu.memref_slice %arg16[%dma_wait3A_333, %dma_wait3A_334] : memref<10000x32xf32, #tpu.memory_space<vmem_shared>> -> memref<10000x32xf32, #tpu.memory_space<vmem_shared>>
        tpu.wait_indirect_dma semaphore(%arg28 : memref<!tpu.dma_semaphore, #tpu.memory_space<semaphore_mem>>) src(%arg11 : memref<125x32xf32, #tpu.memory_space<vmem>>) dst(%dma_wait3A_335 : memref<10000x32xf32, #tpu.memory_space<vmem_shared>>)
        %add3A_336 = arith.constant 8 : i32
        %add3A_337 = arith.addi %mul3A_137, %add3A_336 : i32
        %add3A_338 = arith.constant 3 : i32
        %add3A_339 = arith.addi %add3A_337, %add3A_338 : i32
        %dma_start3A_340 = arith.constant 0 : i32
        %dma_start3A_341 = tpu.memref_slice %arg6[%add3A_339, %dma_start3A_340] : memref<80x125xi32, #tpu.memory_space<vmem>> -> memref<1x125xi32, #tpu.memory_space<vmem>>
        %dma_start3A_342 = tpu.memref_squeeze %dma_start3A_341 : memref<1x125xi32, #tpu.memory_space<vmem>> -> memref<125xi32, #tpu.memory_space<vmem>>
        %dma_start3A_343 = arith.constant 0 : i32
        %dma_start3A_344 = arith.constant 0 : i32
        %dma_start3A_345 = tpu.memref_slice %arg2[%dma_start3A_343, %dma_start3A_344] : memref<10000x32xf32, #tpu.memory_space<hbm>> -> memref<10000x32xf32, #tpu.memory_space<hbm>>
        tpu.enqueue_indirect_dma source(%dma_start3A_345 : memref<10000x32xf32, #tpu.memory_space<hbm>>) target(%arg11 : memref<125x32xf32, #tpu.memory_space<vmem>>) offsets(%dma_start3A_342 : memref<125xi32, #tpu.memory_space<vmem>>) semaphore(%arg20 : memref<!tpu.dma_semaphore, #tpu.memory_space<semaphore_mem>>)
      } else {
      }
      %add3A_293 = arith.constant 8 : i32
      %add3A_294 = arith.addi %mul3A_137, %add3A_293 : i32
      %add3A_295 = arith.constant 4 : i32
      %add3A_296 = arith.addi %add3A_294, %add3A_295 : i32
      %lt3A_297 = arith.constant 80 : i32
      %lt3A_298 = arith.cmpi slt, %add3A_296, %lt3A_297 : i32
      %convert_element_type3A_299 = arith.extui %lt3A_298 : i1 to i32
      %cond3A_300 = arith.constant 0 : i32
      %cond3A_301 = arith.cmpi ne, %convert_element_type3A_299, %cond3A_300 : i32
      scf.if %cond3A_301 {
        %dma_wait3A_329 = arith.constant 0 : i32
        %dma_wait3A_330 = arith.constant 0 : i32
        %dma_wait3A_331 = tpu.memref_slice %arg7[%dma_wait3A_329, %dma_wait3A_330] : memref<80x125xi32, #tpu.memory_space<vmem>> -> memref<1x125xi32, #tpu.memory_space<vmem>>
        %dma_wait3A_332 = tpu.memref_squeeze %dma_wait3A_331 : memref<1x125xi32, #tpu.memory_space<vmem>> -> memref<125xi32, #tpu.memory_space<vmem>>
        %dma_wait3A_333 = arith.constant 0 : i32
        %dma_wait3A_334 = arith.constant 0 : i32
        %dma_wait3A_335 = tpu.memref_slice %arg16[%dma_wait3A_333, %dma_wait3A_334] : memref<10000x32xf32, #tpu.memory_space<vmem_shared>> -> memref<10000x32xf32, #tpu.memory_space<vmem_shared>>
        tpu.wait_indirect_dma semaphore(%arg29 : memref<!tpu.dma_semaphore, #tpu.memory_space<semaphore_mem>>) src(%arg12 : memref<125x32xf32, #tpu.memory_space<vmem>>) dst(%dma_wait3A_335 : memref<10000x32xf32, #tpu.memory_space<vmem_shared>>)
        %add3A_336 = arith.constant 8 : i32
        %add3A_337 = arith.addi %mul3A_137, %add3A_336 : i32
        %add3A_338 = arith.constant 4 : i32
        %add3A_339 = arith.addi %add3A_337, %add3A_338 : i32
        %dma_start3A_340 = arith.constant 0 : i32
        %dma_start3A_341 = tpu.memref_slice %arg6[%add3A_339, %dma_start3A_340] : memref<80x125xi32, #tpu.memory_space<vmem>> -> memref<1x125xi32, #tpu.memory_space<vmem>>
        %dma_start3A_342 = tpu.memref_squeeze %dma_start3A_341 : memref<1x125xi32, #tpu.memory_space<vmem>> -> memref<125xi32, #tpu.memory_space<vmem>>
        %dma_start3A_343 = arith.constant 0 : i32
        %dma_start3A_344 = arith.constant 0 : i32
        %dma_start3A_345 = tpu.memref_slice %arg2[%dma_start3A_343, %dma_start3A_344] : memref<10000x32xf32, #tpu.memory_space<hbm>> -> memref<10000x32xf32, #tpu.memory_space<hbm>>
        tpu.enqueue_indirect_dma source(%dma_start3A_345 : memref<10000x32xf32, #tpu.memory_space<hbm>>) target(%arg12 : memref<125x32xf32, #tpu.memory_space<vmem>>) offsets(%dma_start3A_342 : memref<125xi32, #tpu.memory_space<vmem>>) semaphore(%arg21 : memref<!tpu.dma_semaphore, #tpu.memory_space<semaphore_mem>>)
      } else {
      }
      %add3A_302 = arith.constant 8 : i32
      %add3A_303 = arith.addi %mul3A_137, %add3A_302 : i32
      %add3A_304 = arith.constant 5 : i32
      %add3A_305 = arith.addi %add3A_303, %add3A_304 : i32
      %lt3A_306 = arith.constant 80 : i32
      %lt3A_307 = arith.cmpi slt, %add3A_305, %lt3A_306 : i32
      %convert_element_type3A_308 = arith.extui %lt3A_307 : i1 to i32
      %cond3A_309 = arith.constant 0 : i32
      %cond3A_310 = arith.cmpi ne, %convert_element_type3A_308, %cond3A_309 : i32
      scf.if %cond3A_310 {
        %dma_wait3A_329 = arith.constant 0 : i32
        %dma_wait3A_330 = arith.constant 0 : i32
        %dma_wait3A_331 = tpu.memref_slice %arg7[%dma_wait3A_329, %dma_wait3A_330] : memref<80x125xi32, #tpu.memory_space<vmem>> -> memref<1x125xi32, #tpu.memory_space<vmem>>
        %dma_wait3A_332 = tpu.memref_squeeze %dma_wait3A_331 : memref<1x125xi32, #tpu.memory_space<vmem>> -> memref<125xi32, #tpu.memory_space<vmem>>
        %dma_wait3A_333 = arith.constant 0 : i32
        %dma_wait3A_334 = arith.constant 0 : i32
        %dma_wait3A_335 = tpu.memref_slice %arg16[%dma_wait3A_333, %dma_wait3A_334] : memref<10000x32xf32, #tpu.memory_space<vmem_shared>> -> memref<10000x32xf32, #tpu.memory_space<vmem_shared>>
        tpu.wait_indirect_dma semaphore(%arg30 : memref<!tpu.dma_semaphore, #tpu.memory_space<semaphore_mem>>) src(%arg13 : memref<125x32xf32, #tpu.memory_space<vmem>>) dst(%dma_wait3A_335 : memref<10000x32xf32, #tpu.memory_space<vmem_shared>>)
        %add3A_336 = arith.constant 8 : i32
        %add3A_337 = arith.addi %mul3A_137, %add3A_336 : i32
        %add3A_338 = arith.constant 5 : i32
        %add3A_339 = arith.addi %add3A_337, %add3A_338 : i32
        %dma_start3A_340 = arith.constant 0 : i32
        %dma_start3A_341 = tpu.memref_slice %arg6[%add3A_339, %dma_start3A_340] : memref<80x125xi32, #tpu.memory_space<vmem>> -> memref<1x125xi32, #tpu.memory_space<vmem>>
        %dma_start3A_342 = tpu.memref_squeeze %dma_start3A_341 : memref<1x125xi32, #tpu.memory_space<vmem>> -> memref<125xi32, #tpu.memory_space<vmem>>
        %dma_start3A_343 = arith.constant 0 : i32
        %dma_start3A_344 = arith.constant 0 : i32
        %dma_start3A_345 = tpu.memref_slice %arg2[%dma_start3A_343, %dma_start3A_344] : memref<10000x32xf32, #tpu.memory_space<hbm>> -> memref<10000x32xf32, #tpu.memory_space<hbm>>
        tpu.enqueue_indirect_dma source(%dma_start3A_345 : memref<10000x32xf32, #tpu.memory_space<hbm>>) target(%arg13 : memref<125x32xf32, #tpu.memory_space<vmem>>) offsets(%dma_start3A_342 : memref<125xi32, #tpu.memory_space<vmem>>) semaphore(%arg22 : memref<!tpu.dma_semaphore, #tpu.memory_space<semaphore_mem>>)
      } else {
      }
      %add3A_311 = arith.constant 8 : i32
      %add3A_312 = arith.addi %mul3A_137, %add3A_311 : i32
      %add3A_313 = arith.constant 6 : i32
      %add3A_314 = arith.addi %add3A_312, %add3A_313 : i32
      %lt3A_315 = arith.constant 80 : i32
      %lt3A_316 = arith.cmpi slt, %add3A_314, %lt3A_315 : i32
      %convert_element_type3A_317 = arith.extui %lt3A_316 : i1 to i32
      %cond3A_318 = arith.constant 0 : i32
      %cond3A_319 = arith.cmpi ne, %convert_element_type3A_317, %cond3A_318 : i32
      scf.if %cond3A_319 {
        %dma_wait3A_329 = arith.constant 0 : i32
        %dma_wait3A_330 = arith.constant 0 : i32
        %dma_wait3A_331 = tpu.memref_slice %arg7[%dma_wait3A_329, %dma_wait3A_330] : memref<80x125xi32, #tpu.memory_space<vmem>> -> memref<1x125xi32, #tpu.memory_space<vmem>>
        %dma_wait3A_332 = tpu.memref_squeeze %dma_wait3A_331 : memref<1x125xi32, #tpu.memory_space<vmem>> -> memref<125xi32, #tpu.memory_space<vmem>>
        %dma_wait3A_333 = arith.constant 0 : i32
        %dma_wait3A_334 = arith.constant 0 : i32
        %dma_wait3A_335 = tpu.memref_slice %arg16[%dma_wait3A_333, %dma_wait3A_334] : memref<10000x32xf32, #tpu.memory_space<vmem_shared>> -> memref<10000x32xf32, #tpu.memory_space<vmem_shared>>
        tpu.wait_indirect_dma semaphore(%arg31 : memref<!tpu.dma_semaphore, #tpu.memory_space<semaphore_mem>>) src(%arg14 : memref<125x32xf32, #tpu.memory_space<vmem>>) dst(%dma_wait3A_335 : memref<10000x32xf32, #tpu.memory_space<vmem_shared>>)
        %add3A_336 = arith.constant 8 : i32
        %add3A_337 = arith.addi %mul3A_137, %add3A_336 : i32
        %add3A_338 = arith.constant 6 : i32
        %add3A_339 = arith.addi %add3A_337, %add3A_338 : i32
        %dma_start3A_340 = arith.constant 0 : i32
        %dma_start3A_341 = tpu.memref_slice %arg6[%add3A_339, %dma_start3A_340] : memref<80x125xi32, #tpu.memory_space<vmem>> -> memref<1x125xi32, #tpu.memory_space<vmem>>
        %dma_start3A_342 = tpu.memref_squeeze %dma_start3A_341 : memref<1x125xi32, #tpu.memory_space<vmem>> -> memref<125xi32, #tpu.memory_space<vmem>>
        %dma_start3A_343 = arith.constant 0 : i32
        %dma_start3A_344 = arith.constant 0 : i32
        %dma_start3A_345 = tpu.memref_slice %arg2[%dma_start3A_343, %dma_start3A_344] : memref<10000x32xf32, #tpu.memory_space<hbm>> -> memref<10000x32xf32, #tpu.memory_space<hbm>>
        tpu.enqueue_indirect_dma source(%dma_start3A_345 : memref<10000x32xf32, #tpu.memory_space<hbm>>) target(%arg14 : memref<125x32xf32, #tpu.memory_space<vmem>>) offsets(%dma_start3A_342 : memref<125xi32, #tpu.memory_space<vmem>>) semaphore(%arg23 : memref<!tpu.dma_semaphore, #tpu.memory_space<semaphore_mem>>)
      } else {
      }
      %add3A_320 = arith.constant 8 : i32
      %add3A_321 = arith.addi %mul3A_137, %add3A_320 : i32
      %add3A_322 = arith.constant 7 : i32
      %add3A_323 = arith.addi %add3A_321, %add3A_322 : i32
      %lt3A_324 = arith.constant 80 : i32
      %lt3A_325 = arith.cmpi slt, %add3A_323, %lt3A_324 : i32
      %convert_element_type3A_326 = arith.extui %lt3A_325 : i1 to i32
      %cond3A_327 = arith.constant 0 : i32
      %cond3A_328 = arith.cmpi ne, %convert_element_type3A_326, %cond3A_327 : i32
      scf.if %cond3A_328 {
        %dma_wait3A_329 = arith.constant 0 : i32
        %dma_wait3A_330 = arith.constant 0 : i32
        %dma_wait3A_331 = tpu.memref_slice %arg7[%dma_wait3A_329, %dma_wait3A_330] : memref<80x125xi32, #tpu.memory_space<vmem>> -> memref<1x125xi32, #tpu.memory_space<vmem>>
        %dma_wait3A_332 = tpu.memref_squeeze %dma_wait3A_331 : memref<1x125xi32, #tpu.memory_space<vmem>> -> memref<125xi32, #tpu.memory_space<vmem>>
        %dma_wait3A_333 = arith.constant 0 : i32
        %dma_wait3A_334 = arith.constant 0 : i32
        %dma_wait3A_335 = tpu.memref_slice %arg16[%dma_wait3A_333, %dma_wait3A_334] : memref<10000x32xf32, #tpu.memory_space<vmem_shared>> -> memref<10000x32xf32, #tpu.memory_space<vmem_shared>>
        tpu.wait_indirect_dma semaphore(%arg32 : memref<!tpu.dma_semaphore, #tpu.memory_space<semaphore_mem>>) src(%arg15 : memref<125x32xf32, #tpu.memory_space<vmem>>) dst(%dma_wait3A_335 : memref<10000x32xf32, #tpu.memory_space<vmem_shared>>)
        %add3A_336 = arith.constant 8 : i32
        %add3A_337 = arith.addi %mul3A_137, %add3A_336 : i32
        %add3A_338 = arith.constant 7 : i32
        %add3A_339 = arith.addi %add3A_337, %add3A_338 : i32
        %dma_start3A_340 = arith.constant 0 : i32
        %dma_start3A_341 = tpu.memref_slice %arg6[%add3A_339, %dma_start3A_340] : memref<80x125xi32, #tpu.memory_space<vmem>> -> memref<1x125xi32, #tpu.memory_space<vmem>>
        %dma_start3A_342 = tpu.memref_squeeze %dma_start3A_341 : memref<1x125xi32, #tpu.memory_space<vmem>> -> memref<125xi32, #tpu.memory_space<vmem>>
        %dma_start3A_343 = arith.constant 0 : i32
        %dma_start3A_344 = arith.constant 0 : i32
        %dma_start3A_345 = tpu.memref_slice %arg2[%dma_start3A_343, %dma_start3A_344] : memref<10000x32xf32, #tpu.memory_space<hbm>> -> memref<10000x32xf32, #tpu.memory_space<hbm>>
        tpu.enqueue_indirect_dma source(%dma_start3A_345 : memref<10000x32xf32, #tpu.memory_space<hbm>>) target(%arg15 : memref<125x32xf32, #tpu.memory_space<vmem>>) offsets(%dma_start3A_342 : memref<125xi32, #tpu.memory_space<vmem>>) semaphore(%arg24 : memref<!tpu.dma_semaphore, #tpu.memory_space<semaphore_mem>>)
      } else {
      }
    }
    %scan3A_71 = arith.constant 10 : i32
    %dma_wait3A = arith.constant 0 : i32
    %dma_wait3A_72 = arith.constant 0 : i32
    %dma_wait3A_73 = tpu.memref_slice %arg7[%dma_wait3A, %dma_wait3A_72] : memref<80x125xi32, #tpu.memory_space<vmem>> -> memref<1x125xi32, #tpu.memory_space<vmem>>
    %dma_wait3A_74 = tpu.memref_squeeze %dma_wait3A_73 : memref<1x125xi32, #tpu.memory_space<vmem>> -> memref<125xi32, #tpu.memory_space<vmem>>
    %dma_wait3A_75 = arith.constant 0 : i32
    %dma_wait3A_76 = arith.constant 0 : i32
    %dma_wait3A_77 = tpu.memref_slice %arg16[%dma_wait3A_75, %dma_wait3A_76] : memref<10000x32xf32, #tpu.memory_space<vmem_shared>> -> memref<10000x32xf32, #tpu.memory_space<vmem_shared>>
    tpu.wait_indirect_dma semaphore(%arg25 : memref<!tpu.dma_semaphore, #tpu.memory_space<semaphore_mem>>) src(%arg8 : memref<125x32xf32, #tpu.memory_space<vmem>>) dst(%dma_wait3A_77 : memref<10000x32xf32, #tpu.memory_space<vmem_shared>>)
    %dma_wait3A_78 = arith.constant 0 : i32
    %dma_wait3A_79 = arith.constant 0 : i32
    %dma_wait3A_80 = tpu.memref_slice %arg7[%dma_wait3A_78, %dma_wait3A_79] : memref<80x125xi32, #tpu.memory_space<vmem>> -> memref<1x125xi32, #tpu.memory_space<vmem>>
    %dma_wait3A_81 = tpu.memref_squeeze %dma_wait3A_80 : memref<1x125xi32, #tpu.memory_space<vmem>> -> memref<125xi32, #tpu.memory_space<vmem>>
    %dma_wait3A_82 = arith.constant 0 : i32
    %dma_wait3A_83 = arith.constant 0 : i32
    %dma_wait3A_84 = tpu.memref_slice %arg16[%dma_wait3A_82, %dma_wait3A_83] : memref<10000x32xf32, #tpu.memory_space<vmem_shared>> -> memref<10000x32xf32, #tpu.memory_space<vmem_shared>>
    tpu.wait_indirect_dma semaphore(%arg26 : memref<!tpu.dma_semaphore, #tpu.memory_space<semaphore_mem>>) src(%arg9 : memref<125x32xf32, #tpu.memory_space<vmem>>) dst(%dma_wait3A_84 : memref<10000x32xf32, #tpu.memory_space<vmem_shared>>)
    %dma_wait3A_85 = arith.constant 0 : i32
    %dma_wait3A_86 = arith.constant 0 : i32
    %dma_wait3A_87 = tpu.memref_slice %arg7[%dma_wait3A_85, %dma_wait3A_86] : memref<80x125xi32, #tpu.memory_space<vmem>> -> memref<1x125xi32, #tpu.memory_space<vmem>>
    %dma_wait3A_88 = tpu.memref_squeeze %dma_wait3A_87 : memref<1x125xi32, #tpu.memory_space<vmem>> -> memref<125xi32, #tpu.memory_space<vmem>>
    %dma_wait3A_89 = arith.constant 0 : i32
    %dma_wait3A_90 = arith.constant 0 : i32
    %dma_wait3A_91 = tpu.memref_slice %arg16[%dma_wait3A_89, %dma_wait3A_90] : memref<10000x32xf32, #tpu.memory_space<vmem_shared>> -> memref<10000x32xf32, #tpu.memory_space<vmem_shared>>
    tpu.wait_indirect_dma semaphore(%arg27 : memref<!tpu.dma_semaphore, #tpu.memory_space<semaphore_mem>>) src(%arg10 : memref<125x32xf32, #tpu.memory_space<vmem>>) dst(%dma_wait3A_91 : memref<10000x32xf32, #tpu.memory_space<vmem_shared>>)
    %dma_wait3A_92 = arith.constant 0 : i32
    %dma_wait3A_93 = arith.constant 0 : i32
    %dma_wait3A_94 = tpu.memref_slice %arg7[%dma_wait3A_92, %dma_wait3A_93] : memref<80x125xi32, #tpu.memory_space<vmem>> -> memref<1x125xi32, #tpu.memory_space<vmem>>
    %dma_wait3A_95 = tpu.memref_squeeze %dma_wait3A_94 : memref<1x125xi32, #tpu.memory_space<vmem>> -> memref<125xi32, #tpu.memory_space<vmem>>
    %dma_wait3A_96 = arith.constant 0 : i32
    %dma_wait3A_97 = arith.constant 0 : i32
    %dma_wait3A_98 = tpu.memref_slice %arg16[%dma_wait3A_96, %dma_wait3A_97] : memref<10000x32xf32, #tpu.memory_space<vmem_shared>> -> memref<10000x32xf32, #tpu.memory_space<vmem_shared>>
    tpu.wait_indirect_dma semaphore(%arg28 : memref<!tpu.dma_semaphore, #tpu.memory_space<semaphore_mem>>) src(%arg11 : memref<125x32xf32, #tpu.memory_space<vmem>>) dst(%dma_wait3A_98 : memref<10000x32xf32, #tpu.memory_space<vmem_shared>>)
    %dma_wait3A_99 = arith.constant 0 : i32
    %dma_wait3A_100 = arith.constant 0 : i32
    %dma_wait3A_101 = tpu.memref_slice %arg7[%dma_wait3A_99, %dma_wait3A_100] : memref<80x125xi32, #tpu.memory_space<vmem>> -> memref<1x125xi32, #tpu.memory_space<vmem>>
    %dma_wait3A_102 = tpu.memref_squeeze %dma_wait3A_101 : memref<1x125xi32, #tpu.memory_space<vmem>> -> memref<125xi32, #tpu.memory_space<vmem>>
    %dma_wait3A_103 = arith.constant 0 : i32
    %dma_wait3A_104 = arith.constant 0 : i32
    %dma_wait3A_105 = tpu.memref_slice %arg16[%dma_wait3A_103, %dma_wait3A_104] : memref<10000x32xf32, #tpu.memory_space<vmem_shared>> -> memref<10000x32xf32, #tpu.memory_space<vmem_shared>>
    tpu.wait_indirect_dma semaphore(%arg29 : memref<!tpu.dma_semaphore, #tpu.memory_space<semaphore_mem>>) src(%arg12 : memref<125x32xf32, #tpu.memory_space<vmem>>) dst(%dma_wait3A_105 : memref<10000x32xf32, #tpu.memory_space<vmem_shared>>)
    %dma_wait3A_106 = arith.constant 0 : i32
    %dma_wait3A_107 = arith.constant 0 : i32
    %dma_wait3A_108 = tpu.memref_slice %arg7[%dma_wait3A_106, %dma_wait3A_107] : memref<80x125xi32, #tpu.memory_space<vmem>> -> memref<1x125xi32, #tpu.memory_space<vmem>>
    %dma_wait3A_109 = tpu.memref_squeeze %dma_wait3A_108 : memref<1x125xi32, #tpu.memory_space<vmem>> -> memref<125xi32, #tpu.memory_space<vmem>>
    %dma_wait3A_110 = arith.constant 0 : i32
    %dma_wait3A_111 = arith.constant 0 : i32
    %dma_wait3A_112 = tpu.memref_slice %arg16[%dma_wait3A_110, %dma_wait3A_111] : memref<10000x32xf32, #tpu.memory_space<vmem_shared>> -> memref<10000x32xf32, #tpu.memory_space<vmem_shared>>
    tpu.wait_indirect_dma semaphore(%arg30 : memref<!tpu.dma_semaphore, #tpu.memory_space<semaphore_mem>>) src(%arg13 : memref<125x32xf32, #tpu.memory_space<vmem>>) dst(%dma_wait3A_112 : memref<10000x32xf32, #tpu.memory_space<vmem_shared>>)
    %dma_wait3A_113 = arith.constant 0 : i32
    %dma_wait3A_114 = arith.constant 0 : i32
    %dma_wait3A_115 = tpu.memref_slice %arg7[%dma_wait3A_113, %dma_wait3A_114] : memref<80x125xi32, #tpu.memory_space<vmem>> -> memref<1x125xi32, #tpu.memory_space<vmem>>
    %dma_wait3A_116 = tpu.memref_squeeze %dma_wait3A_115 : memref<1x125xi32, #tpu.memory_space<vmem>> -> memref<125xi32, #tpu.memory_space<vmem>>
    %dma_wait3A_117 = arith.constant 0 : i32
    %dma_wait3A_118 = arith.constant 0 : i32
    %dma_wait3A_119 = tpu.memref_slice %arg16[%dma_wait3A_117, %dma_wait3A_118] : memref<10000x32xf32, #tpu.memory_space<vmem_shared>> -> memref<10000x32xf32, #tpu.memory_space<vmem_shared>>
    tpu.wait_indirect_dma semaphore(%arg31 : memref<!tpu.dma_semaphore, #tpu.memory_space<semaphore_mem>>) src(%arg14 : memref<125x32xf32, #tpu.memory_space<vmem>>) dst(%dma_wait3A_119 : memref<10000x32xf32, #tpu.memory_space<vmem_shared>>)
    %dma_wait3A_120 = arith.constant 0 : i32
    %dma_wait3A_121 = arith.constant 0 : i32
    %dma_wait3A_122 = tpu.memref_slice %arg7[%dma_wait3A_120, %dma_wait3A_121] : memref<80x125xi32, #tpu.memory_space<vmem>> -> memref<1x125xi32, #tpu.memory_space<vmem>>
    %dma_wait3A_123 = tpu.memref_squeeze %dma_wait3A_122 : memref<1x125xi32, #tpu.memory_space<vmem>> -> memref<125xi32, #tpu.memory_space<vmem>>
    %dma_wait3A_124 = arith.constant 0 : i32
    %dma_wait3A_125 = arith.constant 0 : i32
    %dma_wait3A_126 = tpu.memref_slice %arg16[%dma_wait3A_124, %dma_wait3A_125] : memref<10000x32xf32, #tpu.memory_space<vmem_shared>> -> memref<10000x32xf32, #tpu.memory_space<vmem_shared>>
    tpu.wait_indirect_dma semaphore(%arg32 : memref<!tpu.dma_semaphore, #tpu.memory_space<semaphore_mem>>) src(%arg15 : memref<125x32xf32, #tpu.memory_space<vmem>>) dst(%dma_wait3A_126 : memref<10000x32xf32, #tpu.memory_space<vmem_shared>>)
    %barrier3A_127 = arith.constant 0 : index
    tpu.barrier barrier_id(%barrier3A_127)
    %mul3A_128 = arith.constant 624 : i32
    %mul3A_129 = arith.muli %arg1, %mul3A_128 : i32
    %multiple_of3A = tpu.assume_multiple %mul3A_129, 8 : i32
    "tpu.region"() ({
      %run_scoped3A_135 = tpu.sem_alloc : memref<!tpu.dma_semaphore, #tpu.memory_space<semaphore_mem>>
      %dma_start3A_136 = arith.constant 0 : i32
      %dma_start3A_137 = tpu.memref_slice %arg5[%arg0, %multiple_of3A, %dma_start3A_136] : memref<2x10000x128xf32, #tpu.memory_space<hbm>> -> memref<1x624x32xf32, #tpu.memory_space<hbm>>
      %dma_start3A_138 = tpu.memref_squeeze %dma_start3A_137 : memref<1x624x32xf32, #tpu.memory_space<hbm>> -> memref<624x32xf32, #tpu.memory_space<hbm>>
      %dma_start3A_139 = arith.constant 0 : i32
      %dma_start3A_140 = tpu.memref_slice %arg16[%multiple_of3A, %dma_start3A_139] : memref<10000x32xf32, #tpu.memory_space<vmem_shared>> -> memref<624x32xf32, #tpu.memory_space<vmem_shared>>
      tpu.enqueue_dma source(%dma_start3A_140 : memref<624x32xf32, #tpu.memory_space<vmem_shared>>) target(%dma_start3A_138 : memref<624x32xf32, #tpu.memory_space<hbm>>) target_semaphore(%run_scoped3A_135 : memref<!tpu.dma_semaphore, #tpu.memory_space<semaphore_mem>>)
      %dma_wait3A_141 = arith.constant 0 : i32
      %dma_wait3A_142 = tpu.memref_slice %arg5[%arg0, %multiple_of3A, %dma_wait3A_141] : memref<2x10000x128xf32, #tpu.memory_space<hbm>> -> memref<1x624x32xf32, #tpu.memory_space<hbm>>
      %dma_wait3A_143 = tpu.memref_squeeze %dma_wait3A_142 : memref<1x624x32xf32, #tpu.memory_space<hbm>> -> memref<624x32xf32, #tpu.memory_space<hbm>>
      %dma_wait3A_144 = arith.constant 0 : i32
      %dma_wait3A_145 = tpu.memref_slice %arg16[%multiple_of3A, %dma_wait3A_144] : memref<10000x32xf32, #tpu.memory_space<vmem_shared>> -> memref<624x32xf32, #tpu.memory_space<vmem_shared>>
      tpu.wait_dma2 semaphore(%run_scoped3A_135 : memref<!tpu.dma_semaphore, #tpu.memory_space<semaphore_mem>>) src(%dma_wait3A_145 : memref<624x32xf32, #tpu.memory_space<vmem_shared>>) dst(%dma_wait3A_143 : memref<624x32xf32, #tpu.memory_space<hbm>>)
      tpu.yield
    }) : () -> ()
    %eq3A_130 = arith.constant 15 : i32
    %eq3A_131 = arith.cmpi eq, %arg1, %eq3A_130 : i32
    %convert_element_type3A_132 = arith.extui %eq3A_131 : i1 to i32
    %cond3A_133 = arith.constant 0 : i32
    %cond3A_134 = arith.cmpi ne, %convert_element_type3A_132, %cond3A_133 : i32
    scf.if %cond3A_134 {
      "tpu.region"() ({
        %run_scoped3A_135 = tpu.sem_alloc : memref<!tpu.dma_semaphore, #tpu.memory_space<semaphore_mem>>
        %dma_start3A_136 = arith.constant 9984 : i32
        %dma_start3A_137 = arith.constant 0 : i32
        %dma_start3A_138 = tpu.memref_slice %arg5[%arg0, %dma_start3A_136, %dma_start3A_137] : memref<2x10000x128xf32, #tpu.memory_space<hbm>> -> memref<1x16x32xf32, #tpu.memory_space<hbm>>
        %dma_start3A_139 = tpu.memref_squeeze %dma_start3A_138 : memref<1x16x32xf32, #tpu.memory_space<hbm>> -> memref<16x32xf32, #tpu.memory_space<hbm>>
        %dma_start3A_140 = arith.constant 9984 : i32
        %dma_start3A_141 = arith.constant 0 : i32
        %dma_start3A_142 = tpu.memref_slice %arg16[%dma_start3A_140, %dma_start3A_141] : memref<10000x32xf32, #tpu.memory_space<vmem_shared>> -> memref<16x32xf32, #tpu.memory_space<vmem_shared>>
        tpu.enqueue_dma source(%dma_start3A_142 : memref<16x32xf32, #tpu.memory_space<vmem_shared>>) target(%dma_start3A_139 : memref<16x32xf32, #tpu.memory_space<hbm>>) target_semaphore(%run_scoped3A_135 : memref<!tpu.dma_semaphore, #tpu.memory_space<semaphore_mem>>)
        %dma_wait3A_143 = arith.constant 9984 : i32
        %dma_wait3A_144 = arith.constant 0 : i32
        %dma_wait3A_145 = tpu.memref_slice %arg5[%arg0, %dma_wait3A_143, %dma_wait3A_144] : memref<2x10000x128xf32, #tpu.memory_space<hbm>> -> memref<1x16x32xf32, #tpu.memory_space<hbm>>
        %dma_wait3A_146 = tpu.memref_squeeze %dma_wait3A_145 : memref<1x16x32xf32, #tpu.memory_space<hbm>> -> memref<16x32xf32, #tpu.memory_space<hbm>>
        %dma_wait3A_147 = arith.constant 9984 : i32
        %dma_wait3A_148 = arith.constant 0 : i32
        %dma_wait3A_149 = tpu.memref_slice %arg16[%dma_wait3A_147, %dma_wait3A_148] : memref<10000x32xf32, #tpu.memory_space<vmem_shared>> -> memref<16x32xf32, #tpu.memory_space<vmem_shared>>
        tpu.wait_dma2 semaphore(%run_scoped3A_135 : memref<!tpu.dma_semaphore, #tpu.memory_space<semaphore_mem>>) src(%dma_wait3A_149 : memref<16x32xf32, #tpu.memory_space<vmem_shared>>) dst(%dma_wait3A_146 : memref<16x32xf32, #tpu.memory_space<hbm>>)
        tpu.yield
      }) : () -> ()
    } else {
    }
    return
  }
}

module attributes {stable_mosaic.version = 14 : i64} {
  func.func @_xw_body(%arg0: memref<10000x128xf32, #tpu.memory_space<vmem>>, %arg1: memref<64x128xf32, #tpu.memory_space<vmem>>, %arg2: memref<10000x64xf32, #tpu.memory_space<vmem>>) attributes {dimension_semantics = [], scalar_prefetch = 0 : i64, scratch_operands = 0 : i64, tpu.core_type = #tpu.core_type<tc>} {
    %get3A = arith.constant 0 : index
    %get3A_0 = arith.constant 0 : index
    %get3A_1 = vector.load %arg0[%get3A, %get3A_0] : memref<10000x128xf32, #tpu.memory_space<vmem>>, vector<10000x128xf32>
    %get3A_2 = arith.constant 0 : index
    %get3A_3 = arith.constant 0 : index
    %get3A_4 = vector.load %arg1[%get3A_2, %get3A_3] : memref<64x128xf32, #tpu.memory_space<vmem>>, vector<64x128xf32>
    %dot_general3A = arith.constant dense<0.000000e+00> : vector<10000x64xf32>
    %dot_general3A_5 = tpu.matmul %get3A_1, %get3A_4, %dot_general3A {dimension_numbers = #tpu.dot_dimension_numbers<[1], [1], [0], [0], [0, 0, 1, 0], [], []>, transpose_lhs_hint = false} : vector<10000x128xf32>, vector<64x128xf32>, vector<10000x64xf32> -> vector<10000x64xf32>
    %swap3A = arith.constant 0 : index
    %swap3A_6 = arith.constant 0 : index
    %swap3A_7 = vector.load %arg2[%swap3A, %swap3A_6] : memref<10000x64xf32, #tpu.memory_space<vmem>>, vector<10000x64xf32>
    tpu.vector_store %arg2[%swap3A, %swap3A_6], %dot_general3A_5 {strides = array<i32>} : memref<10000x64xf32, #tpu.memory_space<vmem>>, vector<10000x64xf32>,
    return
  }
}

module attributes {stable_mosaic.version = 14 : i64} {
  func.func @_scale_body(%arg0: memref<10000x64xf32, #tpu.memory_space<vmem>>, %arg1: memref<2x10000x8xf32, #tpu.memory_space<vmem>>, %arg2: memref<10000x64xf32, #tpu.memory_space<vmem>>, %arg3: memref<10000x1xf32, #tpu.memory_space<vmem>>) attributes {dimension_semantics = [], scalar_prefetch = 0 : i64, scratch_operands = 0 : i64, tpu.core_type = #tpu.core_type<tc>} {
    %get3A = arith.constant 0 : index
    %get3A_0 = arith.constant 0 : index
    %get3A_1 = arith.constant 0 : index
    %get3A_2 = vector.load %arg1[%get3A, %get3A_0, %get3A_1] : memref<2x10000x8xf32, #tpu.memory_space<vmem>>, vector<1x10000x1xf32>
    %get3A_3 = vector.shape_cast %get3A_2 : vector<1x10000x1xf32> to vector<10000x1xf32>
    %get3A_4 = arith.constant 1 : index
    %get3A_5 = arith.constant 0 : index
    %get3A_6 = arith.constant 0 : index
    %get3A_7 = vector.load %arg1[%get3A_4, %get3A_5, %get3A_6] : memref<2x10000x8xf32, #tpu.memory_space<vmem>>, vector<1x10000x1xf32>
    %get3A_8 = vector.shape_cast %get3A_7 : vector<1x10000x1xf32> to vector<10000x1xf32>
    %add3A = arith.addf %get3A_3, %get3A_8 : vector<10000x1xf32>
    %add3A_9 = arith.constant 1.000000e+00 : f32
    %add3A_10 = vector.broadcast %add3A_9 : f32 to vector<10000x1xf32>
    %add3A_11 = arith.addf %add3A, %add3A_10 : vector<10000x1xf32>
    %rsqrt3A = math.rsqrt %add3A_11 : vector<10000x1xf32>
    %get3A_12 = arith.constant 0 : index
    %get3A_13 = arith.constant 0 : index
    %get3A_14 = vector.load %arg0[%get3A_12, %get3A_13] : memref<10000x64xf32, #tpu.memory_space<vmem>>, vector<10000x64xf32>
    %mul3A = vector.broadcast %rsqrt3A : vector<10000x1xf32> to vector<10000x64xf32>
    %mul3A_15 = arith.mulf %get3A_14, %mul3A : vector<10000x64xf32>
    %swap3A = arith.constant 0 : index
    %swap3A_16 = arith.constant 0 : index
    %swap3A_17 = vector.load %arg2[%swap3A, %swap3A_16] : memref<10000x64xf32, #tpu.memory_space<vmem>>, vector<10000x64xf32>
    tpu.vector_store %arg2[%swap3A, %swap3A_16], %mul3A_15 {strides = array<i32>} : memref<10000x64xf32, #tpu.memory_space<vmem>>, vector<10000x64xf32>,
    %swap3A_18 = arith.constant 0 : index
    %swap3A_19 = arith.constant 0 : index
    %swap3A_20 = vector.load %arg3[%swap3A_18, %swap3A_19] : memref<10000x1xf32, #tpu.memory_space<vmem>>, vector<10000x1xf32>
    tpu.vector_store %arg3[%swap3A_18, %swap3A_19], %rsqrt3A {strides = array<i32>} : memref<10000x1xf32, #tpu.memory_space<vmem>>, vector<10000x1xf32>,
    return
  }
}

module attributes {stable_mosaic.version = 14 : i64} {
  func.func @_tc2_body(%arg0: memref<2x10000x128xf32, #tpu.memory_space<vmem>>, %arg1: memref<10000x1xf32, #tpu.memory_space<vmem>>, %arg2: memref<32x64xf32, #tpu.memory_space<vmem>>, %arg3: memref<1x64xf32, #tpu.memory_space<vmem>>, %arg4: memref<1x64xf32, #tpu.memory_space<vmem>>, %arg5: memref<1x64xf32, #tpu.memory_space<vmem>>, %arg6: memref<10000x32xf32, #tpu.memory_space<vmem>>) attributes {dimension_semantics = [], scalar_prefetch = 0 : i64, scratch_operands = 0 : i64, tpu.core_type = #tpu.core_type<tc>} {
    %get3A = arith.constant 0 : index
    %get3A_0 = arith.constant 0 : index
    %get3A_1 = vector.load %arg1[%get3A, %get3A_0] : memref<10000x1xf32, #tpu.memory_space<vmem>>, vector<10000x1xf32>
    %get3A_2 = arith.constant 0 : index
    %get3A_3 = arith.constant 0 : index
    %get3A_4 = arith.constant 0 : index
    %get3A_5 = vector.load %arg0[%get3A_2, %get3A_3, %get3A_4] : memref<2x10000x128xf32, #tpu.memory_space<vmem>>, vector<1x10000x64xf32>
    %get3A_6 = vector.shape_cast %get3A_5 : vector<1x10000x64xf32> to vector<10000x64xf32>
    %get3A_7 = arith.constant 1 : index
    %get3A_8 = arith.constant 0 : index
    %get3A_9 = arith.constant 0 : index
    %get3A_10 = vector.load %arg0[%get3A_7, %get3A_8, %get3A_9] : memref<2x10000x128xf32, #tpu.memory_space<vmem>>, vector<1x10000x64xf32>
    %get3A_11 = vector.shape_cast %get3A_10 : vector<1x10000x64xf32> to vector<10000x64xf32>
    %add3A = arith.addf %get3A_6, %get3A_11 : vector<10000x64xf32>
    %mul3A = vector.broadcast %get3A_1 : vector<10000x1xf32> to vector<10000x64xf32>
    %mul3A_12 = arith.mulf %add3A, %mul3A : vector<10000x64xf32>
    %get3A_13 = arith.constant 0 : index
    %get3A_14 = arith.constant 0 : index
    %get3A_15 = vector.load %arg3[%get3A_13, %get3A_14] : memref<1x64xf32, #tpu.memory_space<vmem>>, vector<1x64xf32>
    %add3A_16 = vector.broadcast %get3A_15 : vector<1x64xf32> to vector<10000x64xf32>
    %add3A_17 = arith.addf %mul3A_12, %add3A_16 : vector<10000x64xf32>
    %get3A_18 = arith.constant 0 : index
    %get3A_19 = arith.constant 0 : index
    %get3A_20 = vector.load %arg4[%get3A_18, %get3A_19] : memref<1x64xf32, #tpu.memory_space<vmem>>, vector<1x64xf32>
    %mul3A_21 = vector.broadcast %get3A_20 : vector<1x64xf32> to vector<10000x64xf32>
    %mul3A_22 = arith.mulf %add3A_17, %mul3A_21 : vector<10000x64xf32>
    %get3A_23 = arith.constant 0 : index
    %get3A_24 = arith.constant 0 : index
    %get3A_25 = vector.load %arg5[%get3A_23, %get3A_24] : memref<1x64xf32, #tpu.memory_space<vmem>>, vector<1x64xf32>
    %add3A_26 = vector.broadcast %get3A_25 : vector<1x64xf32> to vector<10000x64xf32>
    %add3A_27 = arith.addf %mul3A_22, %add3A_26 : vector<10000x64xf32>
    %max3A = arith.constant 0.000000e+00 : f32
    %max3A_28 = vector.broadcast %max3A : f32 to vector<10000x64xf32>
    %max3A_29 = arith.maximumf %add3A_27, %max3A_28 : vector<10000x64xf32>
    %get3A_30 = arith.constant 0 : index
    %get3A_31 = arith.constant 0 : index
    %get3A_32 = vector.load %arg2[%get3A_30, %get3A_31] : memref<32x64xf32, #tpu.memory_space<vmem>>, vector<32x64xf32>
    %dot_general3A = arith.constant dense<0.000000e+00> : vector<10000x32xf32>
    %dot_general3A_33 = tpu.matmul %max3A_29, %get3A_32, %dot_general3A {dimension_numbers = #tpu.dot_dimension_numbers<[1], [1], [0], [0], [0, 0, 1, 0], [], []>, transpose_lhs_hint = false} : vector<10000x64xf32>, vector<32x64xf32>, vector<10000x32xf32> -> vector<10000x32xf32>
    %mul3A_34 = vector.broadcast %get3A_1 : vector<10000x1xf32> to vector<10000x32xf32>
    %mul3A_35 = arith.mulf %dot_general3A_33, %mul3A_34 : vector<10000x32xf32>
    %swap3A = arith.constant 0 : index
    %swap3A_36 = arith.constant 0 : index
    %swap3A_37 = vector.load %arg6[%swap3A, %swap3A_36] : memref<10000x32xf32, #tpu.memory_space<vmem>>, vector<10000x32xf32>
    tpu.vector_store %arg6[%swap3A, %swap3A_36], %mul3A_35 {strides = array<i32>} : memref<10000x32xf32, #tpu.memory_space<vmem>>, vector<10000x32xf32>,
    return
  }
}

module attributes {stable_mosaic.version = 14 : i64} {
  func.func @_tc3_body(%arg0: memref<2x10000x128xf32, #tpu.memory_space<vmem>>, %arg1: memref<10000x1xf32, #tpu.memory_space<vmem>>, %arg2: memref<1x32xf32, #tpu.memory_space<vmem>>, %arg3: memref<1x32xf32, #tpu.memory_space<vmem>>, %arg4: memref<1x32xf32, #tpu.memory_space<vmem>>, %arg5: memref<1x32xf32, #tpu.memory_space<vmem>>, %arg6: memref<1x1xf32, #tpu.memory_space<vmem>>, %arg7: memref<10000x1xf32, #tpu.memory_space<vmem>>) attributes {dimension_semantics = [], scalar_prefetch = 0 : i64, scratch_operands = 0 : i64, tpu.core_type = #tpu.core_type<tc>} {
    %get3A = arith.constant 0 : index
    %get3A_0 = arith.constant 0 : index
    %get3A_1 = arith.constant 0 : index
    %get3A_2 = vector.load %arg0[%get3A, %get3A_0, %get3A_1] : memref<2x10000x128xf32, #tpu.memory_space<vmem>>, vector<1x10000x32xf32>
    %get3A_3 = vector.shape_cast %get3A_2 : vector<1x10000x32xf32> to vector<10000x32xf32>
    %get3A_4 = arith.constant 1 : index
    %get3A_5 = arith.constant 0 : index
    %get3A_6 = arith.constant 0 : index
    %get3A_7 = vector.load %arg0[%get3A_4, %get3A_5, %get3A_6] : memref<2x10000x128xf32, #tpu.memory_space<vmem>>, vector<1x10000x32xf32>
    %get3A_8 = vector.shape_cast %get3A_7 : vector<1x10000x32xf32> to vector<10000x32xf32>
    %add3A = arith.addf %get3A_3, %get3A_8 : vector<10000x32xf32>
    %get3A_9 = arith.constant 0 : index
    %get3A_10 = arith.constant 0 : index
    %get3A_11 = vector.load %arg1[%get3A_9, %get3A_10] : memref<10000x1xf32, #tpu.memory_space<vmem>>, vector<10000x1xf32>
    %mul3A = vector.broadcast %get3A_11 : vector<10000x1xf32> to vector<10000x32xf32>
    %mul3A_12 = arith.mulf %add3A, %mul3A : vector<10000x32xf32>
    %get3A_13 = arith.constant 0 : index
    %get3A_14 = arith.constant 0 : index
    %get3A_15 = vector.load %arg3[%get3A_13, %get3A_14] : memref<1x32xf32, #tpu.memory_space<vmem>>, vector<1x32xf32>
    %add3A_16 = vector.broadcast %get3A_15 : vector<1x32xf32> to vector<10000x32xf32>
    %add3A_17 = arith.addf %mul3A_12, %add3A_16 : vector<10000x32xf32>
    %get3A_18 = arith.constant 0 : index
    %get3A_19 = arith.constant 0 : index
    %get3A_20 = vector.load %arg4[%get3A_18, %get3A_19] : memref<1x32xf32, #tpu.memory_space<vmem>>, vector<1x32xf32>
    %mul3A_21 = vector.broadcast %get3A_20 : vector<1x32xf32> to vector<10000x32xf32>
    %mul3A_22 = arith.mulf %add3A_17, %mul3A_21 : vector<10000x32xf32>
    %get3A_23 = arith.constant 0 : index
    %get3A_24 = arith.constant 0 : index
    %get3A_25 = vector.load %arg5[%get3A_23, %get3A_24] : memref<1x32xf32, #tpu.memory_space<vmem>>, vector<1x32xf32>
    %add3A_26 = vector.broadcast %get3A_25 : vector<1x32xf32> to vector<10000x32xf32>
    %add3A_27 = arith.addf %mul3A_22, %add3A_26 : vector<10000x32xf32>
    %max3A = arith.constant 0.000000e+00 : f32
    %max3A_28 = vector.broadcast %max3A : f32 to vector<10000x32xf32>
    %max3A_29 = arith.maximumf %add3A_27, %max3A_28 : vector<10000x32xf32>
    %get3A_30 = arith.constant 0 : index
    %get3A_31 = arith.constant 0 : index
    %get3A_32 = vector.load %arg2[%get3A_30, %get3A_31] : memref<1x32xf32, #tpu.memory_space<vmem>>, vector<1x32xf32>
    %mul3A_33 = vector.broadcast %get3A_32 : vector<1x32xf32> to vector<10000x32xf32>
    %mul3A_34 = arith.mulf %max3A_29, %mul3A_33 : vector<10000x32xf32>
    %reduce_sum3A = arith.constant dense<0.000000e+00> : vector<10000xf32>
    %reduce_sum3A_35 = vector.multi_reduction <add>, %mul3A_34, %reduce_sum3A [1] : vector<10000x32xf32> to vector<10000xf32>
    %broadcast_in_dim3A = vector.shape_cast %reduce_sum3A_35 : vector<10000xf32> to vector<10000x1xf32>
    %get3A_36 = arith.constant 0 : index
    %get3A_37 = arith.constant 0 : index
    %get3A_38 = vector.load %arg6[%get3A_36, %get3A_37] : memref<1x1xf32, #tpu.memory_space<vmem>>, vector<1x1xf32>
    %add3A_39 = vector.broadcast %get3A_38 : vector<1x1xf32> to vector<10000x1xf32>
    %add3A_40 = arith.addf %broadcast_in_dim3A, %add3A_39 : vector<10000x1xf32>
    %swap3A = arith.constant 0 : index
    %swap3A_41 = arith.constant 0 : index
    %swap3A_42 = vector.load %arg7[%swap3A, %swap3A_41] : memref<10000x1xf32, #tpu.memory_space<vmem>>, vector<10000x1xf32>
    tpu.vector_store %arg7[%swap3A, %swap3A_41], %add3A_40 {strides = array<i32>} : memref<10000x1xf32, #tpu.memory_space<vmem>>, vector<10000x1xf32>,
    return
  }
}

</mosaic_0001>

<sc_bundles>
// kernel: _run.12.cloned.1.call-start
scs
__scs_entry_jumppad:
0x0: {  	(pc) =	sbr.rel $0x88, $3  }
0x1: {  	(tag) =	ssettag $0x0;
	lr =	simm.s32 $0x1  }
0x2: {  	[smem:$0x3F95] =	sst lr;
	_ =	strace $0xD0000000  }
0x3: {  	_ = 	snop  }
0x4: {  	_ = 	snop  }
0x5: {  	_ = 	snop  }
0x6: {  	_ = 	snop  }
0x7: {  	_ = 	snop  }
__scs_overlays_trampoline_lowered:
0x8: {  	[smem:$0x3FA4] =	sst s0  }
0x9: {  	[smem:$0x3FA5] =	sst s1  }
0xa: {  	[smem:$0x3FA6] =	sst s2  }
0xb: {  	[smem:$0x3FA7] =	sst s3  }
0xc: {  	[smem:$0x3FA8] =	sst s4  }
0xd: {  	[smem:$0x3FA9] =	sst s5  }
0xe: {  	[smem:$0x3FAA] =	sst s6  }
0xf: {  	[smem:$0x3FAB] =	sst s7  }
0x10: {  	[smem:$0x3FAC] =	sst s8  }
0x11: {  	[smem:$0x3FAD] =	sst s9;
	s0 =	simm.s32 @!p0 $0x0  }
0x12: {  	s1 =	sld [smem:$0x3F93];
	s0 =	simm.s32 @p0 $0x1  }
0x13: {  	[smem:$0x3FAE] =	sst s0;
	s0 =	simm.s32 @!p1 $0x0  }
0x14: {  	s2 =	sld [smem:$0x3F92];
	s0 =	simm.s32 @p1 $0x1  }
0x15: {  	[smem:$0x3FAF] =	sst s0;
	s0 =	simm.s32 @!p2 $0x0  }
0x16: {  	s3 =	sld [smem:$0x3FDB];
	s0 =	simm.s32 @p2 $0x1  }
0x17: {  	s4 =	simm.s32 $0x1BF5;
	[smem:$0x3FB1] =	sst s0  }
0x18: {  	s0 =	sld [smem:$0x3F94];
	_ =	swait.ge [sflag:s4], $0x0  }
0x19: {  	s7 =	sld [smem:$0x3F95]  }
0x1a: {  	s8 =	sadd.s32 $0xFFFFE003, lr  }
0x1b: {  	s9 =	sadd.s32 $0xFFFFFEF7, lr;
	s5 =	simm.s32 $0xFFFFFFFF;
	p2 =	slt.u32 s8, $0xFFFFF086  }
0x1c: {  	p1 =	slt.u32 s9, $0xF7A;
	s5 =	simm.s32 @!p2 $0x0  }
0x1d: {  	s5 =	simm.s32 @p1 $0x1;
	p0 =	seq.s32 s7, s2  }
0x1e: {  	s7 =	smul.u32 @!p0 $0xF7A, s2;
	p2 =	seq.s32 @!p0 s5, $0x0  }
0x1f: {  	s9 =	smul.u32 $0xF7A, s1;
	s8 =	simm.s32 @!p0 $0x1BF5;
	p2 =	por !p2, p0  }
0x20: {  	[sflag:s8] =	ssyncset.s32 @!p0 $0xFFFFF086;
	s6 =	sadd.s32 @!p0 s3, s7;
	s7 =	simm.s32 @!p0 $0x108  }
0x21: {  	s3 =	sadd.s32 s3, s9;
	s6 =	sadd.s32 @!p0 $0x88, s6;
	s7 =	simm.s32 @p2 $0x1082  }
0x22: {  	[simem:s7], [sflag:s8] =	dma.local @!p0 [hbm:s6], $0xF7A  }
0x23: {  	s9 =	sor.u32 $0xD0000000, s2;
	s6 =	simm.s32 $0x108;
	_ =	swait.ge @!p0 [sflag:s8], $0x0  }
0x24: {  	s3 =	sadd.s32 $0x88, s3;
	s6 =	simm.s32 @!p1 $0x1082;
	[sflag:s4] =	ssyncset.s32 $0xFFFFF086  }
0x25: {  	[simem:s6], [sflag:s4] =	dma.local [hbm:s3], $0xF7A  }
0x26: {  	[smem:$0x3F95] =	sst s1;
	(tag) =	ssettag s2;
	_ =	strace s9  }
0x27: {  	s1 =	sld [smem:$0x3FA5]  }
0x28: {  	s2 =	sld [smem:$0x3FA6]  }
0x29: {  	s4 =	sld [smem:$0x3FA8]  }
0x2a: {  	p0 =	seq.s32 s5, $0x0;
	s5 =	sld [smem:$0x3FA9]  }
0x2b: {  	s6 =	sld [smem:$0x3FAA]  }
0x2c: {  	s7 =	sld [smem:$0x3FAB]  }
0x2d: {  	s3 =	simm.s32 $0x108;
	s8 =	sld [smem:$0x3FAC]  }
0x2e: {  	s3 =	simm.s32 @!p0 $0x1082;
	s9 =	sld [smem:$0x3FAD]  }
0x2f: {  	lr =	sadd.s32 s0, s3;
	s0 =	sld [smem:$0x3FA4]  }
0x30: {  	s3 =	sld [smem:$0x3FA7]  }
0x31: {  	[smem:$0x3FB0] =	sst s10  }
0x32: {  	s10 =	sld [smem:$0x3FAE];
	_ =	sdelay $0x3  }
0x33: {  	p0 =	seq.s32 s10, $0x1;
	s10 =	sld [smem:$0x3FB0];
	_ =	sdelay $0x3  }
0x34: {  	[smem:$0x3FB0] =	sst s10  }
0x35: {  	s10 =	sld [smem:$0x3FAF];
	_ =	sdelay $0x3  }
0x36: {  	p1 =	seq.s32 s10, $0x1;
	s10 =	sld [smem:$0x3FB0];
	_ =	sdelay $0x3  }
0x37: {  	[smem:$0x3FB0] =	sst s10  }
0x38: {  	s10 =	sld [smem:$0x3FB1]  }
0x39: {  	_ = 	snop;
	(pc) =	sbr.ind lr, $3  }
0x3a: {  	_ = 	snop  }
0x3b: {  	_ = 	snop  }
0x3c: {  	p2 =	seq.s32 s10, $0x1;
	s10 =	sld [smem:$0x3FB0]  }
0x3d: {  	_ =	shalt  }
0x3e: {  	_ =	shalt  }
0x3f: {  	_ =	shalt  }
0x40: {  	_ =	shalt  }
0x41: {  	_ =	shalt  }
0x42: {  	_ =	shalt  }
0x43: {  	_ =	shalt  }
0x44: {  	_ =	shalt  }
0x45: {  	_ =	shalt  }
0x46: {  	_ =	shalt  }
0x47: {  	_ =	shalt  }
0x48: {  	_ =	shalt  }
0x49: {  	_ =	shalt  }
0x4a: {  	_ =	shalt  }
0x4b: {  	_ =	shalt  }
0x4c: {  	_ =	shalt  }
0x4d: {  	_ =	shalt  }
0x4e: {  	_ =	shalt  }
0x4f: {  	_ =	shalt  }
0x50: {  	_ =	shalt  }
0x51: {  	_ =	shalt  }
0x52: {  	_ =	shalt  }
0x53: {  	_ =	shalt  }
0x54: {  	_ =	shalt  }
0x55: {  	_ =	shalt  }
0x56: {  	_ =	shalt  }
0x57: {  	_ =	shalt  }
0x58: {  	_ =	shalt  }
0x59: {  	_ =	shalt  }
0x5a: {  	_ =	shalt  }
0x5b: {  	_ =	shalt  }
0x5c: {  	_ =	shalt  }
0x5d: {  	_ =	shalt  }
0x5e: {  	_ =	shalt  }
0x5f: {  	_ =	shalt  }
0x60: {  	_ =	shalt  }
0x61: {  	_ =	shalt  }
0x62: {  	_ =	shalt  }
0x63: {  	_ =	shalt  }
0x64: {  	_ =	shalt  }
0x65: {  	_ =	shalt  }
0x66: {  	_ =	shalt  }
0x67: {  	_ =	shalt  }
0x68: {  	_ =	shalt  }
0x69: {  	_ =	shalt  }
0x6a: {  	_ =	shalt  }
0x6b: {  	_ =	shalt  }
0x6c: {  	_ =	shalt  }
0x6d: {  	_ =	shalt  }
0x6e: {  	_ =	shalt  }
0x6f: {  	_ =	shalt  }
0x70: {  	_ =	shalt  }
0x71: {  	_ =	shalt  }
0x72: {  	_ =	shalt  }
0x73: {  	_ =	shalt  }
0x74: {  	_ =	shalt  }
0x75: {  	_ =	shalt  }
0x76: {  	_ =	shalt  }
0x77: {  	_ =	shalt  }
0x78: {  	_ =	shalt  }
0x79: {  	_ =	shalt  }
0x7a: {  	_ =	shalt  }
0x7b: {  	_ =	shalt  }
0x7c: {  	_ =	shalt  }
0x7d: {  	_ =	shalt  }
0x7e: {  	_ =	shalt  }
0x7f: {  	_ =	shalt  }
0x80: {  	_ =	shalt  }
0x81: {  	_ =	shalt  }
0x82: {  	_ =	shalt  }
0x83: {  	_ =	shalt  }
0x84: {  	_ =	shalt  }
0x85: {  	_ =	shalt  }
0x86: {  	_ =	shalt  }
0x87: {  	_ =	shalt  }
.Lfunc_end0:
.L_simem_size_0:
called_computation.1_lowered:
.L_overlay_start_0:
0x88: {  	s2 =	sld [smem:$0x3FD9]  }
0x89: {  	s3 =	sld [smem:$0x3FFE];
	_ =	sdelay $0x1  }
0x8a: {  	s1 =	srdreg.scid  }
0x8b: {  	s0 =	sand.u32 $0x1, s1  }
0x8c: {  	s16 =	sshll.u32 s0, $0xA;
	s2 =	sadd.s32 s3, s2  }
0x8d: {  	s2 =	sadd.s32 s2, s16  }
0x8e: {  	[smem:$0x3FBC] =	sst s2  }
0x8f: {  	_ = 	snop  }
0x90: {  	(tm) =	ssettm $0x1  }
0x91: {  	s17 =	sld [smem:$0x3FFB];
	_ =	sdelay $0x3  }
0x92: {  	_ =	strace s17  }
0x93: {  	s2 =	sld [smem:$0x3FFC];
	_ =	sdelay $0x3  }
0x94: {  	_ =	strace s2  }
0x95: {  	s2 =	sld [smem:$0x3FFD];
	_ =	sdelay $0x3  }
0x96: {  	_ =	strace s2  }
0x97: {  	_ =	strace $0x8FFFFFFF  }
0x98: {  	s18 =	sld [smem:$0x3FDB];
	_ =	sdelay $0x1  }
0x99: {  	s19 =	simm.s32 $_scs_section_size  }
0x9a: {  	s4 =	simm.s32 $_size__tile_overlayer_lowered;
	s5 =	simm.s32 $_tile_overlayer_lowered  }
0x9b: {  	s22 =	simm.s32 $0x1BFF;
	s21 =	sshll.u32 s5, $0x1;
	s2 =	sadd.s32 s19, s18  }
0x9c: {  	s6 =	simm.s32 $0x0;
	s20 =	sshll.u32 s4, $0x1;
	s4 =	sadd.s32 s21, s2  }
0x9d: {  	[timem:s6], [sflag:s22] =	dma.local [hbm:s4], s20  }
0x9e: {  	_ =	swait.ge [sflag:s22], s20  }
0x9f: {  	s3 =	ssub.s32 $0x0, s20;
	[sflag:s22] =	ssyncset.done $0x0  }
0xa0: {  	[sflag:s22] =	ssyncadd.s32 s3;
	_ =	sdelay $0x1  }
0xa1: {  	s23 =	simm.s32 $0x1B8B  }
0xa2: {  	_ =	swait.ge [sflag:s23], $0x1  }
0xa3: {  	[sflag:s23] =	ssyncset.done $0x0  }
0xa4: {  	s25 =	simm.s32 $0x1B8E;
	s24 =	sld [smem:$0x3FFE];
	[sflag:s23] =	ssyncadd.s32 $0xFFFFFFFF  }
0xa5: {  	s26 =	simm.s32 $execute0_lowered;
	[smem:$0x3FD2] =	sst s25  }
0xa6: {  	s4 =	sshll.u32 s26, $0x1;
	_ =	strace $0x80000049;
	[dreg:$0x1] =	wrdreg $0xFFFFFFFF  }
0xa7: {  	s28 =	simm.s32 $_size_execute0_lowered;
	s2 =	sadd.s32 s2, s4;
	[dreg:$0x0] =	wrdreg $0x0  }
0xa8: {  	s4 =	sshll.u32 s28, $0x1;
	[dreg:$0x2] =	wrdreg s2  }
0xa9: {  	[dreg:$0x3] =	wrdreg s4  }
0xaa: {  	[dreg:$0x4] =	wrdreg $0xC0  }
0xab: {  	_ =	task [dreg:s6], $0x5FFFF  }
0xac: {  	[dreg:$0x1] =	wrdreg $0xFFFFFFFF  }
0xad: {  	[dreg:$0x0] =	wrdreg $0x60  }
0xae: {  	[dreg:$0x2] =	wrdreg s24  }
0xaf: {  	[dreg:$0x3] =	wrdreg $0x14A000  }
0xb0: {  	[dreg:$0x4] =	wrdreg $0x9  }
0xb1: {  	_ =	task.clear_ibuf [dreg:s6], $0x5FFFF;
	_ =	strace $0x90000049  }
0xb2: {  	s29 =	simm.s32 $0x9;
	_ =	strace $0x8000004B  }
0xb3: {  	_ =	swait.ge [sflag:s29], $0x1  }
0xb4: {  	[sflag:s29] =	ssyncadd.s32 $0xFFFFFFFF  }
0xb5: {  	_ =	strace $0x9000004B  }
0xb6: {  	_ =	sfence  }
0xb7: {  	s30 =	sld [smem:$0x0];
	_ =	sdelay $0x2  }
0xb8: {  	s31 =	sshll.u32 s1, $0xD;
	s1 =	sshrl.u32 s1, $0x2  }
0xb9: {  	s3 =	sand.u32 $0x4000, s31;
	s1 =	sadd.s32 s1, s30  }
0xba: {  	s0 =	sor.u32 s3, s0;
	s1 =	sshll.u32 s1, $0x11  }
0xbb: {  	s0 =	sor.u32 s1, s0  }
0xbc: {  	s0 =	sadd.s32 $0x8F2B, s0  }
0xbd: {  	[sflag:s0] =	ssyncadd.remote.s32 $0x1  }
0xbe: {  	_ =	sfence.sel $0xFFFF  }
0xbf: {  	[dreg:$0x0] =	wrdreg $0xFFFFFFFF;
	(pc) =	sbr.abs _section_cstart, $3  }
0xc0: {  	[dreg:$0x1] =	wrdreg $0xFFFFFFFF  }
0xc1: {  	_ =	task.clear_ibuf [dreg:s6], $0x2FFFF;
	_ =	strace $0x9FFFFFFF  }
0xc2: {  	(tm) =	ssettm $0x7FFFFFFF  }
0xc3: {  	_ =	shalt  }
tec
execute0_lowered:
.L_overlay_start_1:
0x0: {  	(tag) =	ssettag $0x1  }
0x1: {  	s0 =	rddreg [dreg:$0x0]  }
0x2: {  	s1 =	srdreg.scid;
	s3 =	stileid.u32  }
0x3: {  	s2 =	rddreg [dreg:$0x1];
	s14 =	simm.s32 $0x0;
	s29 =	simm.s32 $0xADC0  }
0x4: {  	s31 =	simm.s32 $0xCD00;
	s28 =	simm.s32 $0x2;
	s30 =	simm.s32 $0x3  }
0x5: {  	s12 =	simm.s32 $0xC;
	s13 =	simm.s32 $0xE;
	s15 =	simm.s32 $0x10  }
0x6: {  	s1 =	sand.u32 $0x1, s1;
	s4 =	sshll.u32 s3, $0x1;
	s8 =	smul.u32 $0x9C00, s3  }
0x7: {  	[smem:$0x7FF] =	sst s14;
	s10 =	sadd.s32 $0x2A600, s0;
	s17 =	smul.u32 $0x13800, s3  }
0x8: {  	s11 =	sadd.s32 $0x9C000, s2;
	s19 =	smul.u32 $0x27000, s3;
	s24 =	sshll.u32 s3, $0x6  }
0x9: {  	p1 =	seq.s32 s3, $0xF;
	p2 =	sne.s32 s3, $0xF;
	s4 =	sor.u32 s1, s4  }
0xa: {  	_ =	strace $0x8000004A;
	s6 =	ssub.s32 $0x2, s1;
	[dreg:$0x4] =	wrdreg s10  }
0xb: {  	s9 =	smul.u32 $0x138800, s1;
	p0 =	sne.s32 s1, $0x0;
	[dreg:$0xd] =	wrdreg s24  }
0xc: {  	s1 =	sor.u32 $0x1C11, s24;
	[dreg:$0x6] =	wrdreg s11;
	s26 =	sshrl.u32 s11, $0x3  }
0xd: {  	s24 =	simm.s32 $0x1;
	s11 =	simm.s32 $0xB;
	s5 =	smul.u32 $0x2800, s4  }
0xe: {  	s4 =	sadd.s32 $0x16C00, s0;
	s7 =	sshrl.u32 s6, $0x1;
	[dreg:$0xe] =	wrdreg s1  }
0xf: {  	s16 =	sadd.s32 s8, s2;
	s8 =	sshrl.u32 s8, $0x3;
	[dreg:$0x10] =	wrdreg s26  }
0x10: {  	s26 =	simm.s32 $0x8E80;
	s1 =	simm.s32 $0x6;
	s6 =	ssub.s32 s6, s7  }
0x11: {  	s10 =	sadd.s32 s10, s8;
	s8 =	sadd.s32 s4, s8;
	s20 =	sadd.s32 s17, s9  }
0x12: {  	s9 =	sshrl.u32 s9, $0x3;
	s25 =	sshrl.u32 s16, $0x3;
	s7 =	simm.s32 $0xD  }
0x13: {  	s16 =	simm.s32 $0xF;
	s5 =	sshrl.u32 s5, $0x3;
	[dreg:$0x5] =	wrdreg s10  }
0x14: {  	[dreg:$0x7] =	wrdreg s8;
	s8 =	sshrl.u32 s19, $0x2;
	s23 =	smax.u32 s6, $0x1  }
0x15: {  	[dreg:$0xf] =	wrdreg s25;
	s6 =	simm.s32 $0x7;
	s19 =	simm.s32 $0x8  }
0x16: {  	s10 =	simm.s32 $0xA;
	s5 =	sadd.s32 s5, s0;
	s0 =	sadd.s32 $0x3E000, s0  }
0x17: {  	s21 =	sadd.s32 s8, s2;
	[dreg:$0xc] =	wrdreg s23;
	s18 =	sadd.s32 $0x2C00, s5  }
0x18: {  	s8 =	simm.s32 $0x10B80;
	s5 =	sadd.s32 $0xCC00, s5;
	[dreg:$0x8] =	wrdreg s18  }
0x19: {  	s9 =	sadd.s32 s0, s9;
	[dreg:$0x9] =	wrdreg s5;
	s5 =	sshrl.u32 s20, $0x3  }
0x1a: {  	s22 =	sadd.s32 $0x27000, s9;
	s20 =	simm.s32 $0x7D;
	s18 =	simm.s32 $0x4  }
0x1b: {  	s9 =	simm.s32 $0x9;
	s0 =	sadd.s32 s0, s5;
	[dreg:$0xb] =	wrdreg s22  }
0x1c: {  	s22 =	simm.s32 $0x12AC0;
	[dreg:$0xa] =	wrdreg s0;
	s0 =	sshrl.u32 s21, $0x3  }
0x1d: {  	s5 =	simm.s32 $0x5;
	[dreg:$0x11] =	wrdreg s0;
	s0 =	simm.s32 $0xEC40  }
.LBB2_1:
.Ltmp0:
0x1e: {  	(pc) =	sbr.rel @p0 .LBB2_3-.Ltmp0, $2  }
0x1f: {  	_ =	sdelay $0x2  }
0x20: {  	[dreg:$0x3] =	wrdreg s14  }
0x21: {  	s3 =	rddreg [dreg:$0x7]  }
0x22: {  	s14 =	rddreg [dreg:$0xe]  }
0x23: {  	s17 =	rddreg [dreg:$0xf]  }
0x24: {  	[spmem:s17], [sflag:s14] =	dma.local [hbm:s3], $0x1380  }
.Ltmp1:
0x25: {  	_ = 	snop;
	(pc) =	sbr.rel @p1 .LBB2_4-.Ltmp1, $4  }
.Ltmp2:
0x26: {  	s17 =	simm.s32 $0x11;
	(pc) =	sbr.rel @!p1 .LBB2_5-.Ltmp2, $4  }
0x27: {  	_ =	swait.ge [sflag:s17], $0x1380  }
0x28: {  	s25 =	smov.u32 s4;
	[sflag:s17] =	ssyncset.done $0x0  }
0x29: {  	s21 =	simm.s32 $0x5000;
	s23 =	simm.s32 $0x6F40;
	[sflag:s17] =	ssyncadd.s32 $0xFFFFEC80  }
0x2a: {  	_ = 	snop  }
.LBB2_3:
0x2b: {  	s3 =	rddreg [dreg:$0xd]  }
0x2c: {  	s25 =	rddreg [dreg:$0x5]  }
0x2d: {  	s17 =	rddreg [dreg:$0xf];
	s14 =	sor.u32 $0x1C11, s3  }
0x2e: {  	[spmem:s17], [sflag:s14] =	dma.local [hbm:s25], $0x1380  }
.Ltmp3:
0x2f: {  	_ = 	snop;
	(pc) =	sbr.rel @p2 .LBB2_5-.Ltmp3, $4  }
0x30: {  	s17 =	simm.s32 $0x11  }
0x31: {  	_ =	swait.ge [sflag:s17], $0x1380  }
0x32: {  	s21 =	simm.s32 $0x5000;
	[sflag:s17] =	ssyncset.done $0x0  }
0x33: {  	s23 =	simm.s32 $0x6F40;
	s25 =	rddreg [dreg:$0x4];
	[sflag:s17] =	ssyncadd.s32 $0xFFFFEC80  }
.LBB2_4:
0x34: {  	s25 =	sadd.s32 $0x13800, s25;
	s3 =	rddreg [dreg:$0x10]  }
0x35: {  	[spmem:s3], [sflag:s14] =	dma.local [hbm:s25], $0x80  }
0x36: {  	_ =	swait.ge [sflag:s17], $0x80  }
0x37: {  	[sflag:s17] =	ssyncset.done $0x0  }
0x38: {  	[sflag:s17] =	ssyncadd.s32 $0xFFFFFF80  }
.LBB2_5:
0x39: {  	s14 =	simm.s32 $0x0;
	s3 =	rddreg [dreg:$0x8]  }
0x3a: {  	[tilespmem:s14], [sflag:$0x11] =	stream.linear.gather [hbm4b:s3+s14], $0x2800, $0x38;
	[tilespmem:$0x1E640] =	vst v63  }
0x3b: {  	_ =	swait.ge [sflag:s17], $0x2800  }
0x3c: {  	[sflag:s17] =	ssyncset.done $0x0  }
0x3d: {  	s25 =	simm.s32 $0x2800;
	s3 =	rddreg [dreg:$0x9];
	[sflag:s17] =	ssyncadd.s32 $0xFFFFD800  }
0x3e: {  	[tilespmem:s25], [sflag:$0x11] =	stream.linear.gather [hbm4b:s3+s14], $0x2800, $0x38;
	[tilespmem:$0x1E640] =	vst v63  }
0x3f: {  	_ =	swait.ge [sflag:s17], $0x2800  }
0x40: {  	[sflag:s17] =	ssyncset.done $0x0  }
0x41: {  	[sflag:s17] =	ssyncadd.s32 $0xFFFFD800  }
0x42: {  	[bflag:$0x0] =	sbarrier.arrive $0xFFFF  }
0x43: {  	[tilespmem:s21], [sflag:$0x1] =	stream.indirect.gather [hbm4b:s4+s20], $0x40, s14, s20, $0xb8;
	[tilespmem:$0x1E640] =	vst v63  }
0x44: {  	s14 =	simm.s32 $0x80  }
0x45: {  	[tilespmem:s23], [sflag:$0x2] =	stream.indirect.gather [hbm4b:s4+s20], $0x40, s14, s20, $0xb8;
	[tilespmem:$0x1E640] =	vst v63  }
0x46: {  	s25 =	simm.s32 $0x100  }
0x47: {  	[tilespmem:s26], [sflag:$0x3] =	stream.indirect.gather [hbm4b:s4+s20], $0x40, s25, s20, $0xb8;
	[tilespmem:$0x1E640] =	vst v63  }
0x48: {  	s14 =	simm.s32 $0x180  }
0x49: {  	[tilespmem:s29], [sflag:$0x4] =	stream.indirect.gather [hbm4b:s4+s20], $0x40, s14, s20, $0xb8;
	[tilespmem:$0x1E640] =	vst v63  }
0x4a: {  	s25 =	simm.s32 $0x200  }
0x4b: {  	[tilespmem:s31], [sflag:$0x5] =	stream.indirect.gather [hbm4b:s4+s20], $0x40, s25, s20, $0xb8;
	[tilespmem:$0x1E640] =	vst v63  }
0x4c: {  	s14 =	simm.s32 $0x280  }
0x4d: {  	[tilespmem:s0], [sflag:$0x6] =	stream.indirect.gather [hbm4b:s4+s20], $0x40, s14, s20, $0xb8;
	[tilespmem:$0x1E640] =	vst v63  }
0x4e: {  	s25 =	simm.s32 $0x300  }
0x4f: {  	[tilespmem:s8], [sflag:$0x7] =	stream.indirect.gather [hbm4b:s4+s20], $0x40, s25, s20, $0xb8;
	[tilespmem:$0x1E640] =	vst v63  }
0x50: {  	s14 =	simm.s32 $0x380  }
0x51: {  	[tilespmem:s22], [sflag:$0x8] =	stream.indirect.gather [hbm4b:s4+s20], $0x40, s14, s20, $0xb8;
	[tilespmem:$0x1E640] =	vst v63  }
0x52: {  	_ =	swait.ge [sflag:s24], $0x1F40  }
0x53: {  	[sflag:s24] =	ssyncset.done $0x0  }
0x54: {  	s25 =	simm.s32 $0x2800;
	[sflag:s24] =	ssyncadd.s32 $0xFFFFE0C0  }
0x55: {  	[spmem:s2] =	stream.indirect.scatter.add.f32 [tilespmem:s21], [sflag:$0x9], $0x40, s25, s20, $0xb8;
	[tilespmem:$0x1E640] =	vst v63  }
0x56: {  	_ =	swait.ge [sflag:s28], $0x1F40  }
0x57: {  	[sflag:s28] =	ssyncset.done $0x0  }
0x58: {  	s3 =	simm.s32 $0x2880;
	[sflag:s28] =	ssyncadd.s32 $0xFFFFE0C0  }
0x59: {  	[spmem:s2] =	stream.indirect.scatter.add.f32 [tilespmem:s23], [sflag:$0xA], $0x40, s3, s20, $0xb8;
	[tilespmem:$0x1E640] =	vst v63  }
0x5a: {  	_ =	swait.ge [sflag:s30], $0x1F40  }
0x5b: {  	[sflag:s30] =	ssyncset.done $0x0  }
0x5c: {  	s25 =	simm.s32 $0x2900;
	[sflag:s30] =	ssyncadd.s32 $0xFFFFE0C0  }
0x5d: {  	[spmem:s2] =	stream.indirect.scatter.add.f32 [tilespmem:s26], [sflag:$0xB], $0x40, s25, s20, $0xb8;
	[tilespmem:$0x1E640] =	vst v63  }
0x5e: {  	_ =	swait.ge [sflag:s18], $0x1F40  }
0x5f: {  	[sflag:s18] =	ssyncset.done $0x0  }
0x60: {  	s3 =	simm.s32 $0x2980;
	[sflag:s18] =	ssyncadd.s32 $0xFFFFE0C0  }
0x61: {  	[spmem:s2] =	stream.indirect.scatter.add.f32 [tilespmem:s29], [sflag:$0xC], $0x40, s3, s20, $0xb8;
	[tilespmem:$0x1E640] =	vst v63  }
0x62: {  	_ =	swait.ge [sflag:s5], $0x1F40  }
0x63: {  	[sflag:s5] =	ssyncset.done $0x0  }
0x64: {  	s25 =	simm.s32 $0x2A00;
	[sflag:s5] =	ssyncadd.s32 $0xFFFFE0C0  }
0x65: {  	[spmem:s2] =	stream.indirect.scatter.add.f32 [tilespmem:s31], [sflag:$0xD], $0x40, s25, s20, $0xb8;
	[tilespmem:$0x1E640] =	vst v63  }
0x66: {  	_ =	swait.ge [sflag:s1], $0x1F40  }
0x67: {  	[sflag:s1] =	ssyncset.done $0x0  }
0x68: {  	s3 =	simm.s32 $0x2A80;
	[sflag:s1] =	ssyncadd.s32 $0xFFFFE0C0  }
0x69: {  	[spmem:s2] =	stream.indirect.scatter.add.f32 [tilespmem:s0], [sflag:$0xE], $0x40, s3, s20, $0xb8;
	[tilespmem:$0x1E640] =	vst v63  }
0x6a: {  	_ =	swait.ge [sflag:s6], $0x1F40  }
0x6b: {  	[sflag:s6] =	ssyncset.done $0x0  }
0x6c: {  	s25 =	simm.s32 $0x2B00;
	[sflag:s6] =	ssyncadd.s32 $0xFFFFE0C0  }
0x6d: {  	[spmem:s2] =	stream.indirect.scatter.add.f32 [tilespmem:s8], [sflag:$0xF], $0x40, s25, s20, $0xb8;
	[tilespmem:$0x1E640] =	vst v63  }
0x6e: {  	_ =	swait.ge [sflag:s19], $0x1F40  }
0x6f: {  	[sflag:s19] =	ssyncset.done $0x0  }
0x70: {  	s3 =	simm.s32 $0x2B80;
	[sflag:s19] =	ssyncadd.s32 $0xFFFFE0C0  }
0x71: {  	[spmem:s2] =	stream.indirect.scatter.add.f32 [tilespmem:s22], [sflag:$0x10], $0x40, s3, s20, $0xb8;
	[tilespmem:$0x1E640] =	vst v63  }
0x72: {  	_ =	swait.ge [sflag:s9], $0x1F40  }
0x73: {  	[sflag:s9] =	ssyncset.done $0x0  }
0x74: {  	s25 =	simm.s32 $0x400;
	[sflag:s9] =	ssyncadd.s32 $0xFFFFE0C0  }
0x75: {  	[tilespmem:s21], [sflag:$0x1] =	stream.indirect.gather [hbm4b:s4+s20], $0x40, s25, s20, $0xb8;
	[tilespmem:$0x1E640] =	vst v63  }
0x76: {  	_ =	swait.ge [sflag:s10], $0x1F40  }
0x77: {  	[sflag:s10] =	ssyncset.done $0x0  }
0x78: {  	s3 =	simm.s32 $0x480;
	[sflag:s10] =	ssyncadd.s32 $0xFFFFE0C0  }
0x79: {  	[tilespmem:s23], [sflag:$0x2] =	stream.indirect.gather [hbm4b:s4+s20], $0x40, s3, s20, $0xb8;
	[tilespmem:$0x1E640] =	vst v63  }
0x7a: {  	_ =	swait.ge [sflag:s11], $0x1F40  }
0x7b: {  	[sflag:s11] =	ssyncset.done $0x0  }
0x7c: {  	s25 =	simm.s32 $0x500;
	[sflag:s11] =	ssyncadd.s32 $0xFFFFE0C0  }
0x7d: {  	[tilespmem:s26], [sflag:$0x3] =	stream.indirect.gather [hbm4b:s4+s20], $0x40, s25, s20, $0xb8;
	[tilespmem:$0x1E640] =	vst v63  }
0x7e: {  	_ =	swait.ge [sflag:s12], $0x1F40  }
0x7f: {  	[sflag:s12] =	ssyncset.done $0x0  }
0x80: {  	s3 =	simm.s32 $0x580;
	[sflag:s12] =	ssyncadd.s32 $0xFFFFE0C0  }
0x81: {  	[tilespmem:s29], [sflag:$0x4] =	stream.indirect.gather [hbm4b:s4+s20], $0x40, s3, s20, $0xb8;
	[tilespmem:$0x1E640] =	vst v63  }
0x82: {  	_ =	swait.ge [sflag:s7], $0x1F40  }
0x83: {  	[sflag:s7] =	ssyncset.done $0x0  }
0x84: {  	s25 =	simm.s32 $0x600;
	[sflag:s7] =	ssyncadd.s32 $0xFFFFE0C0  }
0x85: {  	[tilespmem:s31], [sflag:$0x5] =	stream.indirect.gather [hbm4b:s4+s20], $0x40, s25, s20, $0xb8;
	[tilespmem:$0x1E640] =	vst v63  }
0x86: {  	_ =	swait.ge [sflag:s13], $0x1F40  }
0x87: {  	[sflag:s13] =	ssyncset.done $0x0  }
0x88: {  	s3 =	simm.s32 $0x680;
	[sflag:s13] =	ssyncadd.s32 $0xFFFFE0C0  }
0x89: {  	[tilespmem:s0], [sflag:$0x6] =	stream.indirect.gather [hbm4b:s4+s20], $0x40, s3, s20, $0xb8;
	[tilespmem:$0x1E640] =	vst v63  }
0x8a: {  	_ =	swait.ge [sflag:s16], $0x1F40  }
0x8b: {  	[sflag:s16] =	ssyncset.done $0x0  }
0x8c: {  	s25 =	simm.s32 $0x700;
	[sflag:s16] =	ssyncadd.s32 $0xFFFFE0C0  }
0x8d: {  	[tilespmem:s8], [sflag:$0x7] =	stream.indirect.gather [hbm4b:s4+s20], $0x40, s25, s20, $0xb8;
	[tilespmem:$0x1E640] =	vst v63  }
0x8e: {  	_ =	swait.ge [sflag:s15], $0x1F40  }
0x8f: {  	[sflag:s15] =	ssyncset.done $0x0  }
0x90: {  	s14 =	simm.s32 $0x780;
	s25 =	simm.s32 $0x1000;
	[sflag:s15] =	ssyncadd.s32 $0xFFFFE0C0  }
.LBB2_6:
0x91: {  	[tilespmem:s22], [sflag:$0x8] =	stream.indirect.gather [hbm4b:s4+s20], $0x40, s14, s20, $0xb8;
	[tilespmem:$0x1E640] =	vst v63  }
0x92: {  	s14 =	smov.u32 s25  }
0x93: {  	p3 =	sne.s32 s25, $0x8000;
	s25 =	sadd.s32 $0x1000, s25;
	_ =	swait.ge [sflag:s24], $0x1F40  }
0x94: {  	s14 =	sshra.s32 s14, $0x2;
	[sflag:s24] =	ssyncset.done $0x0  }
0x95: {  	s3 =	sadd.s32 $0x2800, s14;
	[sflag:s24] =	ssyncadd.s32 $0xFFFFE0C0  }
0x96: {  	[spmem:s2] =	stream.indirect.scatter.add.f32 [tilespmem:s21], [sflag:$0x9], $0x40, s3, s20, $0xb8;
	[tilespmem:$0x1E640] =	vst v63  }
0x97: {  	_ =	swait.ge [sflag:s28], $0x1F40  }
0x98: {  	[sflag:s28] =	ssyncset.done $0x0  }
0x99: {  	s3 =	sadd.s32 $0x2880, s14;
	[sflag:s28] =	ssyncadd.s32 $0xFFFFE0C0  }
0x9a: {  	[spmem:s2] =	stream.indirect.scatter.add.f32 [tilespmem:s23], [sflag:$0xA], $0x40, s3, s20, $0xb8;
	[tilespmem:$0x1E640] =	vst v63  }
0x9b: {  	_ =	swait.ge [sflag:s30], $0x1F40  }
0x9c: {  	[sflag:s30] =	ssyncset.done $0x0  }
0x9d: {  	s3 =	sadd.s32 $0x2900, s14;
	[sflag:s30] =	ssyncadd.s32 $0xFFFFE0C0  }
0x9e: {  	[spmem:s2] =	stream.indirect.scatter.add.f32 [tilespmem:s26], [sflag:$0xB], $0x40, s3, s20, $0xb8;
	[tilespmem:$0x1E640] =	vst v63  }
0x9f: {  	_ =	swait.ge [sflag:s18], $0x1F40  }
0xa0: {  	[sflag:s18] =	ssyncset.done $0x0  }
0xa1: {  	s3 =	sadd.s32 $0x2980, s14;
	[sflag:s18] =	ssyncadd.s32 $0xFFFFE0C0  }
0xa2: {  	[spmem:s2] =	stream.indirect.scatter.add.f32 [tilespmem:s29], [sflag:$0xC], $0x40, s3, s20, $0xb8;
	[tilespmem:$0x1E640] =	vst v63  }
0xa3: {  	_ =	swait.ge [sflag:s5], $0x1F40  }
0xa4: {  	[sflag:s5] =	ssyncset.done $0x0  }
0xa5: {  	s3 =	sadd.s32 $0x2A00, s14;
	[sflag:s5] =	ssyncadd.s32 $0xFFFFE0C0  }
0xa6: {  	[spmem:s2] =	stream.indirect.scatter.add.f32 [tilespmem:s31], [sflag:$0xD], $0x40, s3, s20, $0xb8;
	[tilespmem:$0x1E640] =	vst v63  }
0xa7: {  	_ =	swait.ge [sflag:s1], $0x1F40  }
0xa8: {  	[sflag:s1] =	ssyncset.done $0x0  }
0xa9: {  	s3 =	sadd.s32 $0x2A80, s14;
	[sflag:s1] =	ssyncadd.s32 $0xFFFFE0C0  }
0xaa: {  	[spmem:s2] =	stream.indirect.scatter.add.f32 [tilespmem:s0], [sflag:$0xE], $0x40, s3, s20, $0xb8;
	[tilespmem:$0x1E640] =	vst v63  }
0xab: {  	_ =	swait.ge [sflag:s6], $0x1F40  }
0xac: {  	[sflag:s6] =	ssyncset.done $0x0  }
0xad: {  	s3 =	sadd.s32 $0x2B00, s14;
	[sflag:s6] =	ssyncadd.s32 $0xFFFFE0C0  }
0xae: {  	[spmem:s2] =	stream.indirect.scatter.add.f32 [tilespmem:s8], [sflag:$0xF], $0x40, s3, s20, $0xb8;
	[tilespmem:$0x1E640] =	vst v63  }
0xaf: {  	_ =	swait.ge [sflag:s19], $0x1F40  }
0xb0: {  	[sflag:s19] =	ssyncset.done $0x0  }
0xb1: {  	s3 =	sadd.s32 $0x2B80, s14;
	[sflag:s19] =	ssyncadd.s32 $0xFFFFE0C0  }
0xb2: {  	[spmem:s2] =	stream.indirect.scatter.add.f32 [tilespmem:s22], [sflag:$0x10], $0x40, s3, s20, $0xb8;
	[tilespmem:$0x1E640] =	vst v63  }
0xb3: {  	_ =	swait.ge [sflag:s9], $0x1F40  }
0xb4: {  	[sflag:s9] =	ssyncset.done $0x0  }
0xb5: {  	s3 =	sadd.s32 $0x400, s14;
	[sflag:s9] =	ssyncadd.s32 $0xFFFFE0C0  }
0xb6: {  	[tilespmem:s21], [sflag:$0x1] =	stream.indirect.gather [hbm4b:s4+s20], $0x40, s3, s20, $0xb8;
	[tilespmem:$0x1E640] =	vst v63  }
0xb7: {  	_ =	swait.ge [sflag:s10], $0x1F40  }
0xb8: {  	[sflag:s10] =	ssyncset.done $0x0  }
0xb9: {  	s3 =	sadd.s32 $0x480, s14;
	[sflag:s10] =	ssyncadd.s32 $0xFFFFE0C0  }
0xba: {  	[tilespmem:s23], [sflag:$0x2] =	stream.indirect.gather [hbm4b:s4+s20], $0x40, s3, s20, $0xb8;
	[tilespmem:$0x1E640] =	vst v63  }
0xbb: {  	_ =	swait.ge [sflag:s11], $0x1F40  }
0xbc: {  	[sflag:s11] =	ssyncset.done $0x0  }
0xbd: {  	s3 =	sadd.s32 $0x500, s14;
	[sflag:s11] =	ssyncadd.s32 $0xFFFFE0C0  }
0xbe: {  	[tilespmem:s26], [sflag:$0x3] =	stream.indirect.gather [hbm4b:s4+s20], $0x40, s3, s20, $0xb8;
	[tilespmem:$0x1E640] =	vst v63  }
0xbf: {  	_ =	swait.ge [sflag:s12], $0x1F40  }
0xc0: {  	[sflag:s12] =	ssyncset.done $0x0  }
0xc1: {  	s3 =	sadd.s32 $0x580, s14;
	[sflag:s12] =	ssyncadd.s32 $0xFFFFE0C0  }
0xc2: {  	[tilespmem:s29], [sflag:$0x4] =	stream.indirect.gather [hbm4b:s4+s20], $0x40, s3, s20, $0xb8;
	[tilespmem:$0x1E640] =	vst v63  }
0xc3: {  	_ =	swait.ge [sflag:s7], $0x1F40  }
0xc4: {  	[sflag:s7] =	ssyncset.done $0x0  }
0xc5: {  	s3 =	sadd.s32 $0x600, s14;
	[sflag:s7] =	ssyncadd.s32 $0xFFFFE0C0  }
0xc6: {  	[tilespmem:s31], [sflag:$0x5] =	stream.indirect.gather [hbm4b:s4+s20], $0x40, s3, s20, $0xb8;
	[tilespmem:$0x1E640] =	vst v63  }
0xc7: {  	_ =	swait.ge [sflag:s13], $0x1F40  }
0xc8: {  	[sflag:s13] =	ssyncset.done $0x0  }
0xc9: {  	s3 =	sadd.s32 $0x680, s14;
	[sflag:s13] =	ssyncadd.s32 $0xFFFFE0C0  }
0xca: {  	[tilespmem:s0], [sflag:$0x6] =	stream.indirect.gather [hbm4b:s4+s20], $0x40, s3, s20, $0xb8;
	[tilespmem:$0x1E640] =	vst v63  }
0xcb: {  	_ =	swait.ge [sflag:s16], $0x1F40  }
0xcc: {  	[sflag:s16] =	ssyncset.done $0x0  }
.Ltmp4:
0xcd: {  	s3 =	sadd.s32 $0x700, s14;
	[sflag:s16] =	ssyncadd.s32 $0xFFFFE0C0;
	(pc) =	sbr.rel @p3 .LBB2_6-.Ltmp4, $4  }
0xce: {  	[tilespmem:s8], [sflag:$0x7] =	stream.indirect.gather [hbm4b:s4+s20], $0x40, s3, s20, $0xb8;
	[tilespmem:$0x1E640] =	vst v63  }
0xcf: {  	_ =	swait.ge [sflag:s15], $0x1F40  }
0xd0: {  	[sflag:s15] =	ssyncset.done $0x0  }
0xd1: {  	s14 =	sadd.s32 $0x780, s14;
	[sflag:s15] =	ssyncadd.s32 $0xFFFFE0C0  }
0xd2: {  	[tilespmem:s22], [sflag:$0x8] =	stream.indirect.gather [hbm4b:s4+s20], $0x40, s14, s20, $0xb8;
	[tilespmem:$0x1E640] =	vst v63  }
0xd3: {  	_ =	swait.ge [sflag:s24], $0x1F40  }
0xd4: {  	[sflag:s24] =	ssyncset.done $0x0  }
0xd5: {  	s3 =	simm.s32 $0x4C00;
	[sflag:s24] =	ssyncadd.s32 $0xFFFFE0C0  }
0xd6: {  	[spmem:s2] =	stream.indirect.scatter.add.f32 [tilespmem:s21], [sflag:$0x9], $0x40, s3, s20, $0xb8;
	[tilespmem:$0x1E640] =	vst v63  }
0xd7: {  	_ =	swait.ge [sflag:s28], $0x1F40  }
0xd8: {  	[sflag:s28] =	ssyncset.done $0x0  }
0xd9: {  	s21 =	simm.s32 $0x4C80;
	[sflag:s28] =	ssyncadd.s32 $0xFFFFE0C0  }
0xda: {  	[spmem:s2] =	stream.indirect.scatter.add.f32 [tilespmem:s23], [sflag:$0xA], $0x40, s21, s20, $0xb8;
	[tilespmem:$0x1E640] =	vst v63  }
0xdb: {  	_ =	swait.ge [sflag:s30], $0x1F40  }
0xdc: {  	[sflag:s30] =	ssyncset.done $0x0  }
0xdd: {  	s23 =	simm.s32 $0x4D00;
	[sflag:s30] =	ssyncadd.s32 $0xFFFFE0C0  }
0xde: {  	[spmem:s2] =	stream.indirect.scatter.add.f32 [tilespmem:s26], [sflag:$0xB], $0x40, s23, s20, $0xb8;
	[tilespmem:$0x1E640] =	vst v63  }
0xdf: {  	_ =	swait.ge [sflag:s18], $0x1F40  }
0xe0: {  	[sflag:s18] =	ssyncset.done $0x0  }
0xe1: {  	s25 =	simm.s32 $0x4D80;
	[sflag:s18] =	ssyncadd.s32 $0xFFFFE0C0  }
0xe2: {  	[spmem:s2] =	stream.indirect.scatter.add.f32 [tilespmem:s29], [sflag:$0xC], $0x40, s25, s20, $0xb8;
	[tilespmem:$0x1E640] =	vst v63  }
0xe3: {  	_ =	swait.ge [sflag:s5], $0x1F40  }
0xe4: {  	[sflag:s5] =	ssyncset.done $0x0  }
0xe5: {  	s14 =	simm.s32 $0x4E00;
	[sflag:s5] =	ssyncadd.s32 $0xFFFFE0C0  }
0xe6: {  	[spmem:s2] =	stream.indirect.scatter.add.f32 [tilespmem:s31], [sflag:$0xD], $0x40, s14, s20, $0xb8;
	[tilespmem:$0x1E640] =	vst v63  }
0xe7: {  	_ =	swait.ge [sflag:s1], $0x1F40  }
0xe8: {  	[sflag:s1] =	ssyncset.done $0x0  }
0xe9: {  	s21 =	simm.s32 $0x4E80;
	[sflag:s1] =	ssyncadd.s32 $0xFFFFE0C0  }
0xea: {  	[spmem:s2] =	stream.indirect.scatter.add.f32 [tilespmem:s0], [sflag:$0xE], $0x40, s21, s20, $0xb8;
	[tilespmem:$0x1E640] =	vst v63  }
0xeb: {  	_ =	swait.ge [sflag:s6], $0x1F40  }
0xec: {  	[sflag:s6] =	ssyncset.done $0x0  }
0xed: {  	s23 =	simm.s32 $0x4F00;
	[sflag:s6] =	ssyncadd.s32 $0xFFFFE0C0  }
0xee: {  	[spmem:s2] =	stream.indirect.scatter.add.f32 [tilespmem:s8], [sflag:$0xF], $0x40, s23, s20, $0xb8;
	[tilespmem:$0x1E640] =	vst v63  }
0xef: {  	_ =	swait.ge [sflag:s19], $0x1F40  }
0xf0: {  	[sflag:s19] =	ssyncset.done $0x0  }
0xf1: {  	s25 =	simm.s32 $0x4F80;
	[sflag:s19] =	ssyncadd.s32 $0xFFFFE0C0  }
0xf2: {  	[spmem:s2] =	stream.indirect.scatter.add.f32 [tilespmem:s22], [sflag:$0x10], $0x40, s25, s20, $0xb8;
	[tilespmem:$0x1E640] =	vst v63  }
0xf3: {  	_ =	swait.ge [sflag:s9], $0x1F40  }
0xf4: {  	[sflag:s9] =	ssyncset.done $0x0  }
0xf5: {  	[sflag:s9] =	ssyncadd.s32 $0xFFFFE0C0  }
0xf6: {  	_ =	swait.ge [sflag:s10], $0x1F40  }
0xf7: {  	[sflag:s10] =	ssyncset.done $0x0  }
0xf8: {  	[sflag:s10] =	ssyncadd.s32 $0xFFFFE0C0  }
0xf9: {  	_ =	swait.ge [sflag:s11], $0x1F40  }
0xfa: {  	[sflag:s11] =	ssyncset.done $0x0  }
0xfb: {  	[sflag:s11] =	ssyncadd.s32 $0xFFFFE0C0  }
0xfc: {  	_ =	swait.ge [sflag:s12], $0x1F40  }
0xfd: {  	[sflag:s12] =	ssyncset.done $0x0  }
0xfe: {  	[sflag:s12] =	ssyncadd.s32 $0xFFFFE0C0  }
0xff: {  	_ =	swait.ge [sflag:s7], $0x1F40  }
0x100: {  	[sflag:s7] =	ssyncset.done $0x0  }
0x101: {  	[sflag:s7] =	ssyncadd.s32 $0xFFFFE0C0  }
0x102: {  	_ =	swait.ge [sflag:s13], $0x1F40  }
0x103: {  	[sflag:s13] =	ssyncset.done $0x0  }
0x104: {  	[sflag:s13] =	ssyncadd.s32 $0xFFFFE0C0  }
0x105: {  	_ =	swait.ge [sflag:s16], $0x1F40  }
0x106: {  	[sflag:s16] =	ssyncset.done $0x0  }
0x107: {  	[sflag:s16] =	ssyncadd.s32 $0xFFFFE0C0  }
0x108: {  	_ =	swait.ge [sflag:s15], $0x1F40  }
0x109: {  	[sflag:s15] =	ssyncset.done $0x0  }
0x10a: {  	[sflag:s15] =	ssyncadd.s32 $0xFFFFE0C0  }
0x10b: {  	[bflag:$0x0] =	sbarrier.arrive $0xFFFF  }
0x10c: {  	s14 =	rddreg [dreg:$0xd]  }
0x10d: {  	s21 =	rddreg [dreg:$0xa]  }
0x10e: {  	s25 =	rddreg [dreg:$0x11];
	s3 =	sor.u32 $0x1C11, s14  }
0x10f: {  	[dreg:$0x13] =	wrdreg s3  }
0x110: {  	[hbm:s21@s15], [sflag:s3] =	dma.strided [spmem:s25@s19], $0x1380, s24, $0x8   }
0x111: {  	_ =	swait.ge [sflag:s17], $0x1380  }
0x112: {  	s14 =	rddreg [dreg:$0x6]  }
0x113: {  	[sflag:s17] =	ssyncset.done $0x0;
	s21 =	rddreg [dreg:$0x13]  }
0x114: {  	[sflag:s17] =	ssyncadd.s32 $0xFFFFEC80;
	s14 =	sshrl.u32 @!p2 s14, $0x3;
	s17 =	rddreg [dreg:$0xb]  }
0x115: {  	s23 =	simm.s32 @!p2 $0x10;
	[dreg:$0x12] =	wrdreg s14  }
0x116: {  	s25 =	simm.s32 @!p2 $0x8;
	s14 =	simm.s32 @!p2 $0x1;
	s3 =	rddreg [dreg:$0x12]  }
0x117: {  	[hbm:s17@s23], [sflag:s21] =	dma.strided @!p2 [spmem:s3@s25], $0x80, s14, $0x8   }
0x118: {  	s3 =	simm.s32 @!p2 $0x11  }
0x119: {  	_ =	swait.ge @!p2 [sflag:s3], $0x80  }
0x11a: {  	s23 =	rddreg [dreg:$0x3]  }
0x11b: {  	s25 =	rddreg [dreg:$0xc];
	s14 =	sadd.s32 $0x1, s23  }
0x11c: {  	p3 =	sne.s32 s14, s25  }
.Ltmp5:
0x11d: {  	_ = 	snop;
	(pc) =	sbr.rel @p3 .LBB2_1-.Ltmp5, $3  }
0x11e: {  	_ =	sdelay $0x1  }
0x11f: {  	[sflag:s3] =	ssyncset.done @!p2 $0x0  }
0x120: {  	[sflag:s3] =	ssyncadd.s32 @!p2 $0xFFFFFF80  }
0x121: {  	_ =	sfence.sel $0x180000  }
0x122: {  	[bflag:$0x0] =	sbarrier.arrive $0xFFFF  }
0x123: {  	_ =	strace $0x9000004A  }
0x124: {  	s0 =	stileid.u32;
	[bflag:$0x2] =	sbarrier.arrive $0xFFFF  }
0x125: {  	p0 =	sne.s32 s0, $0x0;
	s0 =	rddreg [dreg:$0x2]  }
0x126: {  	s0 =	sadd.s32 @!p0 $0x100000, s0  }
0x127: {  	[sflag:s0] =	ssyncadd.tile.s32 @!p0 $0x1;
	_ =	shalt  }
.Lfunc_end2:
_tile_overlayer_lowered:
.L_overlay_start_2:
0x128: {  	(tag) =	ssettag $0x2  }
0x129: {  	s0 =	rddreg [dreg:$0x0];
	s2 =	stileid.u32  }
0x12a: {  	s1 =	rddreg [dreg:$0x1];
	p0 =	sne.s32 s2, $0x0  }
0x12b: {  	s3 =	rddreg [dreg:$0x2];
	[bflag:$0x3] =	sbarrier.arrive $0xFFFF;
	s2 =	simm.s32 @!p0 $0x1C11  }
0x12c: {  	[timem:s3], [sflag:s2] =	dma.local @!p0 [hbm:s0], s1  }
0x12d: {  	s0 =	simm.s32 @!p0 $0x11  }
0x12e: {  	_ =	swait.ge @!p0 [sflag:s0], s1  }
0x12f: {  	s1 =	ssub.s32 @!p0 $0x0, s1;
	[sflag:s0] =	ssyncset.done @!p0 $0x0  }
0x130: {  	[sflag:s0] =	ssyncadd.s32 @!p0 s1  }
0x131: {  	[bflag:$0x3] =	sbarrier.arrive $0xFFFF  }
0x132: {  	_ =	shalt  }

// kernel: _run.15.cloned.1.call-start
scs
__scs_entry_jumppad:
0x0: {  	(pc) =	sbr.rel $0x88, $3  }
0x1: {  	(tag) =	ssettag $0x0;
	lr =	simm.s32 $0x1  }
0x2: {  	[smem:$0x3F95] =	sst lr;
	_ =	strace $0xD0000000  }
0x3: {  	_ = 	snop  }
0x4: {  	_ = 	snop  }
0x5: {  	_ = 	snop  }
0x6: {  	_ = 	snop  }
0x7: {  	_ = 	snop  }
__scs_overlays_trampoline_lowered:
0x8: {  	[smem:$0x3FA4] =	sst s0  }
0x9: {  	[smem:$0x3FA5] =	sst s1  }
0xa: {  	[smem:$0x3FA6] =	sst s2  }
0xb: {  	[smem:$0x3FA7] =	sst s3  }
0xc: {  	[smem:$0x3FA8] =	sst s4  }
0xd: {  	[smem:$0x3FA9] =	sst s5  }
0xe: {  	[smem:$0x3FAA] =	sst s6  }
0xf: {  	[smem:$0x3FAB] =	sst s7  }
0x10: {  	[smem:$0x3FAC] =	sst s8  }
0x11: {  	[smem:$0x3FAD] =	sst s9;
	s0 =	simm.s32 @!p0 $0x0  }
0x12: {  	s1 =	sld [smem:$0x3F93];
	s0 =	simm.s32 @p0 $0x1  }
0x13: {  	[smem:$0x3FAE] =	sst s0;
	s0 =	simm.s32 @!p1 $0x0  }
0x14: {  	s2 =	sld [smem:$0x3F92];
	s0 =	simm.s32 @p1 $0x1  }
0x15: {  	[smem:$0x3FAF] =	sst s0;
	s0 =	simm.s32 @!p2 $0x0  }
0x16: {  	s3 =	sld [smem:$0x3FDB];
	s0 =	simm.s32 @p2 $0x1  }
0x17: {  	s4 =	simm.s32 $0x1BF5;
	[smem:$0x3FB1] =	sst s0  }
0x18: {  	s0 =	sld [smem:$0x3F94];
	_ =	swait.ge [sflag:s4], $0x0  }
0x19: {  	s7 =	sld [smem:$0x3F95]  }
0x1a: {  	s8 =	sadd.s32 $0xFFFFE003, lr  }
0x1b: {  	s9 =	sadd.s32 $0xFFFFFEF7, lr;
	s5 =	simm.s32 $0xFFFFFFFF;
	p2 =	slt.u32 s8, $0xFFFFF086  }
0x1c: {  	p1 =	slt.u32 s9, $0xF7A;
	s5 =	simm.s32 @!p2 $0x0  }
0x1d: {  	s5 =	simm.s32 @p1 $0x1;
	p0 =	seq.s32 s7, s2  }
0x1e: {  	s7 =	smul.u32 @!p0 $0xF7A, s2;
	p2 =	seq.s32 @!p0 s5, $0x0  }
0x1f: {  	s9 =	smul.u32 $0xF7A, s1;
	s8 =	simm.s32 @!p0 $0x1BF5;
	p2 =	por !p2, p0  }
0x20: {  	[sflag:s8] =	ssyncset.s32 @!p0 $0xFFFFF086;
	s6 =	sadd.s32 @!p0 s3, s7;
	s7 =	simm.s32 @!p0 $0x108  }
0x21: {  	s3 =	sadd.s32 s3, s9;
	s6 =	sadd.s32 @!p0 $0x88, s6;
	s7 =	simm.s32 @p2 $0x1082  }
0x22: {  	[simem:s7], [sflag:s8] =	dma.local @!p0 [hbm:s6], $0xF7A  }
0x23: {  	s9 =	sor.u32 $0xD0000000, s2;
	s6 =	simm.s32 $0x108;
	_ =	swait.ge @!p0 [sflag:s8], $0x0  }
0x24: {  	s3 =	sadd.s32 $0x88, s3;
	s6 =	simm.s32 @!p1 $0x1082;
	[sflag:s4] =	ssyncset.s32 $0xFFFFF086  }
0x25: {  	[simem:s6], [sflag:s4] =	dma.local [hbm:s3], $0xF7A  }
0x26: {  	[smem:$0x3F95] =	sst s1;
	(tag) =	ssettag s2;
	_ =	strace s9  }
0x27: {  	s1 =	sld [smem:$0x3FA5]  }
0x28: {  	s2 =	sld [smem:$0x3FA6]  }
0x29: {  	s4 =	sld [smem:$0x3FA8]  }
0x2a: {  	p0 =	seq.s32 s5, $0x0;
	s5 =	sld [smem:$0x3FA9]  }
0x2b: {  	s6 =	sld [smem:$0x3FAA]  }
0x2c: {  	s7 =	sld [smem:$0x3FAB]  }
0x2d: {  	s3 =	simm.s32 $0x108;
	s8 =	sld [smem:$0x3FAC]  }
0x2e: {  	s3 =	simm.s32 @!p0 $0x1082;
	s9 =	sld [smem:$0x3FAD]  }
0x2f: {  	lr =	sadd.s32 s0, s3;
	s0 =	sld [smem:$0x3FA4]  }
0x30: {  	s3 =	sld [smem:$0x3FA7]  }
0x31: {  	[smem:$0x3FB0] =	sst s10  }
0x32: {  	s10 =	sld [smem:$0x3FAE];
	_ =	sdelay $0x3  }
0x33: {  	p0 =	seq.s32 s10, $0x1;
	s10 =	sld [smem:$0x3FB0];
	_ =	sdelay $0x3  }
0x34: {  	[smem:$0x3FB0] =	sst s10  }
0x35: {  	s10 =	sld [smem:$0x3FAF];
	_ =	sdelay $0x3  }
0x36: {  	p1 =	seq.s32 s10, $0x1;
	s10 =	sld [smem:$0x3FB0];
	_ =	sdelay $0x3  }
0x37: {  	[smem:$0x3FB0] =	sst s10  }
0x38: {  	s10 =	sld [smem:$0x3FB1]  }
0x39: {  	_ = 	snop;
	(pc) =	sbr.ind lr, $3  }
0x3a: {  	_ = 	snop  }
0x3b: {  	_ = 	snop  }
0x3c: {  	p2 =	seq.s32 s10, $0x1;
	s10 =	sld [smem:$0x3FB0]  }
0x3d: {  	_ =	shalt  }
0x3e: {  	_ =	shalt  }
0x3f: {  	_ =	shalt  }
0x40: {  	_ =	shalt  }
0x41: {  	_ =	shalt  }
0x42: {  	_ =	shalt  }
0x43: {  	_ =	shalt  }
0x44: {  	_ =	shalt  }
0x45: {  	_ =	shalt  }
0x46: {  	_ =	shalt  }
0x47: {  	_ =	shalt  }
0x48: {  	_ =	shalt  }
0x49: {  	_ =	shalt  }
0x4a: {  	_ =	shalt  }
0x4b: {  	_ =	shalt  }
0x4c: {  	_ =	shalt  }
0x4d: {  	_ =	shalt  }
0x4e: {  	_ =	shalt  }
0x4f: {  	_ =	shalt  }
0x50: {  	_ =	shalt  }
0x51: {  	_ =	shalt  }
0x52: {  	_ =	shalt  }
0x53: {  	_ =	shalt  }
0x54: {  	_ =	shalt  }
0x55: {  	_ =	shalt  }
0x56: {  	_ =	shalt  }
0x57: {  	_ =	shalt  }
0x58: {  	_ =	shalt  }
0x59: {  	_ =	shalt  }
0x5a: {  	_ =	shalt  }
0x5b: {  	_ =	shalt  }
0x5c: {  	_ =	shalt  }
0x5d: {  	_ =	shalt  }
0x5e: {  	_ =	shalt  }
0x5f: {  	_ =	shalt  }
0x60: {  	_ =	shalt  }
0x61: {  	_ =	shalt  }
0x62: {  	_ =	shalt  }
0x63: {  	_ =	shalt  }
0x64: {  	_ =	shalt  }
0x65: {  	_ =	shalt  }
0x66: {  	_ =	shalt  }
0x67: {  	_ =	shalt  }
0x68: {  	_ =	shalt  }
0x69: {  	_ =	shalt  }
0x6a: {  	_ =	shalt  }
0x6b: {  	_ =	shalt  }
0x6c: {  	_ =	shalt  }
0x6d: {  	_ =	shalt  }
0x6e: {  	_ =	shalt  }
0x6f: {  	_ =	shalt  }
0x70: {  	_ =	shalt  }
0x71: {  	_ =	shalt  }
0x72: {  	_ =	shalt  }
0x73: {  	_ =	shalt  }
0x74: {  	_ =	shalt  }
0x75: {  	_ =	shalt  }
0x76: {  	_ =	shalt  }
0x77: {  	_ =	shalt  }
0x78: {  	_ =	shalt  }
0x79: {  	_ =	shalt  }
0x7a: {  	_ =	shalt  }
0x7b: {  	_ =	shalt  }
0x7c: {  	_ =	shalt  }
0x7d: {  	_ =	shalt  }
0x7e: {  	_ =	shalt  }
0x7f: {  	_ =	shalt  }
0x80: {  	_ =	shalt  }
0x81: {  	_ =	shalt  }
0x82: {  	_ =	shalt  }
0x83: {  	_ =	shalt  }
0x84: {  	_ =	shalt  }
0x85: {  	_ =	shalt  }
0x86: {  	_ =	shalt  }
0x87: {  	_ =	shalt  }
.Lfunc_end0:
.L_simem_size_0:
called_computation.2_lowered:
.L_overlay_start_0:
0x88: {  	s2 =	sld [smem:$0x3FD9]  }
0x89: {  	s3 =	sld [smem:$0x3FFE];
	_ =	sdelay $0x1  }
0x8a: {  	s1 =	srdreg.scid  }
0x8b: {  	s0 =	sand.u32 $0x1, s1  }
0x8c: {  	s16 =	sshll.u32 s0, $0xA;
	s2 =	sadd.s32 s3, s2  }
0x8d: {  	s2 =	sadd.s32 s2, s16  }
0x8e: {  	[smem:$0x3FBC] =	sst s2  }
0x8f: {  	_ = 	snop  }
0x90: {  	(tm) =	ssettm $0x1  }
0x91: {  	s17 =	sld [smem:$0x3FFB];
	_ =	sdelay $0x3  }
0x92: {  	_ =	strace s17  }
0x93: {  	s2 =	sld [smem:$0x3FFC];
	_ =	sdelay $0x3  }
0x94: {  	_ =	strace s2  }
0x95: {  	s2 =	sld [smem:$0x3FFD];
	_ =	sdelay $0x3  }
0x96: {  	_ =	strace s2  }
0x97: {  	_ =	strace $0x8FFFFFFF  }
0x98: {  	s18 =	sld [smem:$0x3FDB];
	_ =	sdelay $0x1  }
0x99: {  	s19 =	simm.s32 $_scs_section_size  }
0x9a: {  	s4 =	simm.s32 $_size__tile_overlayer_lowered;
	s5 =	simm.s32 $_tile_overlayer_lowered  }
0x9b: {  	s22 =	simm.s32 $0x1BFF;
	s21 =	sshll.u32 s5, $0x1;
	s2 =	sadd.s32 s19, s18  }
0x9c: {  	s6 =	simm.s32 $0x0;
	s20 =	sshll.u32 s4, $0x1;
	s4 =	sadd.s32 s21, s2  }
0x9d: {  	[timem:s6], [sflag:s22] =	dma.local [hbm:s4], s20  }
0x9e: {  	_ =	swait.ge [sflag:s22], s20  }
0x9f: {  	s3 =	ssub.s32 $0x0, s20;
	[sflag:s22] =	ssyncset.done $0x0  }
0xa0: {  	[sflag:s22] =	ssyncadd.s32 s3;
	_ =	sdelay $0x1  }
0xa1: {  	s23 =	simm.s32 $0x1B8B  }
0xa2: {  	_ =	swait.ge [sflag:s23], $0x1  }
0xa3: {  	[sflag:s23] =	ssyncset.done $0x0  }
0xa4: {  	s25 =	simm.s32 $0x1B8E;
	s24 =	sld [smem:$0x3FFE];
	[sflag:s23] =	ssyncadd.s32 $0xFFFFFFFF  }
0xa5: {  	s26 =	simm.s32 $execute0_lowered;
	[smem:$0x3FD2] =	sst s25  }
0xa6: {  	s4 =	sshll.u32 s26, $0x1;
	_ =	strace $0x8000004C;
	[dreg:$0x1] =	wrdreg $0xFFFFFFFF  }
0xa7: {  	s28 =	simm.s32 $_size_execute0_lowered;
	s2 =	sadd.s32 s2, s4;
	[dreg:$0x0] =	wrdreg $0x0  }
0xa8: {  	s4 =	sshll.u32 s28, $0x1;
	[dreg:$0x2] =	wrdreg s2  }
0xa9: {  	[dreg:$0x3] =	wrdreg s4  }
0xaa: {  	[dreg:$0x4] =	wrdreg $0xC0  }
0xab: {  	_ =	task [dreg:s6], $0x5FFFF  }
0xac: {  	[dreg:$0x1] =	wrdreg $0xFFFFFFFF  }
0xad: {  	[dreg:$0x0] =	wrdreg $0x60  }
0xae: {  	[dreg:$0x2] =	wrdreg s24  }
0xaf: {  	[dreg:$0x3] =	wrdreg $0xCD000  }
0xb0: {  	[dreg:$0x4] =	wrdreg $0x9  }
0xb1: {  	_ =	task.clear_ibuf [dreg:s6], $0x5FFFF;
	_ =	strace $0x9000004C  }
0xb2: {  	s29 =	simm.s32 $0x9;
	_ =	strace $0x8000004E  }
0xb3: {  	_ =	swait.ge [sflag:s29], $0x1  }
0xb4: {  	[sflag:s29] =	ssyncadd.s32 $0xFFFFFFFF  }
0xb5: {  	_ =	strace $0x9000004E  }
0xb6: {  	_ =	sfence  }
0xb7: {  	s30 =	sld [smem:$0x0];
	_ =	sdelay $0x2  }
0xb8: {  	s31 =	sshll.u32 s1, $0xD;
	s1 =	sshrl.u32 s1, $0x2  }
0xb9: {  	s3 =	sand.u32 $0x4000, s31;
	s1 =	sadd.s32 s1, s30  }
0xba: {  	s0 =	sor.u32 s3, s0;
	s1 =	sshll.u32 s1, $0x11  }
0xbb: {  	s0 =	sor.u32 s1, s0  }
0xbc: {  	s0 =	sadd.s32 $0x8F2B, s0  }
0xbd: {  	[sflag:s0] =	ssyncadd.remote.s32 $0x1  }
0xbe: {  	_ =	sfence.sel $0xFFFF  }
0xbf: {  	[dreg:$0x0] =	wrdreg $0xFFFFFFFF;
	(pc) =	sbr.abs _section_cstart, $3  }
0xc0: {  	[dreg:$0x1] =	wrdreg $0xFFFFFFFF  }
0xc1: {  	_ =	task.clear_ibuf [dreg:s6], $0x2FFFF;
	_ =	strace $0x9FFFFFFF  }
0xc2: {  	(tm) =	ssettm $0x7FFFFFFF  }
0xc3: {  	_ =	shalt  }
tec
execute0_lowered:
.L_overlay_start_1:
0x0: {  	(tag) =	ssettag $0x1  }
0x1: {  	s0 =	srdreg.scid;
	s1 =	rddreg [dreg:$0x0]  }
0x2: {  	s11 =	stileid.u32;
	s2 =	rddreg [dreg:$0x1];
	s14 =	simm.s32 $0x0  }
0x3: {  	s20 =	simm.s32 $0x7D;
	s29 =	simm.s32 $0x7EE0;
	s31 =	simm.s32 $0x8E80  }
0x4: {  	s28 =	simm.s32 $0x2;
	s30 =	simm.s32 $0x3;
	s0 =	sand.u32 $0x1, s0  }
0x5: {  	s3 =	sshll.u32 s11, $0x1;
	[smem:$0x7FF] =	sst s14;
	s7 =	smul.u32 $0x4E00, s11  }
0x6: {  	s10 =	sadd.s32 $0x20A00, s1;
	s13 =	sadd.s32 $0x4E000, s2;
	s23 =	sshll.u32 s11, $0x6  }
0x7: {  	p1 =	seq.s32 s11, $0xF;
	p2 =	sne.s32 s11, $0xF;
	s4 =	sor.u32 s0, s3  }
0x8: {  	_ =	strace $0x8000004D;
	s6 =	ssub.s32 $0x2, s0;
	[dreg:$0x4] =	wrdreg s10  }
0x9: {  	s9 =	smul.u32 $0x138800, s0;
	p0 =	sne.s32 s0, $0x0;
	[dreg:$0xd] =	wrdreg s23  }
0xa: {  	s0 =	sor.u32 $0x1C11, s23;
	[dreg:$0x6] =	wrdreg s13;
	s25 =	sshrl.u32 s13, $0x3  }
0xb: {  	s13 =	simm.s32 $0xD;
	s5 =	smul.u32 $0x2800, s4;
	s4 =	sadd.s32 $0x16C00, s1  }
0xc: {  	s8 =	sshrl.u32 s6, $0x1;
	s12 =	sshrl.u32 s7, $0x3;
	[dreg:$0xe] =	wrdreg s0  }
0xd: {  	s7 =	sadd.s32 s7, s2;
	[dreg:$0x10] =	wrdreg s25;
	s0 =	simm.s32 $0x9E20  }
0xe: {  	s6 =	ssub.s32 s6, s8;
	s3 =	sadd.s32 s10, s12;
	s10 =	smul.u32 $0x13800, s11  }
0xf: {  	s8 =	sadd.s32 s4, s12;
	s17 =	sshrl.u32 s9, $0x3;
	s24 =	sshrl.u32 s7, $0x3  }
0x10: {  	s11 =	simm.s32 $0xB;
	s12 =	simm.s32 $0xC;
	[dreg:$0x5] =	wrdreg s3  }
0x11: {  	s7 =	simm.s32 $0xE;
	s5 =	sshrl.u32 s5, $0x3;
	[dreg:$0x7] =	wrdreg s8  }
0x12: {  	s22 =	smax.u32 s6, $0x1;
	[dreg:$0xf] =	wrdreg s24;
	s24 =	simm.s32 $0x1  }
0x13: {  	s6 =	simm.s32 $0x7;
	s5 =	sadd.s32 s5, s1;
	s1 =	sadd.s32 $0x2A800, s1  }
0x14: {  	s16 =	sadd.s32 s10, s9;
	s18 =	sshrl.u32 s10, $0x2;
	[dreg:$0xc] =	wrdreg s22  }
0x15: {  	s22 =	simm.s32 $0xBD60;
	s9 =	simm.s32 $0x9;
	s10 =	simm.s32 $0xA  }
0x16: {  	s15 =	sadd.s32 $0x2C00, s5;
	s5 =	sadd.s32 $0xCC00, s5;
	s8 =	sadd.s32 s1, s17  }
0x17: {  	s19 =	sadd.s32 s18, s2;
	s18 =	simm.s32 $0x4;
	[dreg:$0x8] =	wrdreg s15  }
0x18: {  	[dreg:$0x9] =	wrdreg s5;
	s5 =	sshrl.u32 s16, $0x3;
	s21 =	sadd.s32 $0x27000, s8  }
0x19: {  	s26 =	sshrl.u32 s19, $0x3;
	s8 =	simm.s32 $0xADC0;
	s19 =	simm.s32 $0x8  }
0x1a: {  	s16 =	simm.s32 $0xF;
	s15 =	simm.s32 $0x10;
	[dreg:$0xb] =	wrdreg s21  }
0x1b: {  	s1 =	sadd.s32 s1, s5;
	[dreg:$0x11] =	wrdreg s26;
	s26 =	simm.s32 $0x6F40  }
0x1c: {  	s5 =	simm.s32 $0x5;
	[dreg:$0xa] =	wrdreg s1;
	s1 =	simm.s32 $0x6  }
.LBB2_1:
.Ltmp0:
0x1d: {  	(pc) =	sbr.rel @p0 .LBB2_3-.Ltmp0, $2  }
0x1e: {  	_ =	sdelay $0x2  }
0x1f: {  	[dreg:$0x3] =	wrdreg s14  }
0x20: {  	s3 =	rddreg [dreg:$0x7]  }
0x21: {  	s14 =	rddreg [dreg:$0xe]  }
0x22: {  	s17 =	rddreg [dreg:$0xf]  }
0x23: {  	[spmem:s17], [sflag:s14] =	dma.local [hbm:s3], $0x9C0  }
.Ltmp1:
0x24: {  	_ = 	snop;
	(pc) =	sbr.rel @p1 .LBB2_4-.Ltmp1, $4  }
.Ltmp2:
0x25: {  	s17 =	simm.s32 $0x11;
	(pc) =	sbr.rel @!p1 .LBB2_5-.Ltmp2, $4  }
0x26: {  	_ =	swait.ge [sflag:s17], $0x9C0  }
0x27: {  	s25 =	smov.u32 s4;
	[sflag:s17] =	ssyncset.done $0x0  }
0x28: {  	s21 =	simm.s32 $0x5000;
	s23 =	simm.s32 $0x5FA0;
	[sflag:s17] =	ssyncadd.s32 $0xFFFFF640  }
0x29: {  	_ = 	snop  }
.LBB2_3:
0x2a: {  	s3 =	rddreg [dreg:$0xd]  }
0x2b: {  	s25 =	rddreg [dreg:$0x5]  }
0x2c: {  	s17 =	rddreg [dreg:$0xf];
	s14 =	sor.u32 $0x1C11, s3  }
0x2d: {  	[spmem:s17], [sflag:s14] =	dma.local [hbm:s25], $0x9C0  }
.Ltmp3:
0x2e: {  	_ = 	snop;
	(pc) =	sbr.rel @p2 .LBB2_5-.Ltmp3, $4  }
0x2f: {  	s17 =	simm.s32 $0x11  }
0x30: {  	_ =	swait.ge [sflag:s17], $0x9C0  }
0x31: {  	s21 =	simm.s32 $0x5000;
	[sflag:s17] =	ssyncset.done $0x0  }
0x32: {  	s23 =	simm.s32 $0x5FA0;
	s25 =	rddreg [dreg:$0x4];
	[sflag:s17] =	ssyncadd.s32 $0xFFFFF640  }
.LBB2_4:
0x33: {  	s25 =	sadd.s32 $0x9C00, s25;
	s3 =	rddreg [dreg:$0x10]  }
0x34: {  	[spmem:s3], [sflag:s14] =	dma.local [hbm:s25], $0x40  }
0x35: {  	_ =	swait.ge [sflag:s17], $0x40  }
0x36: {  	[sflag:s17] =	ssyncset.done $0x0  }
0x37: {  	[sflag:s17] =	ssyncadd.s32 $0xFFFFFFC0  }
.LBB2_5:
0x38: {  	s14 =	simm.s32 $0x0;
	s3 =	rddreg [dreg:$0x8]  }
0x39: {  	[tilespmem:s14], [sflag:$0x11] =	stream.linear.gather [hbm4b:s3+s14], $0x2800, $0x38;
	[tilespmem:$0x11B20] =	vst v63  }
0x3a: {  	_ =	swait.ge [sflag:s17], $0x2800  }
0x3b: {  	[sflag:s17] =	ssyncset.done $0x0  }
0x3c: {  	s25 =	simm.s32 $0x2800;
	s3 =	rddreg [dreg:$0x9];
	[sflag:s17] =	ssyncadd.s32 $0xFFFFD800  }
0x3d: {  	[tilespmem:s25], [sflag:$0x11] =	stream.linear.gather [hbm4b:s3+s14], $0x2800, $0x38;
	[tilespmem:$0x11B20] =	vst v63  }
0x3e: {  	_ =	swait.ge [sflag:s17], $0x2800  }
0x3f: {  	[sflag:s17] =	ssyncset.done $0x0  }
0x40: {  	[sflag:s17] =	ssyncadd.s32 $0xFFFFD800  }
0x41: {  	[bflag:$0x0] =	sbarrier.arrive $0xFFFF  }
0x42: {  	[tilespmem:s21], [sflag:$0x1] =	stream.indirect.gather [hbm4b:s4+s20], $0x20, s14, s20, $0xb8;
	[tilespmem:$0x11B20] =	vst v63  }
0x43: {  	s14 =	simm.s32 $0x80  }
0x44: {  	[tilespmem:s23], [sflag:$0x2] =	stream.indirect.gather [hbm4b:s4+s20], $0x20, s14, s20, $0xb8;
	[tilespmem:$0x11B20] =	vst v63  }
0x45: {  	s25 =	simm.s32 $0x100  }
0x46: {  	[tilespmem:s26], [sflag:$0x3] =	stream.indirect.gather [hbm4b:s4+s20], $0x20, s25, s20, $0xb8;
	[tilespmem:$0x11B20] =	vst v63  }
0x47: {  	s14 =	simm.s32 $0x180  }
0x48: {  	[tilespmem:s29], [sflag:$0x4] =	stream.indirect.gather [hbm4b:s4+s20], $0x20, s14, s20, $0xb8;
	[tilespmem:$0x11B20] =	vst v63  }
0x49: {  	s25 =	simm.s32 $0x200  }
0x4a: {  	[tilespmem:s31], [sflag:$0x5] =	stream.indirect.gather [hbm4b:s4+s20], $0x20, s25, s20, $0xb8;
	[tilespmem:$0x11B20] =	vst v63  }
0x4b: {  	s14 =	simm.s32 $0x280  }
0x4c: {  	[tilespmem:s0], [sflag:$0x6] =	stream.indirect.gather [hbm4b:s4+s20], $0x20, s14, s20, $0xb8;
	[tilespmem:$0x11B20] =	vst v63  }
0x4d: {  	s25 =	simm.s32 $0x300  }
0x4e: {  	[tilespmem:s8], [sflag:$0x7] =	stream.indirect.gather [hbm4b:s4+s20], $0x20, s25, s20, $0xb8;
	[tilespmem:$0x11B20] =	vst v63  }
0x4f: {  	s14 =	simm.s32 $0x380  }
0x50: {  	[tilespmem:s22], [sflag:$0x8] =	stream.indirect.gather [hbm4b:s4+s20], $0x20, s14, s20, $0xb8;
	[tilespmem:$0x11B20] =	vst v63  }
0x51: {  	_ =	swait.ge [sflag:s24], $0xFA0  }
0x52: {  	[sflag:s24] =	ssyncset.done $0x0  }
0x53: {  	s25 =	simm.s32 $0x2800;
	[sflag:s24] =	ssyncadd.s32 $0xFFFFF060  }
0x54: {  	[spmem:s2] =	stream.indirect.scatter.add.f32 [tilespmem:s21], [sflag:$0x9], $0x20, s25, s20, $0xb8;
	[tilespmem:$0x11B20] =	vst v63  }
0x55: {  	_ =	swait.ge [sflag:s28], $0xFA0  }
0x56: {  	[sflag:s28] =	ssyncset.done $0x0  }
0x57: {  	s3 =	simm.s32 $0x2880;
	[sflag:s28] =	ssyncadd.s32 $0xFFFFF060  }
0x58: {  	[spmem:s2] =	stream.indirect.scatter.add.f32 [tilespmem:s23], [sflag:$0xA], $0x20, s3, s20, $0xb8;
	[tilespmem:$0x11B20] =	vst v63  }
0x59: {  	_ =	swait.ge [sflag:s30], $0xFA0  }
0x5a: {  	[sflag:s30] =	ssyncset.done $0x0  }
0x5b: {  	s25 =	simm.s32 $0x2900;
	[sflag:s30] =	ssyncadd.s32 $0xFFFFF060  }
0x5c: {  	[spmem:s2] =	stream.indirect.scatter.add.f32 [tilespmem:s26], [sflag:$0xB], $0x20, s25, s20, $0xb8;
	[tilespmem:$0x11B20] =	vst v63  }
0x5d: {  	_ =	swait.ge [sflag:s18], $0xFA0  }
0x5e: {  	[sflag:s18] =	ssyncset.done $0x0  }
0x5f: {  	s3 =	simm.s32 $0x2980;
	[sflag:s18] =	ssyncadd.s32 $0xFFFFF060  }
0x60: {  	[spmem:s2] =	stream.indirect.scatter.add.f32 [tilespmem:s29], [sflag:$0xC], $0x20, s3, s20, $0xb8;
	[tilespmem:$0x11B20] =	vst v63  }
0x61: {  	_ =	swait.ge [sflag:s5], $0xFA0  }
0x62: {  	[sflag:s5] =	ssyncset.done $0x0  }
0x63: {  	s25 =	simm.s32 $0x2A00;
	[sflag:s5] =	ssyncadd.s32 $0xFFFFF060  }
0x64: {  	[spmem:s2] =	stream.indirect.scatter.add.f32 [tilespmem:s31], [sflag:$0xD], $0x20, s25, s20, $0xb8;
	[tilespmem:$0x11B20] =	vst v63  }
0x65: {  	_ =	swait.ge [sflag:s1], $0xFA0  }
0x66: {  	[sflag:s1] =	ssyncset.done $0x0  }
0x67: {  	s3 =	simm.s32 $0x2A80;
	[sflag:s1] =	ssyncadd.s32 $0xFFFFF060  }
0x68: {  	[spmem:s2] =	stream.indirect.scatter.add.f32 [tilespmem:s0], [sflag:$0xE], $0x20, s3, s20, $0xb8;
	[tilespmem:$0x11B20] =	vst v63  }
0x69: {  	_ =	swait.ge [sflag:s6], $0xFA0  }
0x6a: {  	[sflag:s6] =	ssyncset.done $0x0  }
0x6b: {  	s25 =	simm.s32 $0x2B00;
	[sflag:s6] =	ssyncadd.s32 $0xFFFFF060  }
0x6c: {  	[spmem:s2] =	stream.indirect.scatter.add.f32 [tilespmem:s8], [sflag:$0xF], $0x20, s25, s20, $0xb8;
	[tilespmem:$0x11B20] =	vst v63  }
0x6d: {  	_ =	swait.ge [sflag:s19], $0xFA0  }
0x6e: {  	[sflag:s19] =	ssyncset.done $0x0  }
0x6f: {  	s3 =	simm.s32 $0x2B80;
	[sflag:s19] =	ssyncadd.s32 $0xFFFFF060  }
0x70: {  	[spmem:s2] =	stream.indirect.scatter.add.f32 [tilespmem:s22], [sflag:$0x10], $0x20, s3, s20, $0xb8;
	[tilespmem:$0x11B20] =	vst v63  }
0x71: {  	_ =	swait.ge [sflag:s9], $0xFA0  }
0x72: {  	[sflag:s9] =	ssyncset.done $0x0  }
0x73: {  	s25 =	simm.s32 $0x400;
	[sflag:s9] =	ssyncadd.s32 $0xFFFFF060  }
0x74: {  	[tilespmem:s21], [sflag:$0x1] =	stream.indirect.gather [hbm4b:s4+s20], $0x20, s25, s20, $0xb8;
	[tilespmem:$0x11B20] =	vst v63  }
0x75: {  	_ =	swait.ge [sflag:s10], $0xFA0  }
0x76: {  	[sflag:s10] =	ssyncset.done $0x0  }
0x77: {  	s3 =	simm.s32 $0x480;
	[sflag:s10] =	ssyncadd.s32 $0xFFFFF060  }
0x78: {  	[tilespmem:s23], [sflag:$0x2] =	stream.indirect.gather [hbm4b:s4+s20], $0x20, s3, s20, $0xb8;
	[tilespmem:$0x11B20] =	vst v63  }
0x79: {  	_ =	swait.ge [sflag:s11], $0xFA0  }
0x7a: {  	[sflag:s11] =	ssyncset.done $0x0  }
0x7b: {  	s25 =	simm.s32 $0x500;
	[sflag:s11] =	ssyncadd.s32 $0xFFFFF060  }
0x7c: {  	[tilespmem:s26], [sflag:$0x3] =	stream.indirect.gather [hbm4b:s4+s20], $0x20, s25, s20, $0xb8;
	[tilespmem:$0x11B20] =	vst v63  }
0x7d: {  	_ =	swait.ge [sflag:s12], $0xFA0  }
0x7e: {  	[sflag:s12] =	ssyncset.done $0x0  }
0x7f: {  	s3 =	simm.s32 $0x580;
	[sflag:s12] =	ssyncadd.s32 $0xFFFFF060  }
0x80: {  	[tilespmem:s29], [sflag:$0x4] =	stream.indirect.gather [hbm4b:s4+s20], $0x20, s3, s20, $0xb8;
	[tilespmem:$0x11B20] =	vst v63  }
0x81: {  	_ =	swait.ge [sflag:s13], $0xFA0  }
0x82: {  	[sflag:s13] =	ssyncset.done $0x0  }
0x83: {  	s25 =	simm.s32 $0x600;
	[sflag:s13] =	ssyncadd.s32 $0xFFFFF060  }
0x84: {  	[tilespmem:s31], [sflag:$0x5] =	stream.indirect.gather [hbm4b:s4+s20], $0x20, s25, s20, $0xb8;
	[tilespmem:$0x11B20] =	vst v63  }
0x85: {  	_ =	swait.ge [sflag:s7], $0xFA0  }
0x86: {  	[sflag:s7] =	ssyncset.done $0x0  }
0x87: {  	s3 =	simm.s32 $0x680;
	[sflag:s7] =	ssyncadd.s32 $0xFFFFF060  }
0x88: {  	[tilespmem:s0], [sflag:$0x6] =	stream.indirect.gather [hbm4b:s4+s20], $0x20, s3, s20, $0xb8;
	[tilespmem:$0x11B20] =	vst v63  }
0x89: {  	_ =	swait.ge [sflag:s16], $0xFA0  }
0x8a: {  	[sflag:s16] =	ssyncset.done $0x0  }
0x8b: {  	s25 =	simm.s32 $0x700;
	[sflag:s16] =	ssyncadd.s32 $0xFFFFF060  }
0x8c: {  	[tilespmem:s8], [sflag:$0x7] =	stream.indirect.gather [hbm4b:s4+s20], $0x20, s25, s20, $0xb8;
	[tilespmem:$0x11B20] =	vst v63  }
0x8d: {  	_ =	swait.ge [sflag:s15], $0xFA0  }
0x8e: {  	[sflag:s15] =	ssyncset.done $0x0  }
0x8f: {  	s14 =	simm.s32 $0x780;
	s25 =	simm.s32 $0x1000;
	[sflag:s15] =	ssyncadd.s32 $0xFFFFF060  }
.LBB2_6:
0x90: {  	[tilespmem:s22], [sflag:$0x8] =	stream.indirect.gather [hbm4b:s4+s20], $0x20, s14, s20, $0xb8;
	[tilespmem:$0x11B20] =	vst v63  }
0x91: {  	s14 =	smov.u32 s25  }
0x92: {  	p3 =	sne.s32 s25, $0x8000;
	s25 =	sadd.s32 $0x1000, s25;
	_ =	swait.ge [sflag:s24], $0xFA0  }
0x93: {  	s14 =	sshra.s32 s14, $0x2;
	[sflag:s24] =	ssyncset.done $0x0  }
0x94: {  	s3 =	sadd.s32 $0x2800, s14;
	[sflag:s24] =	ssyncadd.s32 $0xFFFFF060  }
0x95: {  	[spmem:s2] =	stream.indirect.scatter.add.f32 [tilespmem:s21], [sflag:$0x9], $0x20, s3, s20, $0xb8;
	[tilespmem:$0x11B20] =	vst v63  }
0x96: {  	_ =	swait.ge [sflag:s28], $0xFA0  }
0x97: {  	[sflag:s28] =	ssyncset.done $0x0  }
0x98: {  	s3 =	sadd.s32 $0x2880, s14;
	[sflag:s28] =	ssyncadd.s32 $0xFFFFF060  }
0x99: {  	[spmem:s2] =	stream.indirect.scatter.add.f32 [tilespmem:s23], [sflag:$0xA], $0x20, s3, s20, $0xb8;
	[tilespmem:$0x11B20] =	vst v63  }
0x9a: {  	_ =	swait.ge [sflag:s30], $0xFA0  }
0x9b: {  	[sflag:s30] =	ssyncset.done $0x0  }
0x9c: {  	s3 =	sadd.s32 $0x2900, s14;
	[sflag:s30] =	ssyncadd.s32 $0xFFFFF060  }
0x9d: {  	[spmem:s2] =	stream.indirect.scatter.add.f32 [tilespmem:s26], [sflag:$0xB], $0x20, s3, s20, $0xb8;
	[tilespmem:$0x11B20] =	vst v63  }
0x9e: {  	_ =	swait.ge [sflag:s18], $0xFA0  }
0x9f: {  	[sflag:s18] =	ssyncset.done $0x0  }
0xa0: {  	s3 =	sadd.s32 $0x2980, s14;
	[sflag:s18] =	ssyncadd.s32 $0xFFFFF060  }
0xa1: {  	[spmem:s2] =	stream.indirect.scatter.add.f32 [tilespmem:s29], [sflag:$0xC], $0x20, s3, s20, $0xb8;
	[tilespmem:$0x11B20] =	vst v63  }
0xa2: {  	_ =	swait.ge [sflag:s5], $0xFA0  }
0xa3: {  	[sflag:s5] =	ssyncset.done $0x0  }
0xa4: {  	s3 =	sadd.s32 $0x2A00, s14;
	[sflag:s5] =	ssyncadd.s32 $0xFFFFF060  }
0xa5: {  	[spmem:s2] =	stream.indirect.scatter.add.f32 [tilespmem:s31], [sflag:$0xD], $0x20, s3, s20, $0xb8;
	[tilespmem:$0x11B20] =	vst v63  }
0xa6: {  	_ =	swait.ge [sflag:s1], $0xFA0  }
0xa7: {  	[sflag:s1] =	ssyncset.done $0x0  }
0xa8: {  	s3 =	sadd.s32 $0x2A80, s14;
	[sflag:s1] =	ssyncadd.s32 $0xFFFFF060  }
0xa9: {  	[spmem:s2] =	stream.indirect.scatter.add.f32 [tilespmem:s0], [sflag:$0xE], $0x20, s3, s20, $0xb8;
	[tilespmem:$0x11B20] =	vst v63  }
0xaa: {  	_ =	swait.ge [sflag:s6], $0xFA0  }
0xab: {  	[sflag:s6] =	ssyncset.done $0x0  }
0xac: {  	s3 =	sadd.s32 $0x2B00, s14;
	[sflag:s6] =	ssyncadd.s32 $0xFFFFF060  }
0xad: {  	[spmem:s2] =	stream.indirect.scatter.add.f32 [tilespmem:s8], [sflag:$0xF], $0x20, s3, s20, $0xb8;
	[tilespmem:$0x11B20] =	vst v63  }
0xae: {  	_ =	swait.ge [sflag:s19], $0xFA0  }
0xaf: {  	[sflag:s19] =	ssyncset.done $0x0  }
0xb0: {  	s3 =	sadd.s32 $0x2B80, s14;
	[sflag:s19] =	ssyncadd.s32 $0xFFFFF060  }
0xb1: {  	[spmem:s2] =	stream.indirect.scatter.add.f32 [tilespmem:s22], [sflag:$0x10], $0x20, s3, s20, $0xb8;
	[tilespmem:$0x11B20] =	vst v63  }
0xb2: {  	_ =	swait.ge [sflag:s9], $0xFA0  }
0xb3: {  	[sflag:s9] =	ssyncset.done $0x0  }
0xb4: {  	s3 =	sadd.s32 $0x400, s14;
	[sflag:s9] =	ssyncadd.s32 $0xFFFFF060  }
0xb5: {  	[tilespmem:s21], [sflag:$0x1] =	stream.indirect.gather [hbm4b:s4+s20], $0x20, s3, s20, $0xb8;
	[tilespmem:$0x11B20] =	vst v63  }
0xb6: {  	_ =	swait.ge [sflag:s10], $0xFA0  }
0xb7: {  	[sflag:s10] =	ssyncset.done $0x0  }
0xb8: {  	s3 =	sadd.s32 $0x480, s14;
	[sflag:s10] =	ssyncadd.s32 $0xFFFFF060  }
0xb9: {  	[tilespmem:s23], [sflag:$0x2] =	stream.indirect.gather [hbm4b:s4+s20], $0x20, s3, s20, $0xb8;
	[tilespmem:$0x11B20] =	vst v63  }
0xba: {  	_ =	swait.ge [sflag:s11], $0xFA0  }
0xbb: {  	[sflag:s11] =	ssyncset.done $0x0  }
0xbc: {  	s3 =	sadd.s32 $0x500, s14;
	[sflag:s11] =	ssyncadd.s32 $0xFFFFF060  }
0xbd: {  	[tilespmem:s26], [sflag:$0x3] =	stream.indirect.gather [hbm4b:s4+s20], $0x20, s3, s20, $0xb8;
	[tilespmem:$0x11B20] =	vst v63  }
0xbe: {  	_ =	swait.ge [sflag:s12], $0xFA0  }
0xbf: {  	[sflag:s12] =	ssyncset.done $0x0  }
0xc0: {  	s3 =	sadd.s32 $0x580, s14;
	[sflag:s12] =	ssyncadd.s32 $0xFFFFF060  }
0xc1: {  	[tilespmem:s29], [sflag:$0x4] =	stream.indirect.gather [hbm4b:s4+s20], $0x20, s3, s20, $0xb8;
	[tilespmem:$0x11B20] =	vst v63  }
0xc2: {  	_ =	swait.ge [sflag:s13], $0xFA0  }
0xc3: {  	[sflag:s13] =	ssyncset.done $0x0  }
0xc4: {  	s3 =	sadd.s32 $0x600, s14;
	[sflag:s13] =	ssyncadd.s32 $0xFFFFF060  }
0xc5: {  	[tilespmem:s31], [sflag:$0x5] =	stream.indirect.gather [hbm4b:s4+s20], $0x20, s3, s20, $0xb8;
	[tilespmem:$0x11B20] =	vst v63  }
0xc6: {  	_ =	swait.ge [sflag:s7], $0xFA0  }
0xc7: {  	[sflag:s7] =	ssyncset.done $0x0  }
0xc8: {  	s3 =	sadd.s32 $0x680, s14;
	[sflag:s7] =	ssyncadd.s32 $0xFFFFF060  }
0xc9: {  	[tilespmem:s0], [sflag:$0x6] =	stream.indirect.gather [hbm4b:s4+s20], $0x20, s3, s20, $0xb8;
	[tilespmem:$0x11B20] =	vst v63  }
0xca: {  	_ =	swait.ge [sflag:s16], $0xFA0  }
0xcb: {  	[sflag:s16] =	ssyncset.done $0x0  }
.Ltmp4:
0xcc: {  	s3 =	sadd.s32 $0x700, s14;
	[sflag:s16] =	ssyncadd.s32 $0xFFFFF060;
	(pc) =	sbr.rel @p3 .LBB2_6-.Ltmp4, $4  }
0xcd: {  	[tilespmem:s8], [sflag:$0x7] =	stream.indirect.gather [hbm4b:s4+s20], $0x20, s3, s20, $0xb8;
	[tilespmem:$0x11B20] =	vst v63  }
0xce: {  	_ =	swait.ge [sflag:s15], $0xFA0  }
0xcf: {  	[sflag:s15] =	ssyncset.done $0x0  }
0xd0: {  	s14 =	sadd.s32 $0x780, s14;
	[sflag:s15] =	ssyncadd.s32 $0xFFFFF060  }
0xd1: {  	[tilespmem:s22], [sflag:$0x8] =	stream.indirect.gather [hbm4b:s4+s20], $0x20, s14, s20, $0xb8;
	[tilespmem:$0x11B20] =	vst v63  }
0xd2: {  	_ =	swait.ge [sflag:s24], $0xFA0  }
0xd3: {  	[sflag:s24] =	ssyncset.done $0x0  }
0xd4: {  	s3 =	simm.s32 $0x4C00;
	[sflag:s24] =	ssyncadd.s32 $0xFFFFF060  }
0xd5: {  	[spmem:s2] =	stream.indirect.scatter.add.f32 [tilespmem:s21], [sflag:$0x9], $0x20, s3, s20, $0xb8;
	[tilespmem:$0x11B20] =	vst v63  }
0xd6: {  	_ =	swait.ge [sflag:s28], $0xFA0  }
0xd7: {  	[sflag:s28] =	ssyncset.done $0x0  }
0xd8: {  	s21 =	simm.s32 $0x4C80;
	[sflag:s28] =	ssyncadd.s32 $0xFFFFF060  }
0xd9: {  	[spmem:s2] =	stream.indirect.scatter.add.f32 [tilespmem:s23], [sflag:$0xA], $0x20, s21, s20, $0xb8;
	[tilespmem:$0x11B20] =	vst v63  }
0xda: {  	_ =	swait.ge [sflag:s30], $0xFA0  }
0xdb: {  	[sflag:s30] =	ssyncset.done $0x0  }
0xdc: {  	s23 =	simm.s32 $0x4D00;
	[sflag:s30] =	ssyncadd.s32 $0xFFFFF060  }
0xdd: {  	[spmem:s2] =	stream.indirect.scatter.add.f32 [tilespmem:s26], [sflag:$0xB], $0x20, s23, s20, $0xb8;
	[tilespmem:$0x11B20] =	vst v63  }
0xde: {  	_ =	swait.ge [sflag:s18], $0xFA0  }
0xdf: {  	[sflag:s18] =	ssyncset.done $0x0  }
0xe0: {  	s25 =	simm.s32 $0x4D80;
	[sflag:s18] =	ssyncadd.s32 $0xFFFFF060  }
0xe1: {  	[spmem:s2] =	stream.indirect.scatter.add.f32 [tilespmem:s29], [sflag:$0xC], $0x20, s25, s20, $0xb8;
	[tilespmem:$0x11B20] =	vst v63  }
0xe2: {  	_ =	swait.ge [sflag:s5], $0xFA0  }
0xe3: {  	[sflag:s5] =	ssyncset.done $0x0  }
0xe4: {  	s14 =	simm.s32 $0x4E00;
	[sflag:s5] =	ssyncadd.s32 $0xFFFFF060  }
0xe5: {  	[spmem:s2] =	stream.indirect.scatter.add.f32 [tilespmem:s31], [sflag:$0xD], $0x20, s14, s20, $0xb8;
	[tilespmem:$0x11B20] =	vst v63  }
0xe6: {  	_ =	swait.ge [sflag:s1], $0xFA0  }
0xe7: {  	[sflag:s1] =	ssyncset.done $0x0  }
0xe8: {  	s21 =	simm.s32 $0x4E80;
	[sflag:s1] =	ssyncadd.s32 $0xFFFFF060  }
0xe9: {  	[spmem:s2] =	stream.indirect.scatter.add.f32 [tilespmem:s0], [sflag:$0xE], $0x20, s21, s20, $0xb8;
	[tilespmem:$0x11B20] =	vst v63  }
0xea: {  	_ =	swait.ge [sflag:s6], $0xFA0  }
0xeb: {  	[sflag:s6] =	ssyncset.done $0x0  }
0xec: {  	s23 =	simm.s32 $0x4F00;
	[sflag:s6] =	ssyncadd.s32 $0xFFFFF060  }
0xed: {  	[spmem:s2] =	stream.indirect.scatter.add.f32 [tilespmem:s8], [sflag:$0xF], $0x20, s23, s20, $0xb8;
	[tilespmem:$0x11B20] =	vst v63  }
0xee: {  	_ =	swait.ge [sflag:s19], $0xFA0  }
0xef: {  	[sflag:s19] =	ssyncset.done $0x0  }
0xf0: {  	s25 =	simm.s32 $0x4F80;
	[sflag:s19] =	ssyncadd.s32 $0xFFFFF060  }
0xf1: {  	[spmem:s2] =	stream.indirect.scatter.add.f32 [tilespmem:s22], [sflag:$0x10], $0x20, s25, s20, $0xb8;
	[tilespmem:$0x11B20] =	vst v63  }
0xf2: {  	_ =	swait.ge [sflag:s9], $0xFA0  }
0xf3: {  	[sflag:s9] =	ssyncset.done $0x0  }
0xf4: {  	[sflag:s9] =	ssyncadd.s32 $0xFFFFF060  }
0xf5: {  	_ =	swait.ge [sflag:s10], $0xFA0  }
0xf6: {  	[sflag:s10] =	ssyncset.done $0x0  }
0xf7: {  	[sflag:s10] =	ssyncadd.s32 $0xFFFFF060  }
0xf8: {  	_ =	swait.ge [sflag:s11], $0xFA0  }
0xf9: {  	[sflag:s11] =	ssyncset.done $0x0  }
0xfa: {  	[sflag:s11] =	ssyncadd.s32 $0xFFFFF060  }
0xfb: {  	_ =	swait.ge [sflag:s12], $0xFA0  }
0xfc: {  	[sflag:s12] =	ssyncset.done $0x0  }
0xfd: {  	[sflag:s12] =	ssyncadd.s32 $0xFFFFF060  }
0xfe: {  	_ =	swait.ge [sflag:s13], $0xFA0  }
0xff: {  	[sflag:s13] =	ssyncset.done $0x0  }
0x100: {  	[sflag:s13] =	ssyncadd.s32 $0xFFFFF060  }
0x101: {  	_ =	swait.ge [sflag:s7], $0xFA0  }
0x102: {  	[sflag:s7] =	ssyncset.done $0x0  }
0x103: {  	[sflag:s7] =	ssyncadd.s32 $0xFFFFF060  }
0x104: {  	_ =	swait.ge [sflag:s16], $0xFA0  }
0x105: {  	[sflag:s16] =	ssyncset.done $0x0  }
0x106: {  	[sflag:s16] =	ssyncadd.s32 $0xFFFFF060  }
0x107: {  	_ =	swait.ge [sflag:s15], $0xFA0  }
0x108: {  	[sflag:s15] =	ssyncset.done $0x0  }
0x109: {  	[sflag:s15] =	ssyncadd.s32 $0xFFFFF060  }
0x10a: {  	[bflag:$0x0] =	sbarrier.arrive $0xFFFF  }
0x10b: {  	s14 =	rddreg [dreg:$0xd]  }
0x10c: {  	s21 =	rddreg [dreg:$0xa]  }
0x10d: {  	s25 =	rddreg [dreg:$0x11];
	s3 =	sor.u32 $0x1C11, s14  }
0x10e: {  	[dreg:$0x13] =	wrdreg s3  }
0x10f: {  	[hbm:s21@s15], [sflag:s3] =	dma.strided [spmem:s25@s18], $0x9C0, s24, $0x4   }
0x110: {  	_ =	swait.ge [sflag:s17], $0x9C0  }
0x111: {  	s14 =	rddreg [dreg:$0x6]  }
0x112: {  	[sflag:s17] =	ssyncset.done $0x0;
	s21 =	rddreg [dreg:$0x13]  }
0x113: {  	[sflag:s17] =	ssyncadd.s32 $0xFFFFF640;
	s14 =	sshrl.u32 @!p2 s14, $0x3;
	s17 =	rddreg [dreg:$0xb]  }
0x114: {  	s23 =	simm.s32 @!p2 $0x10;
	[dreg:$0x12] =	wrdreg s14  }
0x115: {  	s25 =	simm.s32 @!p2 $0x4;
	s14 =	simm.s32 @!p2 $0x1;
	s3 =	rddreg [dreg:$0x12]  }
0x116: {  	[hbm:s17@s23], [sflag:s21] =	dma.strided @!p2 [spmem:s3@s25], $0x40, s14, $0x4   }
0x117: {  	s3 =	simm.s32 @!p2 $0x11  }
0x118: {  	_ =	swait.ge @!p2 [sflag:s3], $0x40  }
0x119: {  	s23 =	rddreg [dreg:$0x3]  }
0x11a: {  	s25 =	rddreg [dreg:$0xc];
	s14 =	sadd.s32 $0x1, s23  }
0x11b: {  	p3 =	sne.s32 s14, s25  }
.Ltmp5:
0x11c: {  	_ = 	snop;
	(pc) =	sbr.rel @p3 .LBB2_1-.Ltmp5, $3  }
0x11d: {  	_ =	sdelay $0x1  }
0x11e: {  	[sflag:s3] =	ssyncset.done @!p2 $0x0  }
0x11f: {  	[sflag:s3] =	ssyncadd.s32 @!p2 $0xFFFFFFC0  }
0x120: {  	_ =	sfence.sel $0x180000  }
0x121: {  	[bflag:$0x0] =	sbarrier.arrive $0xFFFF  }
0x122: {  	_ =	strace $0x9000004D  }
0x123: {  	s0 =	stileid.u32;
	[bflag:$0x2] =	sbarrier.arrive $0xFFFF  }
0x124: {  	p0 =	sne.s32 s0, $0x0;
	s0 =	rddreg [dreg:$0x2]  }
0x125: {  	s0 =	sadd.s32 @!p0 $0x100000, s0  }
0x126: {  	[sflag:s0] =	ssyncadd.tile.s32 @!p0 $0x1;
	_ =	shalt  }
.Lfunc_end2:
_tile_overlayer_lowered:
.L_overlay_start_2:
0x127: {  	(tag) =	ssettag $0x2  }
0x128: {  	s0 =	rddreg [dreg:$0x0];
	s2 =	stileid.u32  }
0x129: {  	s1 =	rddreg [dreg:$0x1];
	p0 =	sne.s32 s2, $0x0  }
0x12a: {  	s3 =	rddreg [dreg:$0x2];
	[bflag:$0x3] =	sbarrier.arrive $0xFFFF;
	s2 =	simm.s32 @!p0 $0x1C11  }
0x12b: {  	[timem:s3], [sflag:s2] =	dma.local @!p0 [hbm:s0], s1  }
0x12c: {  	s0 =	simm.s32 @!p0 $0x11  }
0x12d: {  	_ =	swait.ge @!p0 [sflag:s0], s1  }
0x12e: {  	s1 =	ssub.s32 @!p0 $0x0, s1;
	[sflag:s0] =	ssyncset.done @!p0 $0x0  }
0x12f: {  	[sflag:s0] =	ssyncadd.s32 @!p0 s1  }
0x130: {  	[bflag:$0x3] =	sbarrier.arrive $0xFFFF  }
0x131: {  	_ =	shalt  }

// kernel: _run.9.cloned.1.call-start
scs
__scs_entry_jumppad:
0x0: {  	(pc) =	sbr.rel $0x88, $3  }
0x1: {  	(tag) =	ssettag $0x0;
	lr =	simm.s32 $0x1  }
0x2: {  	[smem:$0x3F95] =	sst lr;
	_ =	strace $0xD0000000  }
0x3: {  	_ = 	snop  }
0x4: {  	_ = 	snop  }
0x5: {  	_ = 	snop  }
0x6: {  	_ = 	snop  }
0x7: {  	_ = 	snop  }
__scs_overlays_trampoline_lowered:
0x8: {  	[smem:$0x3FA4] =	sst s0  }
0x9: {  	[smem:$0x3FA5] =	sst s1  }
0xa: {  	[smem:$0x3FA6] =	sst s2  }
0xb: {  	[smem:$0x3FA7] =	sst s3  }
0xc: {  	[smem:$0x3FA8] =	sst s4  }
0xd: {  	[smem:$0x3FA9] =	sst s5  }
0xe: {  	[smem:$0x3FAA] =	sst s6  }
0xf: {  	[smem:$0x3FAB] =	sst s7  }
0x10: {  	[smem:$0x3FAC] =	sst s8  }
0x11: {  	[smem:$0x3FAD] =	sst s9;
	s0 =	simm.s32 @!p0 $0x0  }
0x12: {  	s1 =	sld [smem:$0x3F93];
	s0 =	simm.s32 @p0 $0x1  }
0x13: {  	[smem:$0x3FAE] =	sst s0;
	s0 =	simm.s32 @!p1 $0x0  }
0x14: {  	s2 =	sld [smem:$0x3F92];
	s0 =	simm.s32 @p1 $0x1  }
0x15: {  	[smem:$0x3FAF] =	sst s0;
	s0 =	simm.s32 @!p2 $0x0  }
0x16: {  	s3 =	sld [smem:$0x3FDB];
	s0 =	simm.s32 @p2 $0x1  }
0x17: {  	s4 =	simm.s32 $0x1BF5;
	[smem:$0x3FB1] =	sst s0  }
0x18: {  	s0 =	sld [smem:$0x3F94];
	_ =	swait.ge [sflag:s4], $0x0  }
0x19: {  	s7 =	sld [smem:$0x3F95]  }
0x1a: {  	s8 =	sadd.s32 $0xFFFFE003, lr  }
0x1b: {  	s9 =	sadd.s32 $0xFFFFFEF7, lr;
	s5 =	simm.s32 $0xFFFFFFFF;
	p2 =	slt.u32 s8, $0xFFFFF086  }
0x1c: {  	p1 =	slt.u32 s9, $0xF7A;
	s5 =	simm.s32 @!p2 $0x0  }
0x1d: {  	s5 =	simm.s32 @p1 $0x1;
	p0 =	seq.s32 s7, s2  }
0x1e: {  	s7 =	smul.u32 @!p0 $0xF7A, s2;
	p2 =	seq.s32 @!p0 s5, $0x0  }
0x1f: {  	s9 =	smul.u32 $0xF7A, s1;
	s8 =	simm.s32 @!p0 $0x1BF5;
	p2 =	por !p2, p0  }
0x20: {  	[sflag:s8] =	ssyncset.s32 @!p0 $0xFFFFF086;
	s6 =	sadd.s32 @!p0 s3, s7;
	s7 =	simm.s32 @!p0 $0x108  }
0x21: {  	s3 =	sadd.s32 s3, s9;
	s6 =	sadd.s32 @!p0 $0x88, s6;
	s7 =	simm.s32 @p2 $0x1082  }
0x22: {  	[simem:s7], [sflag:s8] =	dma.local @!p0 [hbm:s6], $0xF7A  }
0x23: {  	s9 =	sor.u32 $0xD0000000, s2;
	s6 =	simm.s32 $0x108;
	_ =	swait.ge @!p0 [sflag:s8], $0x0  }
0x24: {  	s3 =	sadd.s32 $0x88, s3;
	s6 =	simm.s32 @!p1 $0x1082;
	[sflag:s4] =	ssyncset.s32 $0xFFFFF086  }
0x25: {  	[simem:s6], [sflag:s4] =	dma.local [hbm:s3], $0xF7A  }
0x26: {  	[smem:$0x3F95] =	sst s1;
	(tag) =	ssettag s2;
	_ =	strace s9  }
0x27: {  	s1 =	sld [smem:$0x3FA5]  }
0x28: {  	s2 =	sld [smem:$0x3FA6]  }
0x29: {  	s4 =	sld [smem:$0x3FA8]  }
0x2a: {  	p0 =	seq.s32 s5, $0x0;
	s5 =	sld [smem:$0x3FA9]  }
0x2b: {  	s6 =	sld [smem:$0x3FAA]  }
0x2c: {  	s7 =	sld [smem:$0x3FAB]  }
0x2d: {  	s3 =	simm.s32 $0x108;
	s8 =	sld [smem:$0x3FAC]  }
0x2e: {  	s3 =	simm.s32 @!p0 $0x1082;
	s9 =	sld [smem:$0x3FAD]  }
0x2f: {  	lr =	sadd.s32 s0, s3;
	s0 =	sld [smem:$0x3FA4]  }
0x30: {  	s3 =	sld [smem:$0x3FA7]  }
0x31: {  	[smem:$0x3FB0] =	sst s10  }
0x32: {  	s10 =	sld [smem:$0x3FAE];
	_ =	sdelay $0x3  }
0x33: {  	p0 =	seq.s32 s10, $0x1;
	s10 =	sld [smem:$0x3FB0];
	_ =	sdelay $0x3  }
0x34: {  	[smem:$0x3FB0] =	sst s10  }
0x35: {  	s10 =	sld [smem:$0x3FAF];
	_ =	sdelay $0x3  }
0x36: {  	p1 =	seq.s32 s10, $0x1;
	s10 =	sld [smem:$0x3FB0];
	_ =	sdelay $0x3  }
0x37: {  	[smem:$0x3FB0] =	sst s10  }
0x38: {  	s10 =	sld [smem:$0x3FB1]  }
0x39: {  	_ = 	snop;
	(pc) =	sbr.ind lr, $3  }
0x3a: {  	_ = 	snop  }
0x3b: {  	_ = 	snop  }
0x3c: {  	p2 =	seq.s32 s10, $0x1;
	s10 =	sld [smem:$0x3FB0]  }
0x3d: {  	_ =	shalt  }
0x3e: {  	_ =	shalt  }
0x3f: {  	_ =	shalt  }
0x40: {  	_ =	shalt  }
0x41: {  	_ =	shalt  }
0x42: {  	_ =	shalt  }
0x43: {  	_ =	shalt  }
0x44: {  	_ =	shalt  }
0x45: {  	_ =	shalt  }
0x46: {  	_ =	shalt  }
0x47: {  	_ =	shalt  }
0x48: {  	_ =	shalt  }
0x49: {  	_ =	shalt  }
0x4a: {  	_ =	shalt  }
0x4b: {  	_ =	shalt  }
0x4c: {  	_ =	shalt  }
0x4d: {  	_ =	shalt  }
0x4e: {  	_ =	shalt  }
0x4f: {  	_ =	shalt  }
0x50: {  	_ =	shalt  }
0x51: {  	_ =	shalt  }
0x52: {  	_ =	shalt  }
0x53: {  	_ =	shalt  }
0x54: {  	_ =	shalt  }
0x55: {  	_ =	shalt  }
0x56: {  	_ =	shalt  }
0x57: {  	_ =	shalt  }
0x58: {  	_ =	shalt  }
0x59: {  	_ =	shalt  }
0x5a: {  	_ =	shalt  }
0x5b: {  	_ =	shalt  }
0x5c: {  	_ =	shalt  }
0x5d: {  	_ =	shalt  }
0x5e: {  	_ =	shalt  }
0x5f: {  	_ =	shalt  }
0x60: {  	_ =	shalt  }
0x61: {  	_ =	shalt  }
0x62: {  	_ =	shalt  }
0x63: {  	_ =	shalt  }
0x64: {  	_ =	shalt  }
0x65: {  	_ =	shalt  }
0x66: {  	_ =	shalt  }
0x67: {  	_ =	shalt  }
0x68: {  	_ =	shalt  }
0x69: {  	_ =	shalt  }
0x6a: {  	_ =	shalt  }
0x6b: {  	_ =	shalt  }
0x6c: {  	_ =	shalt  }
0x6d: {  	_ =	shalt  }
0x6e: {  	_ =	shalt  }
0x6f: {  	_ =	shalt  }
0x70: {  	_ =	shalt  }
0x71: {  	_ =	shalt  }
0x72: {  	_ =	shalt  }
0x73: {  	_ =	shalt  }
0x74: {  	_ =	shalt  }
0x75: {  	_ =	shalt  }
0x76: {  	_ =	shalt  }
0x77: {  	_ =	shalt  }
0x78: {  	_ =	shalt  }
0x79: {  	_ =	shalt  }
0x7a: {  	_ =	shalt  }
0x7b: {  	_ =	shalt  }
0x7c: {  	_ =	shalt  }
0x7d: {  	_ =	shalt  }
0x7e: {  	_ =	shalt  }
0x7f: {  	_ =	shalt  }
0x80: {  	_ =	shalt  }
0x81: {  	_ =	shalt  }
0x82: {  	_ =	shalt  }
0x83: {  	_ =	shalt  }
0x84: {  	_ =	shalt  }
0x85: {  	_ =	shalt  }
0x86: {  	_ =	shalt  }
0x87: {  	_ =	shalt  }
.Lfunc_end0:
.L_simem_size_0:
called_computation_lowered:
.L_overlay_start_0:
0x88: {  	s2 =	sld [smem:$0x3FD9]  }
0x89: {  	s3 =	sld [smem:$0x3FFE];
	_ =	sdelay $0x1  }
0x8a: {  	s1 =	srdreg.scid  }
0x8b: {  	s0 =	sand.u32 $0x1, s1  }
0x8c: {  	s17 =	sshll.u32 s0, $0xA;
	s2 =	sadd.s32 s3, s2  }
0x8d: {  	s2 =	sadd.s32 s2, s17  }
0x8e: {  	[smem:$0x3FBC] =	sst s2  }
0x8f: {  	_ = 	snop  }
0x90: {  	s2 =	sld [smem:$0x3FD0];
	(tm) =	ssettm $0x1  }
0x91: {  	s18 =	sld [smem:$0x3FFB];
	_ =	sdelay $0x3  }
0x92: {  	_ =	strace s18  }
0x93: {  	s3 =	sld [smem:$0x3FFC];
	_ =	sdelay $0x3  }
0x94: {  	_ =	strace s3  }
0x95: {  	s3 =	sld [smem:$0x3FFD];
	_ =	sdelay $0x3  }
0x96: {  	_ =	strace s3  }
0x97: {  	_ =	strace $0x8FFFFFFF  }
0x98: {  	s19 =	sld [smem:$0x3FDB];
	_ =	sdelay $0x1  }
0x99: {  	s4 =	simm.s32 $_scs_section_size  }
0x9a: {  	s5 =	simm.s32 $_size__tile_overlayer_lowered;
	s6 =	simm.s32 $_tile_overlayer_lowered  }
0x9b: {  	s22 =	simm.s32 $0x1BFF;
	s21 =	sshll.u32 s6, $0x1;
	s3 =	sadd.s32 s4, s19  }
0x9c: {  	s7 =	simm.s32 $0x0;
	s20 =	sshll.u32 s5, $0x1;
	s5 =	sadd.s32 s21, s3  }
0x9d: {  	[timem:s7], [sflag:s22] =	dma.local [hbm:s5], s20  }
0x9e: {  	_ =	swait.ge [sflag:s22], s20  }
0x9f: {  	s4 =	ssub.s32 $0x0, s20;
	[sflag:s22] =	ssyncset.done $0x0  }
0xa0: {  	[sflag:s22] =	ssyncadd.s32 s4;
	_ =	sdelay $0x1  }
0xa1: {  	s23 =	simm.s32 $0x1B8B  }
0xa2: {  	_ =	swait.ge [sflag:s23], $0x1  }
0xa3: {  	[sflag:s23] =	ssyncset.done $0x0  }
0xa4: {  	s25 =	simm.s32 $0x1B8E;
	s24 =	sld [smem:$0x3FFE];
	[sflag:s23] =	ssyncadd.s32 $0xFFFFFFFF  }
0xa5: {  	s26 =	simm.s32 $execute0_lowered;
	[smem:$0x3FD2] =	sst s25  }
0xa6: {  	s5 =	sshll.u32 s26, $0x1;
	_ =	strace $0x80000046;
	[dreg:$0x1] =	wrdreg $0xFFFFFFFF  }
0xa7: {  	s28 =	simm.s32 $_size_execute0_lowered;
	s3 =	sadd.s32 s3, s5;
	[dreg:$0x0] =	wrdreg $0x0  }
0xa8: {  	s5 =	sshll.u32 s28, $0x1;
	[dreg:$0x2] =	wrdreg s3  }
0xa9: {  	[dreg:$0x3] =	wrdreg s5  }
0xaa: {  	[dreg:$0x4] =	wrdreg $0xC0  }
0xab: {  	_ =	task [dreg:s7], $0x5FFFF  }
0xac: {  	[dreg:$0x1] =	wrdreg $0xFFFFFFFF  }
0xad: {  	[dreg:$0x0] =	wrdreg $0x60  }
0xae: {  	[dreg:$0x2] =	wrdreg s24  }
0xaf: {  	[dreg:$0x3] =	wrdreg s2  }
0xb0: {  	[dreg:$0x4] =	wrdreg $0x2BE80  }
0xb1: {  	[dreg:$0x5] =	wrdreg $0x9  }
0xb2: {  	_ =	task.clear_ibuf [dreg:s7], $0x6FFFF;
	_ =	strace $0x90000046  }
0xb3: {  	s29 =	simm.s32 $0x9;
	_ =	strace $0x80000048  }
0xb4: {  	_ =	swait.ge [sflag:s29], $0x1  }
0xb5: {  	[sflag:s29] =	ssyncadd.s32 $0xFFFFFFFF  }
0xb6: {  	_ =	strace $0x90000048  }
0xb7: {  	_ =	sfence  }
0xb8: {  	s30 =	sld [smem:$0x0];
	_ =	sdelay $0x2  }
0xb9: {  	s31 =	sshll.u32 s1, $0xD;
	s1 =	sshrl.u32 s1, $0x2  }
0xba: {  	s3 =	sand.u32 $0x4000, s31;
	s1 =	sadd.s32 s1, s30  }
0xbb: {  	s0 =	sor.u32 s3, s0;
	s1 =	sshll.u32 s1, $0x11  }
0xbc: {  	s0 =	sor.u32 s1, s0  }
0xbd: {  	s0 =	sadd.s32 $0x8F2B, s0  }
0xbe: {  	[sflag:s0] =	ssyncadd.remote.s32 $0x1  }
0xbf: {  	_ =	sfence.sel $0xFFFF  }
0xc0: {  	[dreg:$0x0] =	wrdreg $0xFFFFFFFF;
	(pc) =	sbr.abs _section_cstart, $3  }
0xc1: {  	[dreg:$0x1] =	wrdreg $0xFFFFFFFF  }
0xc2: {  	_ =	task.clear_ibuf [dreg:s7], $0x2FFFF;
	_ =	strace $0x9FFFFFFF  }
0xc3: {  	(tm) =	ssettm $0x7FFFFFFF  }
tec
execute0_lowered:
.L_overlay_start_1:
0x0: {  	(tag) =	ssettag $0x1  }
0x1: {  	s8 =	rddreg [dreg:$0x0]  }
0x2: {  	s1 =	rddreg [dreg:$0x1]  }
0x3: {  	s3 =	rddreg [dreg:$0x2]  }
0x4: {  	s0 =	rddreg [dreg:$0x3];
	s4 =	simm.s32 $0x0  }
0x5: {  	s2 =	stileid.u32;
	s5 =	srdreg.scid;
	s16 =	simm.s32 $0x7D  }
0x6: {  	s17 =	simm.s32 $0x0;
	[smem:$0x7FF] =	sst s4;
	s9 =	smul.u32 $0x1380, s2  }
0x7: {  	s5 =	sand.u32 $0x1, s5;
	s10 =	sshll.u32 s2, $0x1;
	s12 =	sadd.s32 $0x19400, s8  }
0x8: {  	s30 =	sshll.u32 s2, $0x6;
	s15 =	sadd.s32 $0x13800, s3;
	p0 =	sne.s32 s2, $0xF  }
0x9: {  	_ =	strace $0x80000047;
	s7 =	ssub.s32 $0x2, s5;
	s10 =	sor.u32 s5, s10  }
0xa: {  	s14 =	smul.u32 $0x13880, s5;
	s6 =	sshrl.u32 s9, $0x3;
	s11 =	sshrl.u32 s7, $0x1  }
0xb: {  	s10 =	smul.u32 $0x2800, s10;
	s13 =	sadd.s32 s9, s3;
	s6 =	sadd.s32 s6, s8  }
0xc: {  	s11 =	ssub.s32 s7, s11;
	s7 =	sadd.s32 $0x19300, s8;
	s9 =	sadd.s32 s9, s14  }
0xd: {  	s31 =	sshrl.u32 s14, $0x3;
	s14 =	sshrl.u32 @!p0 s15, $0x3;
	s15 =	simm.s32 $0x2800  }
0xe: {  	s5 =	sadd.s32 $0x16C00, s6;
	s6 =	sor.u32 $0x1C01, s30;
	s10 =	sshrl.u32 s10, $0x3  }
0xf: {  	s9 =	sshrl.u32 s9, $0x3;
	s11 =	smax.u32 s11, $0x1;
	s8 =	sadd.s32 s8, s10  }
0x10: {  	s9 =	sadd.s32 s12, s9;
	s10 =	sadd.s32 s12, s31;
	s12 =	sshrl.u32 s13, $0x3  }
0x11: {  	s13 =	simm.s32 $0x1;
	s8 =	sadd.s32 $0xCC00, s8;
	s10 =	sadd.s32 $0x2700, s10  }
.LBB2_1:
0x12: {  	[spmem:s12], [sflag:s6] =	dma.local [hbm:s5], $0x270  }
0x13: {  	_ =	swait.ge [sflag:s13], $0x270  }
0x14: {  	[sflag:s13] =	ssyncset.done $0x0  }
0x15: {  	s18 =	simm.s32 @!p0 $0x1;
	[sflag:s13] =	ssyncadd.s32 $0xFFFFFD90  }
0x16: {  	[spmem:s14], [sflag:s6] =	dma.local @!p0 [hbm:s7], $0x10  }
0x17: {  	_ =	swait.ge @!p0 [sflag:s18], $0x10  }
0x18: {  	[sflag:s18] =	ssyncset.done @!p0 $0x0  }
0x19: {  	[sflag:s18] =	ssyncadd.s32 @!p0 $0xFFFFFFF0  }
0x1a: {  	[tilespmem:s15], [sflag:$0x1] =	stream.linear.gather [hbm4b:s1+s4], $0x3E8, $0x38;
	[tilespmem:$0x3F70] =	vst v63  }
0x1b: {  	_ =	swait.ge [sflag:s13], $0x3E8  }
0x1c: {  	[sflag:s13] =	ssyncset.done $0x0  }
0x1d: {  	[sflag:s13] =	ssyncadd.s32 $0xFFFFFC18  }
0x1e: {  	[tilespmem:s4], [sflag:$0x1] =	stream.linear.gather [hbm4b:s8+s4], $0x2800, $0x38;
	[tilespmem:$0x3F70] =	vst v63  }
0x1f: {  	_ =	swait.ge [sflag:s13], $0x2800  }
0x20: {  	[sflag:s13] =	ssyncset.done $0x0  }
0x21: {  	[sflag:s13] =	ssyncadd.s32 $0xFFFFD800  }
0x22: {  	s31 =	simm.s32 $0x0;
	[bflag:$0x0] =	sbarrier.arrive $0xFFFF  }
0x23: {  	[spmem:s3] =	stream.indirect.scatter.add.f32 [tilespmem:s15], [sflag:$0x1], $0x8, s31, s16, $0xb8;
	[tilespmem:$0x3F70] =	vst v63  }
0x24: {  	_ =	swait.ge [sflag:s13], $0x3E8  }
0x25: {  	s18 =	simm.s32 $0x200;
	[sflag:s13] =	ssyncset.done $0x0  }
.LBB2_2:
0x26: {  	s19 =	sshra.s32 s18, $0x2;
	[sflag:s13] =	ssyncadd.s32 $0xFFFFFC18;
	p1 =	sne.s32 s18, $0x9E00  }
0x27: {  	[spmem:s3] =	stream.indirect.scatter.add.f32 [tilespmem:s15], [sflag:$0x1], $0x8, s19, s16, $0xb8;
	[tilespmem:$0x3F70] =	vst v63  }
.Ltmp0:
0x28: {  	_ = 	snop;
	(pc) =	sbr.rel @p1 .LBB2_2-.Ltmp0, $4  }
0x29: {  	_ = 	snop  }
0x2a: {  	s18 =	sadd.s32 $0x200, s18  }
0x2b: {  	_ =	swait.ge [sflag:s13], $0x3E8  }
0x2c: {  	[sflag:s13] =	ssyncset.done $0x0  }
0x2d: {  	[sflag:s13] =	ssyncadd.s32 $0xFFFFFC18  }
0x2e: {  	[bflag:$0x0] =	sbarrier.arrive $0xFFFF  }
0x2f: {  	[hbm:s9], [sflag:s6] =	dma.local [spmem:s12], $0x270  }
0x30: {  	s17 =	sadd.s32 $0x1, s17;
	_ =	swait.ge [sflag:s13], $0x270  }
0x31: {  	p1 =	sne.s32 s17, s11;
	[sflag:s13] =	ssyncset.done $0x0  }
.Ltmp1:
0x32: {  	s18 =	simm.s32 @!p0 $0x1;
	[sflag:s13] =	ssyncadd.s32 $0xFFFFFD90;
	(pc) =	sbr.rel @p1 .LBB2_1-.Ltmp1, $4  }
0x33: {  	[hbm:s10], [sflag:s6] =	dma.local @!p0 [spmem:s14], $0x10  }
0x34: {  	_ =	swait.ge @!p0 [sflag:s18], $0x10  }
0x35: {  	[sflag:s18] =	ssyncset.done @!p0 $0x0  }
0x36: {  	[sflag:s18] =	ssyncadd.s32 @!p0 $0xFFFFFFF0  }
0x37: {  	_ =	sfence.sel $0x180000  }
0x38: {  	[bflag:$0x0] =	sbarrier.arrive $0xFFFF  }
0x39: {  	p0 =	sne.s32 s2, $0x0;
	_ =	strace $0x90000047  }
0x3a: {  	s0 =	sadd.s32 @!p0 $0x100000, s0;
	[bflag:$0x2] =	sbarrier.arrive $0xFFFF  }
0x3b: {  	[sflag:s0] =	ssyncadd.tile.s32 @!p0 $0x1;
	_ =	shalt  }
.Lfunc_end2:
_tile_overlayer_lowered:
.L_overlay_start_2:
0x3c: {  	(tag) =	ssettag $0x2  }
0x3d: {  	s0 =	rddreg [dreg:$0x0];
	s2 =	stileid.u32  }
0x3e: {  	s1 =	rddreg [dreg:$0x1];
	p0 =	sne.s32 s2, $0x0  }
0x3f: {  	s3 =	rddreg [dreg:$0x2];
	[bflag:$0x3] =	sbarrier.arrive $0xFFFF;
	s2 =	simm.s32 @!p0 $0x1C01  }
0x40: {  	[timem:s3], [sflag:s2] =	dma.local @!p0 [hbm:s0], s1  }
0x41: {  	s0 =	simm.s32 @!p0 $0x1  }
0x42: {  	_ =	swait.ge @!p0 [sflag:s0], s1  }
0x43: {  	s1 =	ssub.s32 @!p0 $0x0, s1;
	[sflag:s0] =	ssyncset.done @!p0 $0x0  }
0x44: {  	[sflag:s0] =	ssyncadd.s32 @!p0 s1  }
0x45: {  	[bflag:$0x3] =	sbarrier.arrive $0xFFFF  }
0x46: {  	_ =	shalt  }

</sc_bundles>
